<compile_context>
chip_gen: v7x
topology: tpu7x:2x2x1
jax: 0.10.2.dev20260603
libtpu: 0.0.44.dev20260713+nightly
codegen_flags: <defaults>
</compile_context>

<pallas_src>
import jax
import jax.numpy as jnp
from jax import lax
from jax.experimental import pallas as pl
from jax.experimental.pallas import tpu as pltpu
from jax.experimental.pallas import tpu_sc as plsc

T = 512
D = 1024
H = 512
E = 16
TILE = 128
NT = (T + E * (TILE - 1)) // TILE
TPAD = NT * TILE

NC, NS = 2, 16
NW = NC * NS
CHUNK = T // NW


def _route_body(x_ref, gw_ref, gb_ref, pos_ref, te_ref, nt_ref):
    x = x_ref[...]
    logits = jnp.dot(x, gw_ref[...], preferred_element_type=jnp.float32)
    logits = logits + gb_ref[...]
    spike = logits > 1.0
    eids = lax.broadcasted_iota(jnp.int32, (T, E), 1)
    eid = jnp.min(jnp.where(spike, eids, E), axis=1, keepdims=True)
    eid = jnp.where(eid == E, 0, eid)
    onehot = (eids == eid).astype(jnp.bfloat16)
    onehot_f = onehot.astype(jnp.float32)
    counts = jnp.sum(onehot_f, axis=0, keepdims=True)
    rr = lax.broadcasted_iota(jnp.int32, (T, T), 0)
    cc = lax.broadcasted_iota(jnp.int32, (T, T), 1)
    ltri = (cc < rr).astype(jnp.bfloat16)
    pref = jnp.dot(ltri, onehot, preferred_element_type=jnp.float32)
    rank = jnp.sum(pref * onehot_f, axis=1, keepdims=True)
    padc = jnp.ceil(counts * (1.0 / TILE)) * TILE
    er = lax.broadcasted_iota(jnp.int32, (E, E), 0)
    ec = lax.broadcasted_iota(jnp.int32, (E, E), 1)
    utri = (er < ec).astype(jnp.float32)
    aoff = jnp.dot(padc, utri, preferred_element_type=jnp.float32)
    pos = jnp.sum(onehot_f * aoff, axis=1, keepdims=True) + rank
    pos_ref[...] = pos.astype(jnp.int32)
    used = jnp.sum(padc) * (1.0 / TILE)
    atile = aoff * (1.0 / TILE)
    tn = lax.broadcasted_iota(jnp.int32, (NT, E), 0).astype(jnp.float32)
    tn = jnp.minimum(tn, used - 1.0)
    cmp = (jnp.broadcast_to(atile, (NT, E)) <= tn).astype(jnp.int32)
    te_ref[...] = jnp.sum(cmp, axis=1, keepdims=True) - 1
    nt_ref[...] = jnp.full((1, 1), 0, jnp.int32) + used.astype(jnp.int32)


def _route(x_flat, gate_W, gate_b2):
    return pl.pallas_call(
        _route_body,
        out_shape=[
            jax.ShapeDtypeStruct((T, 1), jnp.int32),
            jax.ShapeDtypeStruct((NT, 1), jnp.int32),
            jax.ShapeDtypeStruct((1, 1), jnp.int32),
        ],
    )(x_flat, gate_W, gate_b2)


def _dispatch_body(pos_hbm, x_hbm, xs_hbm, posv, rows, sem, sem2):
    w = lax.axis_index("s") * NC + lax.axis_index("c")
    base = w * CHUNK
    xcp = pltpu.async_copy(x_hbm.at[pl.ds(base, CHUNK)], rows, sem2)
    pltpu.sync_copy(pos_hbm.at[pl.ds(base, CHUNK)], posv)
    xcp.wait()
    pltpu.async_copy(rows, xs_hbm.at[posv], sem).wait()


def _dispatch(pos, x_flat):
    return pl.kernel(
        _dispatch_body,
        out_type=jax.ShapeDtypeStruct((TPAD, D), jnp.float32),
        mesh=plsc.VectorSubcoreMesh(core_axis_name="c", subcore_axis_name="s"),
        scratch_types=[
            pltpu.VMEM((CHUNK,), jnp.int32),
            pltpu.VMEM((CHUNK, D), jnp.float32),
            pltpu.SemaphoreType.DMA,
            pltpu.SemaphoreType.DMA,
        ],
    )(pos, x_flat)


def _ffn_inner(xs_ref, wg_ref, bg_ref, wu_ref, bu_ref, wd_ref, bd_ref,
               ys_ref):
    xt = xs_ref[...]
    g = jnp.dot(xt, wg_ref[0], preferred_element_type=jnp.float32)
    g = g + bg_ref[0]
    u = jnp.dot(xt.astype(jnp.bfloat16), wu_ref[0].astype(jnp.bfloat16),
                preferred_element_type=jnp.float32)
    u = u + bu_ref[0]
    h = jnp.where(g > 1.0, u, 0.0)
    y = jnp.dot(h.astype(jnp.bfloat16), wd_ref[0].astype(jnp.bfloat16),
                preferred_element_type=jnp.float32)
    ys_ref[...] = y + bd_ref[0]


def _ffn_outer(te_ref, nt_ref, xs_hbm, wg_hbm, bg_hbm, wu_hbm, bu_hbm, wd_hbm,
               bd_hbm, ys_hbm):
    deep = pl.Buffered(buffer_count=3, use_lookahead=True)

    def wmap(i):
        return (te_ref[i], 0, 0)

    pltpu.emit_pipeline(
        _ffn_inner,
        grid=(nt_ref[0],),
        in_specs=[
            pl.BlockSpec((TILE, D), lambda i: (i, 0),
                         pipeline_mode=pl.Buffered(buffer_count=3)),
            pl.BlockSpec((1, D, H), wmap, pipeline_mode=deep),
            pl.BlockSpec((1, 1, H), wmap),
            pl.BlockSpec((1, D, H), wmap, pipeline_mode=deep),
            pl.BlockSpec((1, 1, H), wmap),
            pl.BlockSpec((1, H, D), wmap, pipeline_mode=deep),
            pl.BlockSpec((1, 1, D), wmap),
        ],
        out_specs=[pl.BlockSpec((TILE, D), lambda i: (i, 0))],
    )(xs_hbm, wg_hbm, bg_hbm, wu_hbm, bu_hbm, wd_hbm, bd_hbm, ys_hbm)


def _ffn(te, nt, xs, Wg, bg, Wu, bu, Wd, bd):
    return pl.pallas_call(
        _ffn_outer,
        in_specs=[
            pl.BlockSpec(memory_space=pltpu.MemorySpace.SMEM),
            pl.BlockSpec(memory_space=pltpu.MemorySpace.SMEM),
            pl.BlockSpec(memory_space=pltpu.MemorySpace.HBM),
            pl.BlockSpec(memory_space=pltpu.MemorySpace.HBM),
            pl.BlockSpec(memory_space=pltpu.MemorySpace.HBM),
            pl.BlockSpec(memory_space=pltpu.MemorySpace.HBM),
            pl.BlockSpec(memory_space=pltpu.MemorySpace.HBM),
            pl.BlockSpec(memory_space=pltpu.MemorySpace.HBM),
            pl.BlockSpec(memory_space=pltpu.MemorySpace.HBM),
        ],
        out_specs=pl.BlockSpec(memory_space=pltpu.MemorySpace.HBM),
        out_shape=jax.ShapeDtypeStruct((TPAD, D), jnp.float32),
    )(te, nt, xs, Wg, bg.reshape(E, 1, H), Wu, bu.reshape(E, 1, H),
      Wd, bd.reshape(E, 1, D))


def _combine_body(pos_hbm, ys_hbm, out_hbm, posv, rows, sem):
    w = lax.axis_index("s") * NC + lax.axis_index("c")
    base = w * CHUNK
    pltpu.sync_copy(pos_hbm.at[pl.ds(base, CHUNK)], posv)
    pltpu.async_copy(ys_hbm.at[posv], rows, sem).wait()
    pltpu.sync_copy(rows, out_hbm.at[pl.ds(base, CHUNK)])


def _combine(pos, ys):
    return pl.kernel(
        _combine_body,
        out_type=jax.ShapeDtypeStruct((T, D), jnp.float32),
        mesh=plsc.VectorSubcoreMesh(core_axis_name="c", subcore_axis_name="s"),
        scratch_types=[
            pltpu.VMEM((CHUNK,), jnp.int32),
            pltpu.VMEM((CHUNK, D), jnp.float32),
            pltpu.SemaphoreType.DMA,
        ],
    )(pos, ys)


def kernel(x, gate_W, gate_b, Wg, bg, Wu, bu, Wd, bd):
    B, S, _ = x.shape
    x_flat = x.reshape(B * S, D)
    pos2, te2, nt2 = _route(x_flat, gate_W, gate_b.reshape(1, E))
    pos = pos2.reshape(T)
    te = te2.reshape(NT)
    xs = _dispatch(pos, x_flat)
    ys = _ffn(te, nt2.reshape(1), xs, Wg, bg, Wu, bu, Wd, bd)
    out = _combine(pos, ys)
    return out.reshape(B, S, D)

# --- scband reference (transcript-rebuilt; emitter-appended) ---
"""Pipeline reference for scband-spiking-mo-effn-1563368095962 (READ-ONLY COPY).

The authoritative reference and input builder live on the scoring server;
editing this copy changes nothing except your own understanding.
"""

import jax, jax.numpy as jnp
import numpy as np

D_MODEL = 1024
HIDDEN = 512
E = 16
TOPK = 1
BATCH = 32
SEQ = 16


def _uniform(key, shape, fan_in):
    lim = 1.0 / np.sqrt(fan_in)
    return jax.random.uniform(key, shape, jnp.float32, -lim, lim)


def setup_inputs(seed: int = 0) -> dict:
    key = jax.random.key(seed)
    ks = jax.random.split(key, 10)
    x = jax.random.normal(ks[0], (BATCH, SEQ, D_MODEL), dtype=jnp.float32)
    gate_W = _uniform(ks[1], (D_MODEL, E), D_MODEL)
    gate_b = _uniform(ks[2], (E,), D_MODEL)
    Wg = _uniform(ks[3], (E, D_MODEL, HIDDEN), D_MODEL)
    bg = _uniform(ks[4], (E, HIDDEN), D_MODEL)
    Wu = _uniform(ks[5], (E, D_MODEL, HIDDEN), D_MODEL)
    bu = _uniform(ks[6], (E, HIDDEN), D_MODEL)
    Wd = _uniform(ks[7], (E, HIDDEN, D_MODEL), HIDDEN)
    bd = _uniform(ks[8], (E, D_MODEL), HIDDEN)
    return {"x": x, "gate_W": gate_W, "gate_b": gate_b,
            "Wg": Wg, "bg": bg, "Wu": Wu, "bu": bu, "Wd": Wd, "bd": bd}


def _spike(v):
    # snn.Leaky single-step after reset_hidden(): mem = beta*0 + v ; spk = heaviside(mem - 1.0)
    return jnp.where(v > 1.0, 1.0, 0.0).astype(jnp.float32)


def reference(x, gate_W, gate_b, Wg, bg, Wu, bu, Wd, bd):
    B, S, D = x.shape
    x_flat = x.reshape(-1, D)
    # gating
    gate_logits = x_flat @ gate_W + gate_b
    spike_out = _spike(gate_logits)
    topk_vals, topk_idx = jax.lax.top_k(spike_out, TOPK)
    topk_w = jax.nn.softmax(topk_vals, axis=-1)
    # SpikingSwiGLU experts: down( spike(gate_proj(x)) * up_proj(x) )
    g = jnp.einsum('td,edh->eth', x_flat, Wg) + bg[:, None, :]
    s = _spike(g)
    u = jnp.einsum('td,edh->eth', x_flat, Wu) + bu[:, None, :]
    h = s * u
    expert_out = jnp.einsum('eth,ehd->etd', h, Wd) + bd[:, None, :]
    # combine: for each active slot, mask tokens assigned to each expert and scale by softmax weight
    comb = (jax.nn.one_hot(topk_idx, E, dtype=x.dtype) * topk_w[..., None]).sum(axis=1)  # [T, E]
    out = jnp.einsum('te,etd->td', comb, expert_out)
    return out.reshape(B, S, D)

if __name__ == "__main__":
    import jax
    _d = setup_inputs()
    print(jax.jit(kernel)(*tuple(_d.values())))

</pallas_src>

<mosaic_0001>
#map = affine_map<(d0, d1) -> (0)>
#map1 = affine_map<(d0, d1) -> (0, 0)>
module attributes {stable_mosaic.version = 14 : i64} {
  func.func @_dispatch_body(%arg0: i32, %arg1: i32, %arg2: memref<512xi32, #tpu.memory_space<hbm>>, %arg3: memref<512x1024xf32, #tpu.memory_space<hbm>>, %arg4: memref<2432x1024xf32, #tpu.memory_space<hbm>>, %arg5: memref<16xi32, #tpu.memory_space<vmem>>, %arg6: memref<16x1024xf32, #tpu.memory_space<vmem>>, %arg7: memref<!tpu.dma_semaphore, #tpu.memory_space<semaphore_mem>>, %arg8: memref<!tpu.dma_semaphore, #tpu.memory_space<semaphore_mem>>) attributes {dimension_semantics = [#tpu.dimension_semantics<core_parallel>, #tpu.dimension_semantics<subcore_parallel>], iteration_bounds = array<i64: 2, 16>, scalar_prefetch = 0 : i64, scratch_operands = 4 : i64, tpu.core_type = #tpu.core_type<sc_vector_subcore>, window_params = [{transform_indices = #map}, {transform_indices = #map1}, {transform_indices = #map1}]} {
    %mul3A = arith.constant 2 : i32
    %mul3A_0 = arith.muli %arg1, %mul3A : i32
    %add3A = arith.addi %mul3A_0, %arg0 : i32
    %mul3A_1 = arith.constant 16 : i32
    %mul3A_2 = arith.muli %add3A, %mul3A_1 : i32
    %dma_start3A = arith.constant 0 : i32
    %dma_start3A_3 = tpu.memref_slice %arg3[%mul3A_2, %dma_start3A] : memref<512x1024xf32, #tpu.memory_space<hbm>> -> memref<16x1024xf32, #tpu.memory_space<hbm>>
    %dma_start3A_4 = arith.constant 0 : i32
    %dma_start3A_5 = tpu.memref_slice %arg3[%mul3A_2, %dma_start3A_4] : memref<512x1024xf32, #tpu.memory_space<hbm>> -> memref<16x1024xf32, #tpu.memory_space<hbm>>
    tpu.enqueue_dma source(%dma_start3A_5 : memref<16x1024xf32, #tpu.memory_space<hbm>>) target(%arg6 : memref<16x1024xf32, #tpu.memory_space<vmem>>) target_semaphore(%arg8 : memref<!tpu.dma_semaphore, #tpu.memory_space<semaphore_mem>>)
    "tpu.region"() ({
      %run_scoped3A = tpu.sem_alloc : memref<!tpu.dma_semaphore, #tpu.memory_space<semaphore_mem>>
      %dma_start3A_15 = tpu.memref_slice %arg2[%mul3A_2] : memref<512xi32, #tpu.memory_space<hbm>> -> memref<16xi32, #tpu.memory_space<hbm>>
      %dma_start3A_16 = tpu.memref_slice %arg2[%mul3A_2] : memref<512xi32, #tpu.memory_space<hbm>> -> memref<16xi32, #tpu.memory_space<hbm>>
      tpu.enqueue_dma source(%dma_start3A_16 : memref<16xi32, #tpu.memory_space<hbm>>) target(%arg5 : memref<16xi32, #tpu.memory_space<vmem>>) target_semaphore(%run_scoped3A : memref<!tpu.dma_semaphore, #tpu.memory_space<semaphore_mem>>)
      %dma_wait3A_17 = tpu.memref_slice %arg2[%mul3A_2] : memref<512xi32, #tpu.memory_space<hbm>> -> memref<16xi32, #tpu.memory_space<hbm>>
      %dma_wait3A_18 = tpu.memref_slice %arg2[%mul3A_2] : memref<512xi32, #tpu.memory_space<hbm>> -> memref<16xi32, #tpu.memory_space<hbm>>
      tpu.wait_dma2 semaphore(%run_scoped3A : memref<!tpu.dma_semaphore, #tpu.memory_space<semaphore_mem>>) src(%dma_wait3A_18 : memref<16xi32, #tpu.memory_space<hbm>>) dst(%arg5 : memref<16xi32, #tpu.memory_space<vmem>>)
      tpu.yield
    }) : () -> ()
    %dma_wait3A = arith.constant 0 : i32
    %dma_wait3A_6 = tpu.memref_slice %arg3[%mul3A_2, %dma_wait3A] : memref<512x1024xf32, #tpu.memory_space<hbm>> -> memref<16x1024xf32, #tpu.memory_space<hbm>>
    %dma_wait3A_7 = arith.constant 0 : i32
    %dma_wait3A_8 = tpu.memref_slice %arg3[%mul3A_2, %dma_wait3A_7] : memref<512x1024xf32, #tpu.memory_space<hbm>> -> memref<16x1024xf32, #tpu.memory_space<hbm>>
    tpu.wait_dma2 semaphore(%arg8 : memref<!tpu.dma_semaphore, #tpu.memory_space<semaphore_mem>>) src(%dma_wait3A_8 : memref<16x1024xf32, #tpu.memory_space<hbm>>) dst(%arg6 : memref<16x1024xf32, #tpu.memory_space<vmem>>)
    %dma_start3A_9 = arith.constant 0 : i32
    %dma_start3A_10 = arith.constant 0 : i32
    %dma_start3A_11 = tpu.memref_slice %arg4[%dma_start3A_9, %dma_start3A_10] : memref<2432x1024xf32, #tpu.memory_space<hbm>> -> memref<2432x1024xf32, #tpu.memory_space<hbm>>
    tpu.enqueue_indirect_dma source(%arg6 : memref<16x1024xf32, #tpu.memory_space<vmem>>) target(%dma_start3A_11 : memref<2432x1024xf32, #tpu.memory_space<hbm>>) offsets(%arg5 : memref<16xi32, #tpu.memory_space<vmem>>) semaphore(%arg7 : memref<!tpu.dma_semaphore, #tpu.memory_space<semaphore_mem>>)
    %dma_wait3A_12 = arith.constant 0 : i32
    %dma_wait3A_13 = arith.constant 0 : i32
    %dma_wait3A_14 = tpu.memref_slice %arg4[%dma_wait3A_12, %dma_wait3A_13] : memref<2432x1024xf32, #tpu.memory_space<hbm>> -> memref<2432x1024xf32, #tpu.memory_space<hbm>>
    tpu.wait_indirect_dma semaphore(%arg7 : memref<!tpu.dma_semaphore, #tpu.memory_space<semaphore_mem>>) src(%arg6 : memref<16x1024xf32, #tpu.memory_space<vmem>>) dst(%dma_wait3A_14 : memref<2432x1024xf32, #tpu.memory_space<hbm>>)
    return
  }
}

#map = affine_map<(d0, d1) -> (0)>
#map1 = affine_map<(d0, d1) -> (0, 0)>
module attributes {stable_mosaic.version = 14 : i64} {
  func.func @_combine_body(%arg0: i32, %arg1: i32, %arg2: memref<512xi32, #tpu.memory_space<hbm>>, %arg3: memref<2432x1024xf32, #tpu.memory_space<hbm>>, %arg4: memref<512x1024xf32, #tpu.memory_space<hbm>>, %arg5: memref<16xi32, #tpu.memory_space<vmem>>, %arg6: memref<16x1024xf32, #tpu.memory_space<vmem>>, %arg7: memref<!tpu.dma_semaphore, #tpu.memory_space<semaphore_mem>>) attributes {dimension_semantics = [#tpu.dimension_semantics<core_parallel>, #tpu.dimension_semantics<subcore_parallel>], iteration_bounds = array<i64: 2, 16>, scalar_prefetch = 0 : i64, scratch_operands = 3 : i64, tpu.core_type = #tpu.core_type<sc_vector_subcore>, window_params = [{transform_indices = #map}, {transform_indices = #map1}, {transform_indices = #map1}]} {
    %mul3A = arith.constant 2 : i32
    %mul3A_0 = arith.muli %arg1, %mul3A : i32
    %add3A = arith.addi %mul3A_0, %arg0 : i32
    %mul3A_1 = arith.constant 16 : i32
    %mul3A_2 = arith.muli %add3A, %mul3A_1 : i32
    "tpu.region"() ({
      %run_scoped3A = tpu.sem_alloc : memref<!tpu.dma_semaphore, #tpu.memory_space<semaphore_mem>>
      %dma_start3A_7 = tpu.memref_slice %arg2[%mul3A_2] : memref<512xi32, #tpu.memory_space<hbm>> -> memref<16xi32, #tpu.memory_space<hbm>>
      %dma_start3A_8 = tpu.memref_slice %arg2[%mul3A_2] : memref<512xi32, #tpu.memory_space<hbm>> -> memref<16xi32, #tpu.memory_space<hbm>>
      tpu.enqueue_dma source(%dma_start3A_8 : memref<16xi32, #tpu.memory_space<hbm>>) target(%arg5 : memref<16xi32, #tpu.memory_space<vmem>>) target_semaphore(%run_scoped3A : memref<!tpu.dma_semaphore, #tpu.memory_space<semaphore_mem>>)
      %dma_wait3A_9 = tpu.memref_slice %arg2[%mul3A_2] : memref<512xi32, #tpu.memory_space<hbm>> -> memref<16xi32, #tpu.memory_space<hbm>>
      %dma_wait3A_10 = tpu.memref_slice %arg2[%mul3A_2] : memref<512xi32, #tpu.memory_space<hbm>> -> memref<16xi32, #tpu.memory_space<hbm>>
      tpu.wait_dma2 semaphore(%run_scoped3A : memref<!tpu.dma_semaphore, #tpu.memory_space<semaphore_mem>>) src(%dma_wait3A_10 : memref<16xi32, #tpu.memory_space<hbm>>) dst(%arg5 : memref<16xi32, #tpu.memory_space<vmem>>)
      tpu.yield
    }) : () -> ()
    %dma_start3A = arith.constant 0 : i32
    %dma_start3A_3 = arith.constant 0 : i32
    %dma_start3A_4 = tpu.memref_slice %arg3[%dma_start3A, %dma_start3A_3] : memref<2432x1024xf32, #tpu.memory_space<hbm>> -> memref<2432x1024xf32, #tpu.memory_space<hbm>>
    tpu.enqueue_indirect_dma source(%dma_start3A_4 : memref<2432x1024xf32, #tpu.memory_space<hbm>>) target(%arg6 : memref<16x1024xf32, #tpu.memory_space<vmem>>) offsets(%arg5 : memref<16xi32, #tpu.memory_space<vmem>>) semaphore(%arg7 : memref<!tpu.dma_semaphore, #tpu.memory_space<semaphore_mem>>)
    %dma_wait3A = arith.constant 0 : i32
    %dma_wait3A_5 = arith.constant 0 : i32
    %dma_wait3A_6 = tpu.memref_slice %arg3[%dma_wait3A, %dma_wait3A_5] : memref<2432x1024xf32, #tpu.memory_space<hbm>> -> memref<2432x1024xf32, #tpu.memory_space<hbm>>
    tpu.wait_indirect_dma semaphore(%arg7 : memref<!tpu.dma_semaphore, #tpu.memory_space<semaphore_mem>>) src(%dma_wait3A_6 : memref<2432x1024xf32, #tpu.memory_space<hbm>>) dst(%arg6 : memref<16x1024xf32, #tpu.memory_space<vmem>>)
    "tpu.region"() ({
      %run_scoped3A = tpu.sem_alloc : memref<!tpu.dma_semaphore, #tpu.memory_space<semaphore_mem>>
      %dma_start3A_7 = arith.constant 0 : i32
      %dma_start3A_8 = tpu.memref_slice %arg4[%mul3A_2, %dma_start3A_7] : memref<512x1024xf32, #tpu.memory_space<hbm>> -> memref<16x1024xf32, #tpu.memory_space<hbm>>
      %dma_start3A_9 = arith.constant 0 : i32
      %dma_start3A_10 = tpu.memref_slice %arg4[%mul3A_2, %dma_start3A_9] : memref<512x1024xf32, #tpu.memory_space<hbm>> -> memref<16x1024xf32, #tpu.memory_space<hbm>>
      tpu.enqueue_dma source(%arg6 : memref<16x1024xf32, #tpu.memory_space<vmem>>) target(%dma_start3A_10 : memref<16x1024xf32, #tpu.memory_space<hbm>>) target_semaphore(%run_scoped3A : memref<!tpu.dma_semaphore, #tpu.memory_space<semaphore_mem>>)
      %dma_wait3A_11 = arith.constant 0 : i32
      %dma_wait3A_12 = tpu.memref_slice %arg4[%mul3A_2, %dma_wait3A_11] : memref<512x1024xf32, #tpu.memory_space<hbm>> -> memref<16x1024xf32, #tpu.memory_space<hbm>>
      %dma_wait3A_13 = arith.constant 0 : i32
      %dma_wait3A_14 = tpu.memref_slice %arg4[%mul3A_2, %dma_wait3A_13] : memref<512x1024xf32, #tpu.memory_space<hbm>> -> memref<16x1024xf32, #tpu.memory_space<hbm>>
      tpu.wait_dma2 semaphore(%run_scoped3A : memref<!tpu.dma_semaphore, #tpu.memory_space<semaphore_mem>>) src(%arg6 : memref<16x1024xf32, #tpu.memory_space<vmem>>) dst(%dma_wait3A_14 : memref<16x1024xf32, #tpu.memory_space<hbm>>)
      tpu.yield
    }) : () -> ()
    return
  }
}

module attributes {stable_mosaic.version = 14 : i64} {
  func.func @_route_body(%arg0: memref<512x1024xf32, #tpu.memory_space<vmem>>, %arg1: memref<1024x16xf32, #tpu.memory_space<vmem>>, %arg2: memref<1x16xf32, #tpu.memory_space<vmem>>, %arg3: memref<512x1xi32, #tpu.memory_space<vmem>>, %arg4: memref<19x1xi32, #tpu.memory_space<vmem>>, %arg5: memref<1x1xi32, #tpu.memory_space<vmem>>) attributes {dimension_semantics = [], scalar_prefetch = 0 : i64, scratch_operands = 0 : i64, tpu.core_type = #tpu.core_type<tc>} {
    %get3A = arith.constant 0 : index
    %get3A_0 = arith.constant 0 : index
    %get3A_1 = vector.load %arg0[%get3A, %get3A_0] : memref<512x1024xf32, #tpu.memory_space<vmem>>, vector<512x1024xf32>
    %get3A_2 = arith.constant 0 : index
    %get3A_3 = arith.constant 0 : index
    %get3A_4 = vector.load %arg1[%get3A_2, %get3A_3] : memref<1024x16xf32, #tpu.memory_space<vmem>>, vector<1024x16xf32>
    %dot_general3A = arith.constant dense<0.000000e+00> : vector<512x16xf32>
    %dot_general3A_5 = tpu.matmul %get3A_1, %get3A_4, %dot_general3A {dimension_numbers = #tpu.dot_dimension_numbers<[1], [0], [0], [1], [0, 0, 1, 1], [], []>, transpose_lhs_hint = false} : vector<512x1024xf32>, vector<1024x16xf32>, vector<512x16xf32> -> vector<512x16xf32>
    %get3A_6 = arith.constant 0 : index
    %get3A_7 = arith.constant 0 : index
    %get3A_8 = vector.load %arg2[%get3A_6, %get3A_7] : memref<1x16xf32, #tpu.memory_space<vmem>>, vector<1x16xf32>
    %add3A = vector.broadcast %get3A_8 : vector<1x16xf32> to vector<512x16xf32>
    %add3A_9 = arith.addf %dot_general3A_5, %add3A : vector<512x16xf32>
    %gt3A = arith.constant 1.000000e+00 : f32
    %gt3A_10 = vector.broadcast %gt3A : f32 to vector<512x16xf32>
    %gt3A_11 = arith.cmpf ogt, %add3A_9, %gt3A_10 : vector<512x16xf32>
    %iota3A = tpu.iota {dimensions = array<i32: 1>} : vector<512x16xi32>
    %jit3A = arith.constant 16 : i32
    %broadcast_in_dim3A = vector.broadcast %jit3A : i32 to vector<512x16xi32>
    %select_n3A = arith.select %gt3A_11, %iota3A, %broadcast_in_dim3A : vector<512x16xi1>, vector<512x16xi32>
    %reduce_min3A = arith.constant dense<2147483647> : vector<512xi32>
    %reduce_min3A_12 = vector.multi_reduction <minsi>, %select_n3A, %reduce_min3A [1] : vector<512x16xi32> to vector<512xi32>
    %broadcast_in_dim3A_13 = vector.shape_cast %reduce_min3A_12 : vector<512xi32> to vector<512x1xi32>
    %eq3A = arith.constant 16 : i32
    %eq3A_14 = vector.broadcast %eq3A : i32 to vector<512x1xi32>
    %eq3A_15 = arith.cmpi eq, %broadcast_in_dim3A_13, %eq3A_14 : vector<512x1xi32>
    %jit3A_16 = arith.constant 0 : i32
    %broadcast_in_dim3A_17 = vector.broadcast %jit3A_16 : i32 to vector<512x1xi32>
    %select_n3A_18 = arith.select %eq3A_15, %broadcast_in_dim3A_17, %broadcast_in_dim3A_13 : vector<512x1xi1>, vector<512x1xi32>
    %eq3A_19 = vector.broadcast %select_n3A_18 : vector<512x1xi32> to vector<512x16xi32>
    %eq3A_20 = arith.cmpi eq, %iota3A, %eq3A_19 : vector<512x16xi32>
    %convert_element_type3A = arith.extui %eq3A_20 : vector<512x16xi1> to vector<512x16xi32>
    %convert_element_type3A_21 = arith.sitofp %convert_element_type3A : vector<512x16xi32> to vector<512x16xf32>
    %convert_element_type3A_22 = arith.truncf %convert_element_type3A_21 : vector<512x16xf32> to vector<512x16xbf16>
    %convert_element_type3A_23 = arith.extf %convert_element_type3A_22 : vector<512x16xbf16> to vector<512x16xf32>
    %reduce_sum3A = arith.constant dense<0.000000e+00> : vector<16xf32>
    %reduce_sum3A_24 = vector.multi_reduction <add>, %convert_element_type3A_23, %reduce_sum3A [0] : vector<512x16xf32> to vector<16xf32>
    %broadcast_in_dim3A_25 = vector.shape_cast %reduce_sum3A_24 : vector<16xf32> to vector<1x16xf32>
    %iota3A_26 = tpu.iota {dimensions = array<i32: 0>} : vector<512x512xi32>
    %iota3A_27 = tpu.iota {dimensions = array<i32: 1>} : vector<512x512xi32>
    %lt3A = arith.cmpi slt, %iota3A_27, %iota3A_26 : vector<512x512xi32>
    %convert_element_type3A_28 = arith.extui %lt3A : vector<512x512xi1> to vector<512x512xi32>
    %convert_element_type3A_29 = arith.sitofp %convert_element_type3A_28 : vector<512x512xi32> to vector<512x512xf32>
    %convert_element_type3A_30 = arith.truncf %convert_element_type3A_29 : vector<512x512xf32> to vector<512x512xbf16>
    %dot_general3A_31 = arith.constant dense<0.000000e+00> : vector<512x16xf32>
    %dot_general3A_32 = tpu.matmul %convert_element_type3A_30, %convert_element_type3A_22, %dot_general3A_31 {dimension_numbers = #tpu.dot_dimension_numbers<[1], [0], [0], [1], [0, 0, 1, 1], [], []>, transpose_lhs_hint = false} : vector<512x512xbf16>, vector<512x16xbf16>, vector<512x16xf32> -> vector<512x16xf32>
    %mul3A = arith.mulf %dot_general3A_32, %convert_element_type3A_23 : vector<512x16xf32>
    %reduce_sum3A_33 = arith.constant dense<0.000000e+00> : vector<512xf32>
    %reduce_sum3A_34 = vector.multi_reduction <add>, %mul3A, %reduce_sum3A_33 [1] : vector<512x16xf32> to vector<512xf32>
    %broadcast_in_dim3A_35 = vector.shape_cast %reduce_sum3A_34 : vector<512xf32> to vector<512x1xf32>
    %mul3A_36 = arith.constant 7.812500e-03 : f32
    %mul3A_37 = vector.broadcast %mul3A_36 : f32 to vector<1x16xf32>
    %mul3A_38 = arith.mulf %broadcast_in_dim3A_25, %mul3A_37 : vector<1x16xf32>
    %ceil3A = math.ceil %mul3A_38 : vector<1x16xf32>
    %mul3A_39 = arith.constant 1.280000e+02 : f32
    %mul3A_40 = vector.broadcast %mul3A_39 : f32 to vector<1x16xf32>
    %mul3A_41 = arith.mulf %ceil3A, %mul3A_40 : vector<1x16xf32>
    %iota3A_42 = tpu.iota {dimensions = array<i32: 0>} : vector<16x16xi32>
    %iota3A_43 = tpu.iota {dimensions = array<i32: 1>} : vector<16x16xi32>
    %lt3A_44 = arith.cmpi slt, %iota3A_42, %iota3A_43 : vector<16x16xi32>
    %convert_element_type3A_45 = arith.extui %lt3A_44 : vector<16x16xi1> to vector<16x16xi32>
    %convert_element_type3A_46 = arith.sitofp %convert_element_type3A_45 : vector<16x16xi32> to vector<16x16xf32>
    %dot_general3A_47 = arith.constant dense<0.000000e+00> : vector<1x16xf32>
    %dot_general3A_48 = tpu.matmul %mul3A_41, %convert_element_type3A_46, %dot_general3A_47 {dimension_numbers = #tpu.dot_dimension_numbers<[1], [0], [0], [1], [0, 0, 1, 1], [], []>, transpose_lhs_hint = false} : vector<1x16xf32>, vector<16x16xf32>, vector<1x16xf32> -> vector<1x16xf32>
    %mul3A_49 = vector.broadcast %dot_general3A_48 : vector<1x16xf32> to vector<512x16xf32>
    %mul3A_50 = arith.mulf %convert_element_type3A_23, %mul3A_49 : vector<512x16xf32>
    %reduce_sum3A_51 = arith.constant dense<0.000000e+00> : vector<512xf32>
    %reduce_sum3A_52 = vector.multi_reduction <add>, %mul3A_50, %reduce_sum3A_51 [1] : vector<512x16xf32> to vector<512xf32>
    %broadcast_in_dim3A_53 = vector.shape_cast %reduce_sum3A_52 : vector<512xf32> to vector<512x1xf32>
    %add3A_54 = arith.addf %broadcast_in_dim3A_53, %broadcast_in_dim3A_35 : vector<512x1xf32>
    %convert_element_type3A_55 = arith.fptosi %add3A_54 : vector<512x1xf32> to vector<512x1xi32>
    %swap3A = arith.constant 0 : index
    %swap3A_56 = arith.constant 0 : index
    %swap3A_57 = vector.load %arg3[%swap3A, %swap3A_56] : memref<512x1xi32, #tpu.memory_space<vmem>>, vector<512x1xi32>
    tpu.vector_store %arg3[%swap3A, %swap3A_56], %convert_element_type3A_55 {strides = array<i32>} : memref<512x1xi32, #tpu.memory_space<vmem>>, vector<512x1xi32>,
    %reduce_sum3A_58 = vector.shape_cast %mul3A_41 : vector<1x16xf32> to vector<1x1x16xf32>
    %reduce_sum3A_59 = arith.constant dense<0.000000e+00> : vector<1xf32>
    %reduce_sum3A_60 = vector.multi_reduction <add>, %reduce_sum3A_58, %reduce_sum3A_59 [1, 2] : vector<1x1x16xf32> to vector<1xf32>
    %reduce_sum3A_61 = vector.shape_cast %reduce_sum3A_60 : vector<1xf32> to vector<1x1x1xf32>
    %reduce_sum3A_62 = vector.extract %reduce_sum3A_61[0, 0, 0] : f32 from vector<1x1x1xf32>
    %mul3A_63 = arith.constant 7.812500e-03 : f32
    %mul3A_64 = arith.mulf %reduce_sum3A_62, %mul3A_63 : f32
    %mul3A_65 = arith.constant 7.812500e-03 : f32
    %mul3A_66 = vector.broadcast %mul3A_65 : f32 to vector<1x16xf32>
    %mul3A_67 = arith.mulf %dot_general3A_48, %mul3A_66 : vector<1x16xf32>
    %iota3A_68 = tpu.iota {dimensions = array<i32: 0>} : vector<19x16xi32>
    %convert_element_type3A_69 = arith.sitofp %iota3A_68 : vector<19x16xi32> to vector<19x16xf32>
    %sub3A = arith.constant 1.000000e+00 : f32
    %sub3A_70 = arith.subf %mul3A_64, %sub3A : f32
    %min3A = vector.broadcast %sub3A_70 : f32 to vector<19x16xf32>
    %min3A_71 = arith.minimumf %convert_element_type3A_69, %min3A : vector<19x16xf32>
    %broadcast_in_dim3A_72 = vector.shape_cast %mul3A_67 : vector<1x16xf32> to vector<1x16xf32>
    %broadcast_in_dim3A_73 = vector.broadcast %broadcast_in_dim3A_72 : vector<1x16xf32> to vector<19x16xf32>
    %le3A = arith.cmpf ole, %broadcast_in_dim3A_73, %min3A_71 : vector<19x16xf32>
    %convert_element_type3A_74 = arith.extui %le3A : vector<19x16xi1> to vector<19x16xi32>
    %reduce_sum3A_75 = arith.constant dense<0> : vector<19xi32>
    %reduce_sum3A_76 = vector.multi_reduction <add>, %convert_element_type3A_74, %reduce_sum3A_75 [1] : vector<19x16xi32> to vector<19xi32>
    %broadcast_in_dim3A_77 = vector.shape_cast %reduce_sum3A_76 : vector<19xi32> to vector<19x1xi32>
    %sub3A_78 = arith.constant 1 : i32
    %sub3A_79 = vector.broadcast %sub3A_78 : i32 to vector<19x1xi32>
    %sub3A_80 = arith.subi %broadcast_in_dim3A_77, %sub3A_79 : vector<19x1xi32>
    %swap3A_81 = arith.constant 0 : index
    %swap3A_82 = arith.constant 0 : index
    %swap3A_83 = vector.load %arg4[%swap3A_81, %swap3A_82] : memref<19x1xi32, #tpu.memory_space<vmem>>, vector<19x1xi32>
    tpu.vector_store %arg4[%swap3A_81, %swap3A_82], %sub3A_80 {strides = array<i32>} : memref<19x1xi32, #tpu.memory_space<vmem>>, vector<19x1xi32>,
    %broadcast_in_dim3A_84 = arith.constant 0 : i32
    %broadcast_in_dim3A_85 = vector.broadcast %broadcast_in_dim3A_84 : i32 to vector<1x1xi32>
    %convert_element_type3A_86 = arith.fptosi %mul3A_64 : f32 to i32
    %add3A_87 = vector.broadcast %convert_element_type3A_86 : i32 to vector<1x1xi32>
    %add3A_88 = arith.addi %broadcast_in_dim3A_85, %add3A_87 : vector<1x1xi32>
    %swap3A_89 = arith.constant 0 : index
    %swap3A_90 = arith.constant 0 : index
    %swap3A_91 = vector.load %arg5[%swap3A_89, %swap3A_90] : memref<1x1xi32, #tpu.memory_space<vmem>>, vector<1x1xi32>
    tpu.vector_store %arg5[%swap3A_89, %swap3A_90], %add3A_88 {strides = array<i32>} : memref<1x1xi32, #tpu.memory_space<vmem>>, vector<1x1xi32>,
    return
  }
}

module attributes {stable_mosaic.version = 14 : i64} {
  func.func @_ffn_outer(%arg0: memref<19xi32, #tpu.memory_space<smem>>, %arg1: memref<1xi32, #tpu.memory_space<smem>>, %arg2: memref<2432x1024xf32, #tpu.memory_space<hbm>>, %arg3: memref<16x1024x512xf32, #tpu.memory_space<hbm>>, %arg4: memref<16x1x512xf32, #tpu.memory_space<hbm>>, %arg5: memref<16x1024x512xf32, #tpu.memory_space<hbm>>, %arg6: memref<16x1x512xf32, #tpu.memory_space<hbm>>, %arg7: memref<16x512x1024xf32, #tpu.memory_space<hbm>>, %arg8: memref<16x1x1024xf32, #tpu.memory_space<hbm>>, %arg9: memref<2432x1024xf32, #tpu.memory_space<hbm>>) attributes {dimension_semantics = [], scalar_prefetch = 0 : i64, scratch_operands = 0 : i64, tpu.core_type = #tpu.core_type<tc>} {
    %get3A = arith.constant 0 : index
    %get3A_0 = memref.load %arg1[%get3A] : memref<1xi32, #tpu.memory_space<smem>>
    %mul3A = arith.constant 1 : i32
    %mul3A_1 = arith.muli %mul3A, %get3A_0 : i32
    "tpu.region"() ({
      %run_scoped3A = memref.alloca() : memref<3x128x1024xf32, #tpu.memory_space<vmem>>
      %run_scoped3A_2 = tpu.sem_alloc : memref<3x!tpu.dma_semaphore, #tpu.memory_space<semaphore_mem>>
      %run_scoped3A_3 = memref.alloca() : memref<3x1x1024x512xf32, #tpu.memory_space<vmem>>
      %run_scoped3A_4 = tpu.sem_alloc : memref<3x!tpu.dma_semaphore, #tpu.memory_space<semaphore_mem>>
      %run_scoped3A_5 = memref.alloca() : memref<2x1x1x512xf32, #tpu.memory_space<vmem>>
      %run_scoped3A_6 = tpu.sem_alloc : memref<2x!tpu.dma_semaphore, #tpu.memory_space<semaphore_mem>>
      %run_scoped3A_7 = memref.alloca() : memref<3x1x1024x512xf32, #tpu.memory_space<vmem>>
      %run_scoped3A_8 = tpu.sem_alloc : memref<3x!tpu.dma_semaphore, #tpu.memory_space<semaphore_mem>>
      %run_scoped3A_9 = memref.alloca() : memref<2x1x1x512xf32, #tpu.memory_space<vmem>>
      %run_scoped3A_10 = tpu.sem_alloc : memref<2x!tpu.dma_semaphore, #tpu.memory_space<semaphore_mem>>
      %run_scoped3A_11 = memref.alloca() : memref<3x1x512x1024xf32, #tpu.memory_space<vmem>>
      %run_scoped3A_12 = tpu.sem_alloc : memref<3x!tpu.dma_semaphore, #tpu.memory_space<semaphore_mem>>
      %run_scoped3A_13 = memref.alloca() : memref<2x1x1x1024xf32, #tpu.memory_space<vmem>>
      %run_scoped3A_14 = tpu.sem_alloc : memref<2x!tpu.dma_semaphore, #tpu.memory_space<semaphore_mem>>
      %run_scoped3A_15 = memref.alloca() : memref<2x128x1024xf32, #tpu.memory_space<vmem>>
      %run_scoped3A_16 = tpu.sem_alloc : memref<2x!tpu.dma_semaphore, #tpu.memory_space<semaphore_mem>>
      %gt3A = arith.constant 0 : i32
      %gt3A_17 = arith.cmpi sgt, %mul3A_1, %gt3A : i32
      %convert_element_type3A = arith.extui %gt3A_17 : i1 to i32
      %cond3A = arith.constant 0 : i32
      %cond3A_18 = arith.cmpi ne, %convert_element_type3A, %cond3A : i32
      scf.if %cond3A_18 {
        %mul3A_19 = arith.constant 1 : i32
        %mul3A_20 = arith.muli %mul3A_19, %get3A_0 : i32
        %sub3A = arith.constant 1 : i32
        %sub3A_21 = arith.subi %mul3A_20, %sub3A : i32
        %eq3A = arith.constant 0 : i32
        %eq3A_22 = arith.cmpi eq, %sub3A_21, %eq3A : i32
        %select_n3A = arith.constant true
        %select_n3A_23 = arith.constant 0 : i32
        %select_n3A_24 = arith.constant -1 : i32
        %select_n3A_25 = arith.select %select_n3A, %select_n3A_24, %select_n3A_23 : i32
        %eq3A_26 = arith.constant -1 : i32
        %eq3A_27 = arith.cmpi eq, %select_n3A_25, %eq3A_26 : i32
        %sub3A_28 = arith.constant 1 : i32
        %sub3A_29 = arith.subi %get3A_0, %sub3A_28 : i32
        %select_n3A_30 = arith.select %eq3A_27, %sub3A_29, %select_n3A_25 : i32
        %add3A = arith.constant 0 : i32
        %add3A_31 = arith.addi %select_n3A_30, %add3A : i32
        %select_n3A_32 = arith.constant true
        %select_n3A_33 = arith.constant 0 : i32
        %select_n3A_34 = arith.constant 1 : i32
        %select_n3A_35 = arith.select %select_n3A_32, %select_n3A_34, %select_n3A_33 : i32
        %eq3A_36 = arith.cmpi eq, %select_n3A_35, %get3A_0 : i32
        %select_n3A_37 = arith.constant 0 : i32
        %select_n3A_38 = arith.select %eq3A_36, %select_n3A_37, %select_n3A_35 : i32
        %add3A_39 = arith.constant 0 : i32
        %add3A_40 = arith.addi %select_n3A_38, %add3A_39 : i32
        %add3A_41 = arith.constant 1 : i32
        %add3A_42 = arith.addi %select_n3A_38, %add3A_41 : i32
        %select_n3A_43 = arith.constant true
        %select_n3A_44 = arith.select %select_n3A_43, %add3A_42, %select_n3A_38 : i32
        %eq3A_45 = arith.cmpi eq, %select_n3A_44, %get3A_0 : i32
        %select_n3A_46 = arith.constant 0 : i32
        %select_n3A_47 = arith.select %eq3A_45, %select_n3A_46, %select_n3A_44 : i32
        %add3A_48 = arith.constant 0 : i32
        %add3A_49 = arith.addi %select_n3A_47, %add3A_48 : i32
        %add3A_50 = arith.constant 1 : i32
        %add3A_51 = arith.addi %select_n3A_47, %add3A_50 : i32
        %select_n3A_52 = arith.constant true
        %select_n3A_53 = arith.select %select_n3A_52, %add3A_51, %select_n3A_47 : i32
        %eq3A_54 = arith.cmpi eq, %select_n3A_53, %get3A_0 : i32
        %select_n3A_55 = arith.constant 0 : i32
        %select_n3A_56 = arith.select %eq3A_54, %select_n3A_55, %select_n3A_53 : i32
        %add3A_57 = arith.constant 0 : i32
        %add3A_58 = arith.addi %select_n3A_56, %add3A_57 : i32
        "tpu.trace_start"() <{level = 10 : i32, message = "ep_initialize_0"}> : () -> ()
        %rem3A = arith.constant 0 : i32
        %rem3A_59 = arith.constant 3 : i32
        %rem3A_60 = arith.remui %rem3A, %rem3A_59 : i32
        %dma_start3A = tpu.memref_slice %run_scoped3A_2[%rem3A_60] : memref<3x!tpu.dma_semaphore, #tpu.memory_space<semaphore_mem>> -> memref<1x!tpu.dma_semaphore, #tpu.memory_space<semaphore_mem>>
        %dma_start3A_61 = tpu.memref_squeeze %dma_start3A : memref<1x!tpu.dma_semaphore, #tpu.memory_space<semaphore_mem>> -> memref<!tpu.dma_semaphore, #tpu.memory_space<semaphore_mem>>
        %dma_start3A_62 = arith.constant 0 : i32
        %dma_start3A_63 = arith.constant 0 : i32
        %dma_start3A_64 = tpu.memref_slice %run_scoped3A[%rem3A_60, %dma_start3A_62, %dma_start3A_63] : memref<3x128x1024xf32, #tpu.memory_space<vmem>> -> memref<1x128x1024xf32, #tpu.memory_space<vmem>>
        %dma_start3A_65 = tpu.memref_squeeze %dma_start3A_64 : memref<1x128x1024xf32, #tpu.memory_space<vmem>> -> memref<128x1024xf32, #tpu.memory_space<vmem>>
        %dma_start3A_66 = arith.constant 0 : i32
        %dma_start3A_67 = arith.constant 0 : i32
        %dma_start3A_68 = tpu.memref_slice %arg2[%dma_start3A_66, %dma_start3A_67] : memref<2432x1024xf32, #tpu.memory_space<hbm>> -> memref<128x1024xf32, #tpu.memory_space<hbm>>
        tpu.enqueue_dma source(%dma_start3A_68 : memref<128x1024xf32, #tpu.memory_space<hbm>>) target(%dma_start3A_65 : memref<128x1024xf32, #tpu.memory_space<vmem>>) target_semaphore(%dma_start3A_61 : memref<!tpu.dma_semaphore, #tpu.memory_space<semaphore_mem>>)
        %add3A_69 = arith.constant 0 : i32
        %add3A_70 = arith.constant 1 : i32
        %add3A_71 = arith.addi %add3A_69, %add3A_70 : i32
        %select_n3A_72 = arith.constant true
        %select_n3A_73 = arith.constant 0 : i32
        %select_n3A_74 = arith.select %select_n3A_72, %add3A_71, %select_n3A_73 : i32
        %add3A_75 = arith.constant 0 : i32
        %add3A_76 = arith.constant 0 : i32
        %add3A_77 = arith.addi %add3A_75, %add3A_76 : i32
        %rem3A_78 = arith.constant 0 : i32
        %rem3A_79 = arith.constant 3 : i32
        %rem3A_80 = arith.remui %rem3A_78, %rem3A_79 : i32
        %get3A_81 = arith.index_cast %add3A_77 : i32 to index
        %get3A_82 = memref.load %arg0[%get3A_81] : memref<19xi32, #tpu.memory_space<smem>>
        %mul3A_83 = arith.constant 1 : i32
        %mul3A_84 = arith.muli %mul3A_83, %get3A_82 : i32
        %dma_start3A_85 = tpu.memref_slice %run_scoped3A_4[%rem3A_80] : memref<3x!tpu.dma_semaphore, #tpu.memory_space<semaphore_mem>> -> memref<1x!tpu.dma_semaphore, #tpu.memory_space<semaphore_mem>>
        %dma_start3A_86 = tpu.memref_squeeze %dma_start3A_85 : memref<1x!tpu.dma_semaphore, #tpu.memory_space<semaphore_mem>> -> memref<!tpu.dma_semaphore, #tpu.memory_space<semaphore_mem>>
        %dma_start3A_87 = arith.constant 0 : i32
        %dma_start3A_88 = arith.constant 0 : i32
        %dma_start3A_89 = arith.constant 0 : i32
        %dma_start3A_90 = tpu.memref_slice %run_scoped3A_3[%rem3A_80, %dma_start3A_87, %dma_start3A_88, %dma_start3A_89] : memref<3x1x1024x512xf32, #tpu.memory_space<vmem>> -> memref<1x1x1024x512xf32, #tpu.memory_space<vmem>>
        %dma_start3A_91 = tpu.memref_squeeze %dma_start3A_90 : memref<1x1x1024x512xf32, #tpu.memory_space<vmem>> -> memref<1x1024x512xf32, #tpu.memory_space<vmem>>
        %dma_start3A_92 = arith.constant 0 : i32
        %dma_start3A_93 = arith.constant 0 : i32
        %dma_start3A_94 = tpu.memref_slice %arg3[%mul3A_84, %dma_start3A_92, %dma_start3A_93] : memref<16x1024x512xf32, #tpu.memory_space<hbm>> -> memref<1x1024x512xf32, #tpu.memory_space<hbm>>
        tpu.enqueue_dma source(%dma_start3A_94 : memref<1x1024x512xf32, #tpu.memory_space<hbm>>) target(%dma_start3A_91 : memref<1x1024x512xf32, #tpu.memory_space<vmem>>) target_semaphore(%dma_start3A_86 : memref<!tpu.dma_semaphore, #tpu.memory_space<semaphore_mem>>)
        %add3A_95 = arith.constant 0 : i32
        %add3A_96 = arith.constant 1 : i32
        %add3A_97 = arith.addi %add3A_95, %add3A_96 : i32
        %select_n3A_98 = arith.constant true
        %select_n3A_99 = arith.constant 0 : i32
        %select_n3A_100 = arith.select %select_n3A_98, %add3A_97, %select_n3A_99 : i32
        %rem3A_101 = arith.constant 0 : i32
        %rem3A_102 = arith.constant 2 : i32
        %rem3A_103 = arith.remui %rem3A_101, %rem3A_102 : i32
        %get3A_104 = arith.constant 0 : index
        %get3A_105 = memref.load %arg0[%get3A_104] : memref<19xi32, #tpu.memory_space<smem>>
        %mul3A_106 = arith.constant 1 : i32
        %mul3A_107 = arith.muli %mul3A_106, %get3A_105 : i32
        %dma_start3A_108 = tpu.memref_slice %run_scoped3A_6[%rem3A_103] : memref<2x!tpu.dma_semaphore, #tpu.memory_space<semaphore_mem>> -> memref<1x!tpu.dma_semaphore, #tpu.memory_space<semaphore_mem>>
        %dma_start3A_109 = tpu.memref_squeeze %dma_start3A_108 : memref<1x!tpu.dma_semaphore, #tpu.memory_space<semaphore_mem>> -> memref<!tpu.dma_semaphore, #tpu.memory_space<semaphore_mem>>
        %dma_start3A_110 = arith.constant 0 : i32
        %dma_start3A_111 = arith.constant 0 : i32
        %dma_start3A_112 = arith.constant 0 : i32
        %dma_start3A_113 = tpu.memref_slice %run_scoped3A_5[%rem3A_103, %dma_start3A_110, %dma_start3A_111, %dma_start3A_112] : memref<2x1x1x512xf32, #tpu.memory_space<vmem>> -> memref<1x1x1x512xf32, #tpu.memory_space<vmem>>
        %dma_start3A_114 = tpu.memref_squeeze %dma_start3A_113 : memref<1x1x1x512xf32, #tpu.memory_space<vmem>> -> memref<1x1x512xf32, #tpu.memory_space<vmem>>
        %dma_start3A_115 = arith.constant 0 : i32
        %dma_start3A_116 = arith.constant 0 : i32
        %dma_start3A_117 = tpu.memref_slice %arg4[%mul3A_107, %dma_start3A_115, %dma_start3A_116] : memref<16x1x512xf32, #tpu.memory_space<hbm>> -> memref<1x1x512xf32, #tpu.memory_space<hbm>>
        tpu.enqueue_dma source(%dma_start3A_117 : memref<1x1x512xf32, #tpu.memory_space<hbm>>) target(%dma_start3A_114 : memref<1x1x512xf32, #tpu.memory_space<vmem>>) target_semaphore(%dma_start3A_109 : memref<!tpu.dma_semaphore, #tpu.memory_space<semaphore_mem>>)
        %add3A_118 = arith.constant 0 : i32
        %add3A_119 = arith.constant 1 : i32
        %add3A_120 = arith.addi %add3A_118, %add3A_119 : i32
        %select_n3A_121 = arith.constant true
        %select_n3A_122 = arith.constant 0 : i32
        %select_n3A_123 = arith.select %select_n3A_121, %add3A_120, %select_n3A_122 : i32
        %add3A_124 = arith.constant 0 : i32
        %add3A_125 = arith.constant 0 : i32
        %add3A_126 = arith.addi %add3A_124, %add3A_125 : i32
        %rem3A_127 = arith.constant 0 : i32
        %rem3A_128 = arith.constant 3 : i32
        %rem3A_129 = arith.remui %rem3A_127, %rem3A_128 : i32
        %get3A_130 = arith.index_cast %add3A_126 : i32 to index
        %get3A_131 = memref.load %arg0[%get3A_130] : memref<19xi32, #tpu.memory_space<smem>>
        %mul3A_132 = arith.constant 1 : i32
        %mul3A_133 = arith.muli %mul3A_132, %get3A_131 : i32
        %dma_start3A_134 = tpu.memref_slice %run_scoped3A_8[%rem3A_129] : memref<3x!tpu.dma_semaphore, #tpu.memory_space<semaphore_mem>> -> memref<1x!tpu.dma_semaphore, #tpu.memory_space<semaphore_mem>>
        %dma_start3A_135 = tpu.memref_squeeze %dma_start3A_134 : memref<1x!tpu.dma_semaphore, #tpu.memory_space<semaphore_mem>> -> memref<!tpu.dma_semaphore, #tpu.memory_space<semaphore_mem>>
        %dma_start3A_136 = arith.constant 0 : i32
        %dma_start3A_137 = arith.constant 0 : i32
        %dma_start3A_138 = arith.constant 0 : i32
        %dma_start3A_139 = tpu.memref_slice %run_scoped3A_7[%rem3A_129, %dma_start3A_136, %dma_start3A_137, %dma_start3A_138] : memref<3x1x1024x512xf32, #tpu.memory_space<vmem>> -> memref<1x1x1024x512xf32, #tpu.memory_space<vmem>>
        %dma_start3A_140 = tpu.memref_squeeze %dma_start3A_139 : memref<1x1x1024x512xf32, #tpu.memory_space<vmem>> -> memref<1x1024x512xf32, #tpu.memory_space<vmem>>
        %dma_start3A_141 = arith.constant 0 : i32
        %dma_start3A_142 = arith.constant 0 : i32
        %dma_start3A_143 = tpu.memref_slice %arg5[%mul3A_133, %dma_start3A_141, %dma_start3A_142] : memref<16x1024x512xf32, #tpu.memory_space<hbm>> -> memref<1x1024x512xf32, #tpu.memory_space<hbm>>
        tpu.enqueue_dma source(%dma_start3A_143 : memref<1x1024x512xf32, #tpu.memory_space<hbm>>) target(%dma_start3A_140 : memref<1x1024x512xf32, #tpu.memory_space<vmem>>) target_semaphore(%dma_start3A_135 : memref<!tpu.dma_semaphore, #tpu.memory_space<semaphore_mem>>)
        %add3A_144 = arith.constant 0 : i32
        %add3A_145 = arith.constant 1 : i32
        %add3A_146 = arith.addi %add3A_144, %add3A_145 : i32
        %select_n3A_147 = arith.constant true
        %select_n3A_148 = arith.constant 0 : i32
        %select_n3A_149 = arith.select %select_n3A_147, %add3A_146, %select_n3A_148 : i32
        %rem3A_150 = arith.constant 0 : i32
        %rem3A_151 = arith.constant 2 : i32
        %rem3A_152 = arith.remui %rem3A_150, %rem3A_151 : i32
        %get3A_153 = arith.constant 0 : index
        %get3A_154 = memref.load %arg0[%get3A_153] : memref<19xi32, #tpu.memory_space<smem>>
        %mul3A_155 = arith.constant 1 : i32
        %mul3A_156 = arith.muli %mul3A_155, %get3A_154 : i32
        %dma_start3A_157 = tpu.memref_slice %run_scoped3A_10[%rem3A_152] : memref<2x!tpu.dma_semaphore, #tpu.memory_space<semaphore_mem>> -> memref<1x!tpu.dma_semaphore, #tpu.memory_space<semaphore_mem>>
        %dma_start3A_158 = tpu.memref_squeeze %dma_start3A_157 : memref<1x!tpu.dma_semaphore, #tpu.memory_space<semaphore_mem>> -> memref<!tpu.dma_semaphore, #tpu.memory_space<semaphore_mem>>
        %dma_start3A_159 = arith.constant 0 : i32
        %dma_start3A_160 = arith.constant 0 : i32
        %dma_start3A_161 = arith.constant 0 : i32
        %dma_start3A_162 = tpu.memref_slice %run_scoped3A_9[%rem3A_152, %dma_start3A_159, %dma_start3A_160, %dma_start3A_161] : memref<2x1x1x512xf32, #tpu.memory_space<vmem>> -> memref<1x1x1x512xf32, #tpu.memory_space<vmem>>
        %dma_start3A_163 = tpu.memref_squeeze %dma_start3A_162 : memref<1x1x1x512xf32, #tpu.memory_space<vmem>> -> memref<1x1x512xf32, #tpu.memory_space<vmem>>
        %dma_start3A_164 = arith.constant 0 : i32
        %dma_start3A_165 = arith.constant 0 : i32
        %dma_start3A_166 = tpu.memref_slice %arg6[%mul3A_156, %dma_start3A_164, %dma_start3A_165] : memref<16x1x512xf32, #tpu.memory_space<hbm>> -> memref<1x1x512xf32, #tpu.memory_space<hbm>>
        tpu.enqueue_dma source(%dma_start3A_166 : memref<1x1x512xf32, #tpu.memory_space<hbm>>) target(%dma_start3A_163 : memref<1x1x512xf32, #tpu.memory_space<vmem>>) target_semaphore(%dma_start3A_158 : memref<!tpu.dma_semaphore, #tpu.memory_space<semaphore_mem>>)
        %add3A_167 = arith.constant 0 : i32
        %add3A_168 = arith.constant 1 : i32
        %add3A_169 = arith.addi %add3A_167, %add3A_168 : i32
        %select_n3A_170 = arith.constant true
        %select_n3A_171 = arith.constant 0 : i32
        %select_n3A_172 = arith.select %select_n3A_170, %add3A_169, %select_n3A_171 : i32
        %add3A_173 = arith.constant 0 : i32
        %add3A_174 = arith.constant 0 : i32
        %add3A_175 = arith.addi %add3A_173, %add3A_174 : i32
        %rem3A_176 = arith.constant 0 : i32
        %rem3A_177 = arith.constant 3 : i32
        %rem3A_178 = arith.remui %rem3A_176, %rem3A_177 : i32
        %get3A_179 = arith.index_cast %add3A_175 : i32 to index
        %get3A_180 = memref.load %arg0[%get3A_179] : memref<19xi32, #tpu.memory_space<smem>>
        %mul3A_181 = arith.constant 1 : i32
        %mul3A_182 = arith.muli %mul3A_181, %get3A_180 : i32
        %dma_start3A_183 = tpu.memref_slice %run_scoped3A_12[%rem3A_178] : memref<3x!tpu.dma_semaphore, #tpu.memory_space<semaphore_mem>> -> memref<1x!tpu.dma_semaphore, #tpu.memory_space<semaphore_mem>>
        %dma_start3A_184 = tpu.memref_squeeze %dma_start3A_183 : memref<1x!tpu.dma_semaphore, #tpu.memory_space<semaphore_mem>> -> memref<!tpu.dma_semaphore, #tpu.memory_space<semaphore_mem>>
        %dma_start3A_185 = arith.constant 0 : i32
        %dma_start3A_186 = arith.constant 0 : i32
        %dma_start3A_187 = arith.constant 0 : i32
        %dma_start3A_188 = tpu.memref_slice %run_scoped3A_11[%rem3A_178, %dma_start3A_185, %dma_start3A_186, %dma_start3A_187] : memref<3x1x512x1024xf32, #tpu.memory_space<vmem>> -> memref<1x1x512x1024xf32, #tpu.memory_space<vmem>>
        %dma_start3A_189 = tpu.memref_squeeze %dma_start3A_188 : memref<1x1x512x1024xf32, #tpu.memory_space<vmem>> -> memref<1x512x1024xf32, #tpu.memory_space<vmem>>
        %dma_start3A_190 = arith.constant 0 : i32
        %dma_start3A_191 = arith.constant 0 : i32
        %dma_start3A_192 = tpu.memref_slice %arg7[%mul3A_182, %dma_start3A_190, %dma_start3A_191] : memref<16x512x1024xf32, #tpu.memory_space<hbm>> -> memref<1x512x1024xf32, #tpu.memory_space<hbm>>
        tpu.enqueue_dma source(%dma_start3A_192 : memref<1x512x1024xf32, #tpu.memory_space<hbm>>) target(%dma_start3A_189 : memref<1x512x1024xf32, #tpu.memory_space<vmem>>) target_semaphore(%dma_start3A_184 : memref<!tpu.dma_semaphore, #tpu.memory_space<semaphore_mem>>)
        %add3A_193 = arith.constant 0 : i32
        %add3A_194 = arith.constant 1 : i32
        %add3A_195 = arith.addi %add3A_193, %add3A_194 : i32
        %select_n3A_196 = arith.constant true
        %select_n3A_197 = arith.constant 0 : i32
        %select_n3A_198 = arith.select %select_n3A_196, %add3A_195, %select_n3A_197 : i32
        %rem3A_199 = arith.constant 0 : i32
        %rem3A_200 = arith.constant 2 : i32
        %rem3A_201 = arith.remui %rem3A_199, %rem3A_200 : i32
        %get3A_202 = arith.constant 0 : index
        %get3A_203 = memref.load %arg0[%get3A_202] : memref<19xi32, #tpu.memory_space<smem>>
        %mul3A_204 = arith.constant 1 : i32
        %mul3A_205 = arith.muli %mul3A_204, %get3A_203 : i32
        %dma_start3A_206 = tpu.memref_slice %run_scoped3A_14[%rem3A_201] : memref<2x!tpu.dma_semaphore, #tpu.memory_space<semaphore_mem>> -> memref<1x!tpu.dma_semaphore, #tpu.memory_space<semaphore_mem>>
        %dma_start3A_207 = tpu.memref_squeeze %dma_start3A_206 : memref<1x!tpu.dma_semaphore, #tpu.memory_space<semaphore_mem>> -> memref<!tpu.dma_semaphore, #tpu.memory_space<semaphore_mem>>
        %dma_start3A_208 = arith.constant 0 : i32
        %dma_start3A_209 = arith.constant 0 : i32
        %dma_start3A_210 = arith.constant 0 : i32
        %dma_start3A_211 = tpu.memref_slice %run_scoped3A_13[%rem3A_201, %dma_start3A_208, %dma_start3A_209, %dma_start3A_210] : memref<2x1x1x1024xf32, #tpu.memory_space<vmem>> -> memref<1x1x1x1024xf32, #tpu.memory_space<vmem>>
        %dma_start3A_212 = tpu.memref_squeeze %dma_start3A_211 : memref<1x1x1x1024xf32, #tpu.memory_space<vmem>> -> memref<1x1x1024xf32, #tpu.memory_space<vmem>>
        %dma_start3A_213 = arith.constant 0 : i32
        %dma_start3A_214 = arith.constant 0 : i32
        %dma_start3A_215 = tpu.memref_slice %arg8[%mul3A_205, %dma_start3A_213, %dma_start3A_214] : memref<16x1x1024xf32, #tpu.memory_space<hbm>> -> memref<1x1x1024xf32, #tpu.memory_space<hbm>>
        tpu.enqueue_dma source(%dma_start3A_215 : memref<1x1x1024xf32, #tpu.memory_space<hbm>>) target(%dma_start3A_212 : memref<1x1x1024xf32, #tpu.memory_space<vmem>>) target_semaphore(%dma_start3A_207 : memref<!tpu.dma_semaphore, #tpu.memory_space<semaphore_mem>>)
        %add3A_216 = arith.constant 0 : i32
        %add3A_217 = arith.constant 1 : i32
        %add3A_218 = arith.addi %add3A_216, %add3A_217 : i32
        %select_n3A_219 = arith.constant true
        %select_n3A_220 = arith.constant 0 : i32
        %select_n3A_221 = arith.select %select_n3A_219, %add3A_218, %select_n3A_220 : i32
        %ne3A = arith.constant 0 : i32
        "tpu.trace_stop"() : () -> ()
        "tpu.trace_start"() <{level = 10 : i32, message = "ep_initialize_1"}> : () -> ()
        %ne3A_222 = arith.cmpi ne, %add3A_40, %ne3A : i32
        %or3A = arith.constant false
        %or3A_223 = arith.ori %or3A, %ne3A_222 : i1
        %or3A_224 = arith.constant false
        %or3A_225 = arith.ori %or3A_223, %or3A_224 : i1
        %and3A = arith.constant true
        %and3A_226 = arith.andi %and3A, %or3A_225 : i1
        %convert_element_type3A_227 = arith.extui %and3A_226 : i1 to i32
        %cond3A_228 = arith.constant 0 : i32
        %cond3A_229 = arith.cmpi ne, %convert_element_type3A_227, %cond3A_228 : i32
        scf.if %cond3A_229 {
          %rem3A_388 = arith.constant 3 : i32
          %rem3A_389 = arith.remui %select_n3A_74, %rem3A_388 : i32
          %mul3A_390 = arith.constant 128 : i32
          %mul3A_391 = arith.muli %mul3A_390, %add3A_40 : i32
          %dma_start3A_392 = tpu.memref_slice %run_scoped3A_2[%rem3A_389] : memref<3x!tpu.dma_semaphore, #tpu.memory_space<semaphore_mem>> -> memref<1x!tpu.dma_semaphore, #tpu.memory_space<semaphore_mem>>
          %dma_start3A_393 = tpu.memref_squeeze %dma_start3A_392 : memref<1x!tpu.dma_semaphore, #tpu.memory_space<semaphore_mem>> -> memref<!tpu.dma_semaphore, #tpu.memory_space<semaphore_mem>>
          %dma_start3A_394 = arith.constant 0 : i32
          %dma_start3A_395 = arith.constant 0 : i32
          %dma_start3A_396 = tpu.memref_slice %run_scoped3A[%rem3A_389, %dma_start3A_394, %dma_start3A_395] : memref<3x128x1024xf32, #tpu.memory_space<vmem>> -> memref<1x128x1024xf32, #tpu.memory_space<vmem>>
          %dma_start3A_397 = tpu.memref_squeeze %dma_start3A_396 : memref<1x128x1024xf32, #tpu.memory_space<vmem>> -> memref<128x1024xf32, #tpu.memory_space<vmem>>
          %dma_start3A_398 = arith.constant 0 : i32
          %dma_start3A_399 = tpu.memref_slice %arg2[%mul3A_391, %dma_start3A_398] : memref<2432x1024xf32, #tpu.memory_space<hbm>> -> memref<128x1024xf32, #tpu.memory_space<hbm>>
          tpu.enqueue_dma source(%dma_start3A_399 : memref<128x1024xf32, #tpu.memory_space<hbm>>) target(%dma_start3A_397 : memref<128x1024xf32, #tpu.memory_space<vmem>>) target_semaphore(%dma_start3A_393 : memref<!tpu.dma_semaphore, #tpu.memory_space<semaphore_mem>>)
        } else {
        }
        %add3A_230 = arith.constant 1 : i32
        %add3A_231 = arith.addi %select_n3A_74, %add3A_230 : i32
        %select_n3A_232 = arith.select %and3A_226, %add3A_231, %select_n3A_74 : i32
        %add3A_233 = arith.constant 0 : i32
        %add3A_234 = arith.constant 3 : i32
        %add3A_235 = arith.addi %add3A_233, %add3A_234 : i32
        %add3A_236 = arith.constant 1 : i32
        %add3A_237 = arith.addi %select_n3A_100, %add3A_236 : i32
        %lt3A = arith.cmpi ult, %add3A_235, %add3A_237 : i32
        %select_n3A_238 = arith.select %lt3A, %add3A_235, %add3A_237 : i32
        %add3A_239 = arith.constant 0 : i32
        %add3A_240 = arith.constant 1 : i32
        %add3A_241 = arith.addi %add3A_239, %add3A_240 : i32
        %select_n3A_242 = arith.constant true
        %select_n3A_243 = arith.constant 0 : i32
        %select_n3A_244 = arith.select %select_n3A_242, %add3A_241, %select_n3A_243 : i32
        %select_n3A_245 = arith.constant false
        %select_n3A_246 = arith.constant 0 : i32
        %select_n3A_247 = arith.select %select_n3A_245, %select_n3A_246, %select_n3A_244 : i32
        %while3A = arith.constant 0 : i32
        %while3A_248:3 = scf.while (%while3A_388 = %while3A, %while3A_389 = %select_n3A_247, %while3A_390 = %select_n3A_100) : (i32, i32, i32) -> (i32, i32, i32) {
          %lt3A_391 = arith.cmpi ult, %while3A_390, %select_n3A_238 : i32
          %lt3A_392 = arith.cmpi slt, %while3A_389, %get3A_0 : i32
          %and3A_393 = arith.constant true
          %and3A_394 = arith.andi %and3A_393, %lt3A_392 : i1
          %and3A_395 = arith.constant true
          %and3A_396 = arith.andi %and3A_395, %lt3A_391 : i1
          %and3A_397 = arith.andi %and3A_396, %and3A_394 : i1
          scf.condition(%and3A_397) %while3A_388, %while3A_389, %while3A_390 : i32, i32, i32
        } do {
        ^bb0(%while3A_388: i32, %while3A_389: i32, %while3A_390: i32):
          %add3A_391 = arith.constant 0 : i32
          %add3A_392 = arith.addi %while3A_388, %add3A_391 : i32
          %add3A_393 = arith.constant 0 : i32
          %add3A_394 = arith.addi %while3A_389, %add3A_393 : i32
          %get3A_395 = arith.index_cast %add3A_392 : i32 to index
          %get3A_396 = memref.load %arg0[%get3A_395] : memref<19xi32, #tpu.memory_space<smem>>
          %get3A_397 = arith.index_cast %add3A_394 : i32 to index
          %get3A_398 = memref.load %arg0[%get3A_397] : memref<19xi32, #tpu.memory_space<smem>>
          %ne3A_399 = arith.cmpi ne, %get3A_396, %get3A_398 : i32
          %or3A_400 = arith.constant false
          %or3A_401 = arith.ori %or3A_400, %ne3A_399 : i1
          %or3A_402 = arith.constant false
          %or3A_403 = arith.ori %or3A_401, %or3A_402 : i1
          %or3A_404 = arith.constant false
          %or3A_405 = arith.ori %or3A_403, %or3A_404 : i1
          %convert_element_type3A_406 = arith.extui %or3A_405 : i1 to i32
          %cond3A_407 = arith.constant 0 : i32
          %cond3A_408 = arith.cmpi ne, %convert_element_type3A_406, %cond3A_407 : i32
          scf.if %cond3A_408 {
            %rem3A_418 = arith.constant 3 : i32
            %rem3A_419 = arith.remui %while3A_390, %rem3A_418 : i32
            %get3A_420 = arith.index_cast %add3A_394 : i32 to index
            %get3A_421 = memref.load %arg0[%get3A_420] : memref<19xi32, #tpu.memory_space<smem>>
            %mul3A_422 = arith.constant 1 : i32
            %mul3A_423 = arith.muli %mul3A_422, %get3A_421 : i32
            %dma_start3A_424 = tpu.memref_slice %run_scoped3A_4[%rem3A_419] : memref<3x!tpu.dma_semaphore, #tpu.memory_space<semaphore_mem>> -> memref<1x!tpu.dma_semaphore, #tpu.memory_space<semaphore_mem>>
            %dma_start3A_425 = tpu.memref_squeeze %dma_start3A_424 : memref<1x!tpu.dma_semaphore, #tpu.memory_space<semaphore_mem>> -> memref<!tpu.dma_semaphore, #tpu.memory_space<semaphore_mem>>
            %dma_start3A_426 = arith.constant 0 : i32
            %dma_start3A_427 = arith.constant 0 : i32
            %dma_start3A_428 = arith.constant 0 : i32
            %dma_start3A_429 = tpu.memref_slice %run_scoped3A_3[%rem3A_419, %dma_start3A_426, %dma_start3A_427, %dma_start3A_428] : memref<3x1x1024x512xf32, #tpu.memory_space<vmem>> -> memref<1x1x1024x512xf32, #tpu.memory_space<vmem>>
            %dma_start3A_430 = tpu.memref_squeeze %dma_start3A_429 : memref<1x1x1024x512xf32, #tpu.memory_space<vmem>> -> memref<1x1024x512xf32, #tpu.memory_space<vmem>>
            %dma_start3A_431 = arith.constant 0 : i32
            %dma_start3A_432 = arith.constant 0 : i32
            %dma_start3A_433 = tpu.memref_slice %arg3[%mul3A_423, %dma_start3A_431, %dma_start3A_432] : memref<16x1024x512xf32, #tpu.memory_space<hbm>> -> memref<1x1024x512xf32, #tpu.memory_space<hbm>>
            tpu.enqueue_dma source(%dma_start3A_433 : memref<1x1024x512xf32, #tpu.memory_space<hbm>>) target(%dma_start3A_430 : memref<1x1024x512xf32, #tpu.memory_space<vmem>>) target_semaphore(%dma_start3A_425 : memref<!tpu.dma_semaphore, #tpu.memory_space<semaphore_mem>>)
          } else {
          }
          %convert_element_type3A_409 = arith.extui %or3A_405 : i1 to i32
          %add3A_410 = arith.addi %while3A_390, %convert_element_type3A_409 : i32
          %add3A_411 = arith.constant 1 : i32
          %add3A_412 = arith.addi %while3A_389, %add3A_411 : i32
          %select_n3A_413 = arith.constant true
          %select_n3A_414 = arith.select %select_n3A_413, %add3A_412, %while3A_389 : i32
          %select_n3A_415 = arith.constant false
          %select_n3A_416 = arith.constant 0 : i32
          %select_n3A_417 = arith.select %select_n3A_415, %select_n3A_416, %select_n3A_414 : i32
          scf.yield %while3A_389, %select_n3A_417, %add3A_410 : i32, i32, i32
        }
        %add3A_249 = arith.constant 0 : i32
        %add3A_250 = arith.constant 3 : i32
        %add3A_251 = arith.addi %add3A_249, %add3A_250 : i32
        %add3A_252 = arith.constant 1 : i32
        %add3A_253 = arith.addi %select_n3A_149, %add3A_252 : i32
        %lt3A_254 = arith.cmpi ult, %add3A_251, %add3A_253 : i32
        %select_n3A_255 = arith.select %lt3A_254, %add3A_251, %add3A_253 : i32
        %add3A_256 = arith.constant 0 : i32
        %add3A_257 = arith.constant 1 : i32
        %add3A_258 = arith.addi %add3A_256, %add3A_257 : i32
        %select_n3A_259 = arith.constant true
        %select_n3A_260 = arith.constant 0 : i32
        %select_n3A_261 = arith.select %select_n3A_259, %add3A_258, %select_n3A_260 : i32
        %select_n3A_262 = arith.constant false
        %select_n3A_263 = arith.constant 0 : i32
        %select_n3A_264 = arith.select %select_n3A_262, %select_n3A_263, %select_n3A_261 : i32
        %while3A_265 = arith.constant 0 : i32
        %while3A_266:3 = scf.while (%while3A_388 = %while3A_265, %while3A_389 = %select_n3A_264, %while3A_390 = %select_n3A_149) : (i32, i32, i32) -> (i32, i32, i32) {
          %lt3A_391 = arith.cmpi ult, %while3A_390, %select_n3A_255 : i32
          %lt3A_392 = arith.cmpi slt, %while3A_389, %get3A_0 : i32
          %and3A_393 = arith.constant true
          %and3A_394 = arith.andi %and3A_393, %lt3A_392 : i1
          %and3A_395 = arith.constant true
          %and3A_396 = arith.andi %and3A_395, %lt3A_391 : i1
          %and3A_397 = arith.andi %and3A_396, %and3A_394 : i1
          scf.condition(%and3A_397) %while3A_388, %while3A_389, %while3A_390 : i32, i32, i32
        } do {
        ^bb0(%while3A_388: i32, %while3A_389: i32, %while3A_390: i32):
          %add3A_391 = arith.constant 0 : i32
          %add3A_392 = arith.addi %while3A_388, %add3A_391 : i32
          %add3A_393 = arith.constant 0 : i32
          %add3A_394 = arith.addi %while3A_389, %add3A_393 : i32
          %get3A_395 = arith.index_cast %add3A_392 : i32 to index
          %get3A_396 = memref.load %arg0[%get3A_395] : memref<19xi32, #tpu.memory_space<smem>>
          %get3A_397 = arith.index_cast %add3A_394 : i32 to index
          %get3A_398 = memref.load %arg0[%get3A_397] : memref<19xi32, #tpu.memory_space<smem>>
          %ne3A_399 = arith.cmpi ne, %get3A_396, %get3A_398 : i32
          %or3A_400 = arith.constant false
          %or3A_401 = arith.ori %or3A_400, %ne3A_399 : i1
          %or3A_402 = arith.constant false
          %or3A_403 = arith.ori %or3A_401, %or3A_402 : i1
          %or3A_404 = arith.constant false
          %or3A_405 = arith.ori %or3A_403, %or3A_404 : i1
          %convert_element_type3A_406 = arith.extui %or3A_405 : i1 to i32
          %cond3A_407 = arith.constant 0 : i32
          %cond3A_408 = arith.cmpi ne, %convert_element_type3A_406, %cond3A_407 : i32
          scf.if %cond3A_408 {
            %rem3A_418 = arith.constant 3 : i32
            %rem3A_419 = arith.remui %while3A_390, %rem3A_418 : i32
            %get3A_420 = arith.index_cast %add3A_394 : i32 to index
            %get3A_421 = memref.load %arg0[%get3A_420] : memref<19xi32, #tpu.memory_space<smem>>
            %mul3A_422 = arith.constant 1 : i32
            %mul3A_423 = arith.muli %mul3A_422, %get3A_421 : i32
            %dma_start3A_424 = tpu.memref_slice %run_scoped3A_8[%rem3A_419] : memref<3x!tpu.dma_semaphore, #tpu.memory_space<semaphore_mem>> -> memref<1x!tpu.dma_semaphore, #tpu.memory_space<semaphore_mem>>
            %dma_start3A_425 = tpu.memref_squeeze %dma_start3A_424 : memref<1x!tpu.dma_semaphore, #tpu.memory_space<semaphore_mem>> -> memref<!tpu.dma_semaphore, #tpu.memory_space<semaphore_mem>>
            %dma_start3A_426 = arith.constant 0 : i32
            %dma_start3A_427 = arith.constant 0 : i32
            %dma_start3A_428 = arith.constant 0 : i32
            %dma_start3A_429 = tpu.memref_slice %run_scoped3A_7[%rem3A_419, %dma_start3A_426, %dma_start3A_427, %dma_start3A_428] : memref<3x1x1024x512xf32, #tpu.memory_space<vmem>> -> memref<1x1x1024x512xf32, #tpu.memory_space<vmem>>
            %dma_start3A_430 = tpu.memref_squeeze %dma_start3A_429 : memref<1x1x1024x512xf32, #tpu.memory_space<vmem>> -> memref<1x1024x512xf32, #tpu.memory_space<vmem>>
            %dma_start3A_431 = arith.constant 0 : i32
            %dma_start3A_432 = arith.constant 0 : i32
            %dma_start3A_433 = tpu.memref_slice %arg5[%mul3A_423, %dma_start3A_431, %dma_start3A_432] : memref<16x1024x512xf32, #tpu.memory_space<hbm>> -> memref<1x1024x512xf32, #tpu.memory_space<hbm>>
            tpu.enqueue_dma source(%dma_start3A_433 : memref<1x1024x512xf32, #tpu.memory_space<hbm>>) target(%dma_start3A_430 : memref<1x1024x512xf32, #tpu.memory_space<vmem>>) target_semaphore(%dma_start3A_425 : memref<!tpu.dma_semaphore, #tpu.memory_space<semaphore_mem>>)
          } else {
          }
          %convert_element_type3A_409 = arith.extui %or3A_405 : i1 to i32
          %add3A_410 = arith.addi %while3A_390, %convert_element_type3A_409 : i32
          %add3A_411 = arith.constant 1 : i32
          %add3A_412 = arith.addi %while3A_389, %add3A_411 : i32
          %select_n3A_413 = arith.constant true
          %select_n3A_414 = arith.select %select_n3A_413, %add3A_412, %while3A_389 : i32
          %select_n3A_415 = arith.constant false
          %select_n3A_416 = arith.constant 0 : i32
          %select_n3A_417 = arith.select %select_n3A_415, %select_n3A_416, %select_n3A_414 : i32
          scf.yield %while3A_389, %select_n3A_417, %add3A_410 : i32, i32, i32
        }
        %add3A_267 = arith.constant 0 : i32
        %add3A_268 = arith.constant 3 : i32
        %add3A_269 = arith.addi %add3A_267, %add3A_268 : i32
        %add3A_270 = arith.constant 1 : i32
        %add3A_271 = arith.addi %select_n3A_198, %add3A_270 : i32
        %lt3A_272 = arith.cmpi ult, %add3A_269, %add3A_271 : i32
        %select_n3A_273 = arith.select %lt3A_272, %add3A_269, %add3A_271 : i32
        %add3A_274 = arith.constant 0 : i32
        %add3A_275 = arith.constant 1 : i32
        %add3A_276 = arith.addi %add3A_274, %add3A_275 : i32
        %select_n3A_277 = arith.constant true
        %select_n3A_278 = arith.constant 0 : i32
        %select_n3A_279 = arith.select %select_n3A_277, %add3A_276, %select_n3A_278 : i32
        %select_n3A_280 = arith.constant false
        %select_n3A_281 = arith.constant 0 : i32
        %select_n3A_282 = arith.select %select_n3A_280, %select_n3A_281, %select_n3A_279 : i32
        %while3A_283 = arith.constant 0 : i32
        %while3A_284:3 = scf.while (%while3A_388 = %while3A_283, %while3A_389 = %select_n3A_282, %while3A_390 = %select_n3A_198) : (i32, i32, i32) -> (i32, i32, i32) {
          %lt3A_391 = arith.cmpi ult, %while3A_390, %select_n3A_273 : i32
          %lt3A_392 = arith.cmpi slt, %while3A_389, %get3A_0 : i32
          %and3A_393 = arith.constant true
          %and3A_394 = arith.andi %and3A_393, %lt3A_392 : i1
          %and3A_395 = arith.constant true
          %and3A_396 = arith.andi %and3A_395, %lt3A_391 : i1
          %and3A_397 = arith.andi %and3A_396, %and3A_394 : i1
          scf.condition(%and3A_397) %while3A_388, %while3A_389, %while3A_390 : i32, i32, i32
        } do {
        ^bb0(%while3A_388: i32, %while3A_389: i32, %while3A_390: i32):
          %add3A_391 = arith.constant 0 : i32
          %add3A_392 = arith.addi %while3A_388, %add3A_391 : i32
          %add3A_393 = arith.constant 0 : i32
          %add3A_394 = arith.addi %while3A_389, %add3A_393 : i32
          %get3A_395 = arith.index_cast %add3A_392 : i32 to index
          %get3A_396 = memref.load %arg0[%get3A_395] : memref<19xi32, #tpu.memory_space<smem>>
          %get3A_397 = arith.index_cast %add3A_394 : i32 to index
          %get3A_398 = memref.load %arg0[%get3A_397] : memref<19xi32, #tpu.memory_space<smem>>
          %ne3A_399 = arith.cmpi ne, %get3A_396, %get3A_398 : i32
          %or3A_400 = arith.constant false
          %or3A_401 = arith.ori %or3A_400, %ne3A_399 : i1
          %or3A_402 = arith.constant false
          %or3A_403 = arith.ori %or3A_401, %or3A_402 : i1
          %or3A_404 = arith.constant false
          %or3A_405 = arith.ori %or3A_403, %or3A_404 : i1
          %convert_element_type3A_406 = arith.extui %or3A_405 : i1 to i32
          %cond3A_407 = arith.constant 0 : i32
          %cond3A_408 = arith.cmpi ne, %convert_element_type3A_406, %cond3A_407 : i32
          scf.if %cond3A_408 {
            %rem3A_418 = arith.constant 3 : i32
            %rem3A_419 = arith.remui %while3A_390, %rem3A_418 : i32
            %get3A_420 = arith.index_cast %add3A_394 : i32 to index
            %get3A_421 = memref.load %arg0[%get3A_420] : memref<19xi32, #tpu.memory_space<smem>>
            %mul3A_422 = arith.constant 1 : i32
            %mul3A_423 = arith.muli %mul3A_422, %get3A_421 : i32
            %dma_start3A_424 = tpu.memref_slice %run_scoped3A_12[%rem3A_419] : memref<3x!tpu.dma_semaphore, #tpu.memory_space<semaphore_mem>> -> memref<1x!tpu.dma_semaphore, #tpu.memory_space<semaphore_mem>>
            %dma_start3A_425 = tpu.memref_squeeze %dma_start3A_424 : memref<1x!tpu.dma_semaphore, #tpu.memory_space<semaphore_mem>> -> memref<!tpu.dma_semaphore, #tpu.memory_space<semaphore_mem>>
            %dma_start3A_426 = arith.constant 0 : i32
            %dma_start3A_427 = arith.constant 0 : i32
            %dma_start3A_428 = arith.constant 0 : i32
            %dma_start3A_429 = tpu.memref_slice %run_scoped3A_11[%rem3A_419, %dma_start3A_426, %dma_start3A_427, %dma_start3A_428] : memref<3x1x512x1024xf32, #tpu.memory_space<vmem>> -> memref<1x1x512x1024xf32, #tpu.memory_space<vmem>>
            %dma_start3A_430 = tpu.memref_squeeze %dma_start3A_429 : memref<1x1x512x1024xf32, #tpu.memory_space<vmem>> -> memref<1x512x1024xf32, #tpu.memory_space<vmem>>
            %dma_start3A_431 = arith.constant 0 : i32
            %dma_start3A_432 = arith.constant 0 : i32
            %dma_start3A_433 = tpu.memref_slice %arg7[%mul3A_423, %dma_start3A_431, %dma_start3A_432] : memref<16x512x1024xf32, #tpu.memory_space<hbm>> -> memref<1x512x1024xf32, #tpu.memory_space<hbm>>
            tpu.enqueue_dma source(%dma_start3A_433 : memref<1x512x1024xf32, #tpu.memory_space<hbm>>) target(%dma_start3A_430 : memref<1x512x1024xf32, #tpu.memory_space<vmem>>) target_semaphore(%dma_start3A_425 : memref<!tpu.dma_semaphore, #tpu.memory_space<semaphore_mem>>)
          } else {
          }
          %convert_element_type3A_409 = arith.extui %or3A_405 : i1 to i32
          %add3A_410 = arith.addi %while3A_390, %convert_element_type3A_409 : i32
          %add3A_411 = arith.constant 1 : i32
          %add3A_412 = arith.addi %while3A_389, %add3A_411 : i32
          %select_n3A_413 = arith.constant true
          %select_n3A_414 = arith.select %select_n3A_413, %add3A_412, %while3A_389 : i32
          %select_n3A_415 = arith.constant false
          %select_n3A_416 = arith.constant 0 : i32
          %select_n3A_417 = arith.select %select_n3A_415, %select_n3A_416, %select_n3A_414 : i32
          scf.yield %while3A_389, %select_n3A_417, %add3A_410 : i32, i32, i32
        }
        %while3A_285 = arith.constant 0 : i32
        %while3A_286 = arith.constant 0 : i32
        %while3A_287 = arith.constant 0 : i32
        %while3A_288 = arith.constant 0 : i32
        %while3A_289 = arith.constant 0 : i32
        %while3A_290 = arith.constant 0 : i32
        %while3A_291 = arith.constant 0 : i32
        %while3A_292 = arith.constant 0 : i32
        %while3A_293 = arith.constant 0 : i32
        %while3A_294 = arith.constant 0 : i32
        %while3A_295 = arith.constant 0 : i32
        "tpu.trace_stop"() : () -> ()
        %while3A_296 = arith.subi %mul3A_1, %while3A_285 : i32
        %while3A_297 = arith.addi %while3A_285, %while3A_296 : i32
        %while3A_298 = arith.constant 1 : i32
        %while3A_299 = arith.divsi %while3A_296, %while3A_298 : i32
        %while3A_300 = arith.muli %while3A_299, %while3A_298 : i32
        %while3A_301 = arith.addi %while3A_285, %while3A_300 : i32
        %while3A_302 = arith.constant 1 : i32
        %while3A_303:20 = scf.for %while3A_388 = %while3A_285 to %while3A_301 step %while3A_302 iter_args(%while3A_389 = %select_n3A_232, %while3A_390 = %while3A_286, %while3A_391 = %while3A_248#2, %while3A_392 = %while3A_287, %while3A_393 = %while3A_248#0, %while3A_394 = %select_n3A_123, %while3A_395 = %while3A_288, %while3A_396 = %while3A_266#2, %while3A_397 = %while3A_289, %while3A_398 = %while3A_266#0, %while3A_399 = %select_n3A_172, %while3A_400 = %while3A_290, %while3A_401 = %while3A_284#2, %while3A_402 = %while3A_291, %while3A_403 = %while3A_284#0, %while3A_404 = %select_n3A_221, %while3A_405 = %while3A_292, %while3A_406 = %while3A_293, %while3A_407 = %while3A_294, %while3A_408 = %while3A_295) -> (i32, i32, i32, i32, i32, i32, i32, i32, i32, i32, i32, i32, i32, i32, i32, i32, i32, i32, i32, i32)  : i32 {
          %mul3A_409 = arith.constant 1 : i32
          %mul3A_410 = arith.muli %mul3A_409, %get3A_0 : i32
          %eq3A_411 = arith.constant 0 : i32
          %eq3A_412 = arith.cmpi eq, %while3A_388, %eq3A_411 : i32
          %sub3A_413 = arith.constant 1 : i32
          %sub3A_414 = arith.subi %mul3A_410, %sub3A_413 : i32
          %eq3A_415 = arith.cmpi eq, %while3A_388, %sub3A_414 : i32
          %add3A_416 = arith.constant 0 : i32
          %add3A_417 = arith.addi %while3A_408, %add3A_416 : i32
          %sub3A_418 = arith.constant 1 : i32
          %sub3A_419 = arith.subi %while3A_408, %sub3A_418 : i32
          %select_n3A_420 = arith.constant true
          %select_n3A_421 = arith.select %select_n3A_420, %sub3A_419, %while3A_408 : i32
          %eq3A_422 = arith.constant -1 : i32
          %eq3A_423 = arith.cmpi eq, %select_n3A_421, %eq3A_422 : i32
          %sub3A_424 = arith.constant 1 : i32
          %sub3A_425 = arith.subi %get3A_0, %sub3A_424 : i32
          %select_n3A_426 = arith.select %eq3A_423, %sub3A_425, %select_n3A_421 : i32
          %add3A_427 = arith.constant 0 : i32
          %add3A_428 = arith.addi %select_n3A_426, %add3A_427 : i32
          %add3A_429 = arith.constant 1 : i32
          %add3A_430 = arith.addi %while3A_408, %add3A_429 : i32
          %select_n3A_431 = arith.constant true
          %select_n3A_432 = arith.select %select_n3A_431, %add3A_430, %while3A_408 : i32
          %eq3A_433 = arith.cmpi eq, %select_n3A_432, %get3A_0 : i32
          %select_n3A_434 = arith.constant 0 : i32
          %select_n3A_435 = arith.select %eq3A_433, %select_n3A_434, %select_n3A_432 : i32
          %add3A_436 = arith.constant 0 : i32
          %add3A_437 = arith.addi %select_n3A_435, %add3A_436 : i32
          %add3A_438 = arith.constant 1 : i32
          %add3A_439 = arith.addi %select_n3A_435, %add3A_438 : i32
          %select_n3A_440 = arith.constant true
          %select_n3A_441 = arith.select %select_n3A_440, %add3A_439, %select_n3A_435 : i32
          %eq3A_442 = arith.cmpi eq, %select_n3A_441, %get3A_0 : i32
          %select_n3A_443 = arith.constant 0 : i32
          %select_n3A_444 = arith.select %eq3A_442, %select_n3A_443, %select_n3A_441 : i32
          %add3A_445 = arith.constant 0 : i32
          %add3A_446 = arith.addi %select_n3A_444, %add3A_445 : i32
          %add3A_447 = arith.constant 1 : i32
          %add3A_448 = arith.addi %select_n3A_444, %add3A_447 : i32
          %select_n3A_449 = arith.constant true
          %select_n3A_450 = arith.select %select_n3A_449, %add3A_448, %select_n3A_444 : i32
          %eq3A_451 = arith.cmpi eq, %select_n3A_450, %get3A_0 : i32
          %select_n3A_452 = arith.constant 0 : i32
          %select_n3A_453 = arith.select %eq3A_451, %select_n3A_452, %select_n3A_450 : i32
          %add3A_454 = arith.constant 0 : i32
          %add3A_455 = arith.addi %select_n3A_453, %add3A_454 : i32
          %ne3A_456 = arith.cmpi ne, %add3A_437, %add3A_446 : i32
          %or3A_457 = arith.constant false
          %or3A_458 = arith.ori %or3A_457, %ne3A_456 : i1
          %or3A_459 = arith.constant false
          %or3A_460 = arith.ori %or3A_458, %or3A_459 : i1
          %sub3A_461 = arith.constant 3 : i32
          %sub3A_462 = arith.subi %mul3A_410, %sub3A_461 : i32
          %add3A_463 = arith.constant 1 : i32
          %add3A_464 = arith.addi %sub3A_462, %add3A_463 : i32
          %ge3A = arith.cmpi sge, %while3A_388, %add3A_464 : i32
          %not3A = arith.constant true
          %not3A_465 = arith.xori %ge3A, %not3A : i1
          %and3A_466 = arith.andi %or3A_460, %not3A_465 : i1
          %convert_element_type3A_467 = arith.extui %and3A_466 : i1 to i32
          %cond3A_468 = arith.constant 0 : i32
          %cond3A_469 = arith.cmpi ne, %convert_element_type3A_467, %cond3A_468 : i32
          scf.if %cond3A_469 {
            "tpu.trace_start"() <{level = 10 : i32, message = "ep_copy_in"}> : () -> ()
            %rem3A_1245 = arith.constant 3 : i32
            %rem3A_1246 = arith.remui %while3A_389, %rem3A_1245 : i32
            %mul3A_1247 = arith.constant 128 : i32
            %mul3A_1248 = arith.muli %mul3A_1247, %add3A_446 : i32
            %dma_start3A_1249 = tpu.memref_slice %run_scoped3A_2[%rem3A_1246] : memref<3x!tpu.dma_semaphore, #tpu.memory_space<semaphore_mem>> -> memref<1x!tpu.dma_semaphore, #tpu.memory_space<semaphore_mem>>
            %dma_start3A_1250 = tpu.memref_squeeze %dma_start3A_1249 : memref<1x!tpu.dma_semaphore, #tpu.memory_space<semaphore_mem>> -> memref<!tpu.dma_semaphore, #tpu.memory_space<semaphore_mem>>
            %dma_start3A_1251 = arith.constant 0 : i32
            %dma_start3A_1252 = arith.constant 0 : i32
            %dma_start3A_1253 = tpu.memref_slice %run_scoped3A[%rem3A_1246, %dma_start3A_1251, %dma_start3A_1252] : memref<3x128x1024xf32, #tpu.memory_space<vmem>> -> memref<1x128x1024xf32, #tpu.memory_space<vmem>>
            %dma_start3A_1254 = tpu.memref_squeeze %dma_start3A_1253 : memref<1x128x1024xf32, #tpu.memory_space<vmem>> -> memref<128x1024xf32, #tpu.memory_space<vmem>>
            %dma_start3A_1255 = arith.constant 0 : i32
            %dma_start3A_1256 = tpu.memref_slice %arg2[%mul3A_1248, %dma_start3A_1255] : memref<2432x1024xf32, #tpu.memory_space<hbm>> -> memref<128x1024xf32, #tpu.memory_space<hbm>>
            tpu.enqueue_dma source(%dma_start3A_1256 : memref<128x1024xf32, #tpu.memory_space<hbm>>) target(%dma_start3A_1254 : memref<128x1024xf32, #tpu.memory_space<vmem>>) target_semaphore(%dma_start3A_1250 : memref<!tpu.dma_semaphore, #tpu.memory_space<semaphore_mem>>)
            "tpu.trace_stop"() : () -> ()
          } else {
          }
          %and3A_470 = arith.constant true
          %and3A_471 = arith.andi %and3A_466, %and3A_470 : i1
          %add3A_472 = arith.constant 1 : i32
          %add3A_473 = arith.addi %while3A_389, %add3A_472 : i32
          %select_n3A_474 = arith.select %and3A_471, %add3A_473, %while3A_389 : i32
          %get3A_475 = arith.index_cast %add3A_437 : i32 to index
          %get3A_476 = memref.load %arg0[%get3A_475] : memref<19xi32, #tpu.memory_space<smem>>
          %get3A_477 = arith.index_cast %add3A_446 : i32 to index
          %get3A_478 = memref.load %arg0[%get3A_477] : memref<19xi32, #tpu.memory_space<smem>>
          %ne3A_479 = arith.cmpi ne, %get3A_476, %get3A_478 : i32
          %or3A_480 = arith.constant false
          %or3A_481 = arith.ori %or3A_480, %ne3A_479 : i1
          %or3A_482 = arith.constant false
          %or3A_483 = arith.ori %or3A_481, %or3A_482 : i1
          %or3A_484 = arith.constant false
          %or3A_485 = arith.ori %or3A_483, %or3A_484 : i1
          %sub3A_486 = arith.constant 3 : i32
          %sub3A_487 = arith.subi %mul3A_410, %sub3A_486 : i32
          %add3A_488 = arith.constant 1 : i32
          %add3A_489 = arith.addi %sub3A_487, %add3A_488 : i32
          %ge3A_490 = arith.cmpi sge, %while3A_388, %add3A_489 : i32
          %not3A_491 = arith.constant true
          %not3A_492 = arith.xori %ge3A_490, %not3A_491 : i1
          %and3A_493 = arith.andi %or3A_485, %not3A_492 : i1
          %add3A_494 = arith.constant 3 : i32
          %add3A_495 = arith.addi %while3A_392, %add3A_494 : i32
          %add3A_496 = arith.constant 1 : i32
          %add3A_497 = arith.addi %while3A_393, %add3A_496 : i32
          %select_n3A_498 = arith.constant true
          %select_n3A_499 = arith.select %select_n3A_498, %add3A_497, %while3A_393 : i32
          %select_n3A_500 = arith.constant false
          %select_n3A_501 = arith.constant 0 : i32
          %select_n3A_502 = arith.select %select_n3A_500, %select_n3A_501, %select_n3A_499 : i32
          %while3A_503:3 = scf.while (%while3A_1245 = %while3A_393, %while3A_1246 = %select_n3A_502, %while3A_1247 = %while3A_391) : (i32, i32, i32) -> (i32, i32, i32) {
            %lt3A_1248 = arith.cmpi ult, %while3A_1247, %add3A_495 : i32
            %lt3A_1249 = arith.cmpi slt, %while3A_1246, %get3A_0 : i32
            %and3A_1250 = arith.constant true
            %and3A_1251 = arith.andi %and3A_1250, %lt3A_1249 : i1
            %and3A_1252 = arith.constant true
            %and3A_1253 = arith.andi %and3A_1252, %lt3A_1248 : i1
            %and3A_1254 = arith.andi %and3A_1253, %and3A_1251 : i1
            scf.condition(%and3A_1254) %while3A_1245, %while3A_1246, %while3A_1247 : i32, i32, i32
          } do {
          ^bb0(%while3A_1245: i32, %while3A_1246: i32, %while3A_1247: i32):
            %add3A_1248 = arith.constant 0 : i32
            %add3A_1249 = arith.addi %while3A_1245, %add3A_1248 : i32
            %add3A_1250 = arith.constant 0 : i32
            %add3A_1251 = arith.addi %while3A_1246, %add3A_1250 : i32
            %get3A_1252 = arith.index_cast %add3A_1249 : i32 to index
            %get3A_1253 = memref.load %arg0[%get3A_1252] : memref<19xi32, #tpu.memory_space<smem>>
            %get3A_1254 = arith.index_cast %add3A_1251 : i32 to index
            %get3A_1255 = memref.load %arg0[%get3A_1254] : memref<19xi32, #tpu.memory_space<smem>>
            %ne3A_1256 = arith.cmpi ne, %get3A_1253, %get3A_1255 : i32
            %or3A_1257 = arith.constant false
            %or3A_1258 = arith.ori %or3A_1257, %ne3A_1256 : i1
            %or3A_1259 = arith.constant false
            %or3A_1260 = arith.ori %or3A_1258, %or3A_1259 : i1
            %or3A_1261 = arith.constant false
            %or3A_1262 = arith.ori %or3A_1260, %or3A_1261 : i1
            %convert_element_type3A_1263 = arith.extui %or3A_1262 : i1 to i32
            %cond3A_1264 = arith.constant 0 : i32
            %cond3A_1265 = arith.cmpi ne, %convert_element_type3A_1263, %cond3A_1264 : i32
            scf.if %cond3A_1265 {
              %rem3A_1275 = arith.constant 3 : i32
              %rem3A_1276 = arith.remui %while3A_1247, %rem3A_1275 : i32
              %get3A_1277 = arith.index_cast %add3A_1251 : i32 to index
              %get3A_1278 = memref.load %arg0[%get3A_1277] : memref<19xi32, #tpu.memory_space<smem>>
              %mul3A_1279 = arith.constant 1 : i32
              %mul3A_1280 = arith.muli %mul3A_1279, %get3A_1278 : i32
              %dma_start3A_1281 = tpu.memref_slice %run_scoped3A_4[%rem3A_1276] : memref<3x!tpu.dma_semaphore, #tpu.memory_space<semaphore_mem>> -> memref<1x!tpu.dma_semaphore, #tpu.memory_space<semaphore_mem>>
              %dma_start3A_1282 = tpu.memref_squeeze %dma_start3A_1281 : memref<1x!tpu.dma_semaphore, #tpu.memory_space<semaphore_mem>> -> memref<!tpu.dma_semaphore, #tpu.memory_space<semaphore_mem>>
              %dma_start3A_1283 = arith.constant 0 : i32
              %dma_start3A_1284 = arith.constant 0 : i32
              %dma_start3A_1285 = arith.constant 0 : i32
              %dma_start3A_1286 = tpu.memref_slice %run_scoped3A_3[%rem3A_1276, %dma_start3A_1283, %dma_start3A_1284, %dma_start3A_1285] : memref<3x1x1024x512xf32, #tpu.memory_space<vmem>> -> memref<1x1x1024x512xf32, #tpu.memory_space<vmem>>
              %dma_start3A_1287 = tpu.memref_squeeze %dma_start3A_1286 : memref<1x1x1024x512xf32, #tpu.memory_space<vmem>> -> memref<1x1024x512xf32, #tpu.memory_space<vmem>>
              %dma_start3A_1288 = arith.constant 0 : i32
              %dma_start3A_1289 = arith.constant 0 : i32
              %dma_start3A_1290 = tpu.memref_slice %arg3[%mul3A_1280, %dma_start3A_1288, %dma_start3A_1289] : memref<16x1024x512xf32, #tpu.memory_space<hbm>> -> memref<1x1024x512xf32, #tpu.memory_space<hbm>>
              tpu.enqueue_dma source(%dma_start3A_1290 : memref<1x1024x512xf32, #tpu.memory_space<hbm>>) target(%dma_start3A_1287 : memref<1x1024x512xf32, #tpu.memory_space<vmem>>) target_semaphore(%dma_start3A_1282 : memref<!tpu.dma_semaphore, #tpu.memory_space<semaphore_mem>>)
            } else {
            }
            %convert_element_type3A_1266 = arith.extui %or3A_1262 : i1 to i32
            %add3A_1267 = arith.addi %while3A_1247, %convert_element_type3A_1266 : i32
            %add3A_1268 = arith.constant 1 : i32
            %add3A_1269 = arith.addi %while3A_1246, %add3A_1268 : i32
            %select_n3A_1270 = arith.constant true
            %select_n3A_1271 = arith.select %select_n3A_1270, %add3A_1269, %while3A_1246 : i32
            %select_n3A_1272 = arith.constant false
            %select_n3A_1273 = arith.constant 0 : i32
            %select_n3A_1274 = arith.select %select_n3A_1272, %select_n3A_1273, %select_n3A_1271 : i32
            scf.yield %while3A_1246, %select_n3A_1274, %add3A_1267 : i32, i32, i32
          }
          %get3A_504 = arith.index_cast %add3A_417 : i32 to index
          %get3A_505 = memref.load %arg0[%get3A_504] : memref<19xi32, #tpu.memory_space<smem>>
          %get3A_506 = arith.index_cast %add3A_437 : i32 to index
          %get3A_507 = memref.load %arg0[%get3A_506] : memref<19xi32, #tpu.memory_space<smem>>
          %ne3A_508 = arith.cmpi ne, %get3A_505, %get3A_507 : i32
          %or3A_509 = arith.constant false
          %or3A_510 = arith.ori %or3A_509, %ne3A_508 : i1
          %or3A_511 = arith.constant false
          %or3A_512 = arith.ori %or3A_510, %or3A_511 : i1
          %or3A_513 = arith.constant false
          %or3A_514 = arith.ori %or3A_512, %or3A_513 : i1
          %sub3A_515 = arith.constant 2 : i32
          %sub3A_516 = arith.subi %mul3A_410, %sub3A_515 : i32
          %add3A_517 = arith.constant 1 : i32
          %add3A_518 = arith.addi %sub3A_516, %add3A_517 : i32
          %ge3A_519 = arith.cmpi sge, %while3A_388, %add3A_518 : i32
          %not3A_520 = arith.constant true
          %not3A_521 = arith.xori %ge3A_519, %not3A_520 : i1
          %and3A_522 = arith.andi %or3A_514, %not3A_521 : i1
          %convert_element_type3A_523 = arith.extui %and3A_522 : i1 to i32
          %cond3A_524 = arith.constant 0 : i32
          %cond3A_525 = arith.cmpi ne, %convert_element_type3A_523, %cond3A_524 : i32
          scf.if %cond3A_525 {
            "tpu.trace_start"() <{level = 10 : i32, message = "ep_copy_in"}> : () -> ()
            %rem3A_1245 = arith.constant 2 : i32
            %rem3A_1246 = arith.remui %while3A_394, %rem3A_1245 : i32
            %get3A_1247 = arith.index_cast %add3A_437 : i32 to index
            %get3A_1248 = memref.load %arg0[%get3A_1247] : memref<19xi32, #tpu.memory_space<smem>>
            %mul3A_1249 = arith.constant 1 : i32
            %mul3A_1250 = arith.muli %mul3A_1249, %get3A_1248 : i32
            %dma_start3A_1251 = tpu.memref_slice %run_scoped3A_6[%rem3A_1246] : memref<2x!tpu.dma_semaphore, #tpu.memory_space<semaphore_mem>> -> memref<1x!tpu.dma_semaphore, #tpu.memory_space<semaphore_mem>>
            %dma_start3A_1252 = tpu.memref_squeeze %dma_start3A_1251 : memref<1x!tpu.dma_semaphore, #tpu.memory_space<semaphore_mem>> -> memref<!tpu.dma_semaphore, #tpu.memory_space<semaphore_mem>>
            %dma_start3A_1253 = arith.constant 0 : i32
            %dma_start3A_1254 = arith.constant 0 : i32
            %dma_start3A_1255 = arith.constant 0 : i32
            %dma_start3A_1256 = tpu.memref_slice %run_scoped3A_5[%rem3A_1246, %dma_start3A_1253, %dma_start3A_1254, %dma_start3A_1255] : memref<2x1x1x512xf32, #tpu.memory_space<vmem>> -> memref<1x1x1x512xf32, #tpu.memory_space<vmem>>
            %dma_start3A_1257 = tpu.memref_squeeze %dma_start3A_1256 : memref<1x1x1x512xf32, #tpu.memory_space<vmem>> -> memref<1x1x512xf32, #tpu.memory_space<vmem>>
            %dma_start3A_1258 = arith.constant 0 : i32
            %dma_start3A_1259 = arith.constant 0 : i32
            %dma_start3A_1260 = tpu.memref_slice %arg4[%mul3A_1250, %dma_start3A_1258, %dma_start3A_1259] : memref<16x1x512xf32, #tpu.memory_space<hbm>> -> memref<1x1x512xf32, #tpu.memory_space<hbm>>
            tpu.enqueue_dma source(%dma_start3A_1260 : memref<1x1x512xf32, #tpu.memory_space<hbm>>) target(%dma_start3A_1257 : memref<1x1x512xf32, #tpu.memory_space<vmem>>) target_semaphore(%dma_start3A_1252 : memref<!tpu.dma_semaphore, #tpu.memory_space<semaphore_mem>>)
            "tpu.trace_stop"() : () -> ()
          } else {
          }
          %and3A_526 = arith.constant true
          %and3A_527 = arith.andi %and3A_522, %and3A_526 : i1
          %add3A_528 = arith.constant 1 : i32
          %add3A_529 = arith.addi %while3A_394, %add3A_528 : i32
          %select_n3A_530 = arith.select %and3A_527, %add3A_529, %while3A_394 : i32
          %get3A_531 = arith.index_cast %add3A_437 : i32 to index
          %get3A_532 = memref.load %arg0[%get3A_531] : memref<19xi32, #tpu.memory_space<smem>>
          %get3A_533 = arith.index_cast %add3A_446 : i32 to index
          %get3A_534 = memref.load %arg0[%get3A_533] : memref<19xi32, #tpu.memory_space<smem>>
          %ne3A_535 = arith.cmpi ne, %get3A_532, %get3A_534 : i32
          %or3A_536 = arith.constant false
          %or3A_537 = arith.ori %or3A_536, %ne3A_535 : i1
          %or3A_538 = arith.constant false
          %or3A_539 = arith.ori %or3A_537, %or3A_538 : i1
          %or3A_540 = arith.constant false
          %or3A_541 = arith.ori %or3A_539, %or3A_540 : i1
          %sub3A_542 = arith.constant 3 : i32
          %sub3A_543 = arith.subi %mul3A_410, %sub3A_542 : i32
          %add3A_544 = arith.constant 1 : i32
          %add3A_545 = arith.addi %sub3A_543, %add3A_544 : i32
          %ge3A_546 = arith.cmpi sge, %while3A_388, %add3A_545 : i32
          %not3A_547 = arith.constant true
          %not3A_548 = arith.xori %ge3A_546, %not3A_547 : i1
          %and3A_549 = arith.andi %or3A_541, %not3A_548 : i1
          %add3A_550 = arith.constant 3 : i32
          %add3A_551 = arith.addi %while3A_397, %add3A_550 : i32
          %add3A_552 = arith.constant 1 : i32
          %add3A_553 = arith.addi %while3A_398, %add3A_552 : i32
          %select_n3A_554 = arith.constant true
          %select_n3A_555 = arith.select %select_n3A_554, %add3A_553, %while3A_398 : i32
          %select_n3A_556 = arith.constant false
          %select_n3A_557 = arith.constant 0 : i32
          %select_n3A_558 = arith.select %select_n3A_556, %select_n3A_557, %select_n3A_555 : i32
          %while3A_559:3 = scf.while (%while3A_1245 = %while3A_398, %while3A_1246 = %select_n3A_558, %while3A_1247 = %while3A_396) : (i32, i32, i32) -> (i32, i32, i32) {
            %lt3A_1248 = arith.cmpi ult, %while3A_1247, %add3A_551 : i32
            %lt3A_1249 = arith.cmpi slt, %while3A_1246, %get3A_0 : i32
            %and3A_1250 = arith.constant true
            %and3A_1251 = arith.andi %and3A_1250, %lt3A_1249 : i1
            %and3A_1252 = arith.constant true
            %and3A_1253 = arith.andi %and3A_1252, %lt3A_1248 : i1
            %and3A_1254 = arith.andi %and3A_1253, %and3A_1251 : i1
            scf.condition(%and3A_1254) %while3A_1245, %while3A_1246, %while3A_1247 : i32, i32, i32
          } do {
          ^bb0(%while3A_1245: i32, %while3A_1246: i32, %while3A_1247: i32):
            %add3A_1248 = arith.constant 0 : i32
            %add3A_1249 = arith.addi %while3A_1245, %add3A_1248 : i32
            %add3A_1250 = arith.constant 0 : i32
            %add3A_1251 = arith.addi %while3A_1246, %add3A_1250 : i32
            %get3A_1252 = arith.index_cast %add3A_1249 : i32 to index
            %get3A_1253 = memref.load %arg0[%get3A_1252] : memref<19xi32, #tpu.memory_space<smem>>
            %get3A_1254 = arith.index_cast %add3A_1251 : i32 to index
            %get3A_1255 = memref.load %arg0[%get3A_1254] : memref<19xi32, #tpu.memory_space<smem>>
            %ne3A_1256 = arith.cmpi ne, %get3A_1253, %get3A_1255 : i32
            %or3A_1257 = arith.constant false
            %or3A_1258 = arith.ori %or3A_1257, %ne3A_1256 : i1
            %or3A_1259 = arith.constant false
            %or3A_1260 = arith.ori %or3A_1258, %or3A_1259 : i1
            %or3A_1261 = arith.constant false
            %or3A_1262 = arith.ori %or3A_1260, %or3A_1261 : i1
            %convert_element_type3A_1263 = arith.extui %or3A_1262 : i1 to i32
            %cond3A_1264 = arith.constant 0 : i32
            %cond3A_1265 = arith.cmpi ne, %convert_element_type3A_1263, %cond3A_1264 : i32
            scf.if %cond3A_1265 {
              %rem3A_1275 = arith.constant 3 : i32
              %rem3A_1276 = arith.remui %while3A_1247, %rem3A_1275 : i32
              %get3A_1277 = arith.index_cast %add3A_1251 : i32 to index
              %get3A_1278 = memref.load %arg0[%get3A_1277] : memref<19xi32, #tpu.memory_space<smem>>
              %mul3A_1279 = arith.constant 1 : i32
              %mul3A_1280 = arith.muli %mul3A_1279, %get3A_1278 : i32
              %dma_start3A_1281 = tpu.memref_slice %run_scoped3A_8[%rem3A_1276] : memref<3x!tpu.dma_semaphore, #tpu.memory_space<semaphore_mem>> -> memref<1x!tpu.dma_semaphore, #tpu.memory_space<semaphore_mem>>
              %dma_start3A_1282 = tpu.memref_squeeze %dma_start3A_1281 : memref<1x!tpu.dma_semaphore, #tpu.memory_space<semaphore_mem>> -> memref<!tpu.dma_semaphore, #tpu.memory_space<semaphore_mem>>
              %dma_start3A_1283 = arith.constant 0 : i32
              %dma_start3A_1284 = arith.constant 0 : i32
              %dma_start3A_1285 = arith.constant 0 : i32
              %dma_start3A_1286 = tpu.memref_slice %run_scoped3A_7[%rem3A_1276, %dma_start3A_1283, %dma_start3A_1284, %dma_start3A_1285] : memref<3x1x1024x512xf32, #tpu.memory_space<vmem>> -> memref<1x1x1024x512xf32, #tpu.memory_space<vmem>>
              %dma_start3A_1287 = tpu.memref_squeeze %dma_start3A_1286 : memref<1x1x1024x512xf32, #tpu.memory_space<vmem>> -> memref<1x1024x512xf32, #tpu.memory_space<vmem>>
              %dma_start3A_1288 = arith.constant 0 : i32
              %dma_start3A_1289 = arith.constant 0 : i32
              %dma_start3A_1290 = tpu.memref_slice %arg5[%mul3A_1280, %dma_start3A_1288, %dma_start3A_1289] : memref<16x1024x512xf32, #tpu.memory_space<hbm>> -> memref<1x1024x512xf32, #tpu.memory_space<hbm>>
              tpu.enqueue_dma source(%dma_start3A_1290 : memref<1x1024x512xf32, #tpu.memory_space<hbm>>) target(%dma_start3A_1287 : memref<1x1024x512xf32, #tpu.memory_space<vmem>>) target_semaphore(%dma_start3A_1282 : memref<!tpu.dma_semaphore, #tpu.memory_space<semaphore_mem>>)
            } else {
            }
            %convert_element_type3A_1266 = arith.extui %or3A_1262 : i1 to i32
            %add3A_1267 = arith.addi %while3A_1247, %convert_element_type3A_1266 : i32
            %add3A_1268 = arith.constant 1 : i32
            %add3A_1269 = arith.addi %while3A_1246, %add3A_1268 : i32
            %select_n3A_1270 = arith.constant true
            %select_n3A_1271 = arith.select %select_n3A_1270, %add3A_1269, %while3A_1246 : i32
            %select_n3A_1272 = arith.constant false
            %select_n3A_1273 = arith.constant 0 : i32
            %select_n3A_1274 = arith.select %select_n3A_1272, %select_n3A_1273, %select_n3A_1271 : i32
            scf.yield %while3A_1246, %select_n3A_1274, %add3A_1267 : i32, i32, i32
          }
          %get3A_560 = arith.index_cast %add3A_417 : i32 to index
          %get3A_561 = memref.load %arg0[%get3A_560] : memref<19xi32, #tpu.memory_space<smem>>
          %get3A_562 = arith.index_cast %add3A_437 : i32 to index
          %get3A_563 = memref.load %arg0[%get3A_562] : memref<19xi32, #tpu.memory_space<smem>>
          %ne3A_564 = arith.cmpi ne, %get3A_561, %get3A_563 : i32
          %or3A_565 = arith.constant false
          %or3A_566 = arith.ori %or3A_565, %ne3A_564 : i1
          %or3A_567 = arith.constant false
          %or3A_568 = arith.ori %or3A_566, %or3A_567 : i1
          %or3A_569 = arith.constant false
          %or3A_570 = arith.ori %or3A_568, %or3A_569 : i1
          %sub3A_571 = arith.constant 2 : i32
          %sub3A_572 = arith.subi %mul3A_410, %sub3A_571 : i32
          %add3A_573 = arith.constant 1 : i32
          %add3A_574 = arith.addi %sub3A_572, %add3A_573 : i32
          %ge3A_575 = arith.cmpi sge, %while3A_388, %add3A_574 : i32
          %not3A_576 = arith.constant true
          %not3A_577 = arith.xori %ge3A_575, %not3A_576 : i1
          %and3A_578 = arith.andi %or3A_570, %not3A_577 : i1
          %convert_element_type3A_579 = arith.extui %and3A_578 : i1 to i32
          %cond3A_580 = arith.constant 0 : i32
          %cond3A_581 = arith.cmpi ne, %convert_element_type3A_579, %cond3A_580 : i32
          scf.if %cond3A_581 {
            "tpu.trace_start"() <{level = 10 : i32, message = "ep_copy_in"}> : () -> ()
            %rem3A_1245 = arith.constant 2 : i32
            %rem3A_1246 = arith.remui %while3A_399, %rem3A_1245 : i32
            %get3A_1247 = arith.index_cast %add3A_437 : i32 to index
            %get3A_1248 = memref.load %arg0[%get3A_1247] : memref<19xi32, #tpu.memory_space<smem>>
            %mul3A_1249 = arith.constant 1 : i32
            %mul3A_1250 = arith.muli %mul3A_1249, %get3A_1248 : i32
            %dma_start3A_1251 = tpu.memref_slice %run_scoped3A_10[%rem3A_1246] : memref<2x!tpu.dma_semaphore, #tpu.memory_space<semaphore_mem>> -> memref<1x!tpu.dma_semaphore, #tpu.memory_space<semaphore_mem>>
            %dma_start3A_1252 = tpu.memref_squeeze %dma_start3A_1251 : memref<1x!tpu.dma_semaphore, #tpu.memory_space<semaphore_mem>> -> memref<!tpu.dma_semaphore, #tpu.memory_space<semaphore_mem>>
            %dma_start3A_1253 = arith.constant 0 : i32
            %dma_start3A_1254 = arith.constant 0 : i32
            %dma_start3A_1255 = arith.constant 0 : i32
            %dma_start3A_1256 = tpu.memref_slice %run_scoped3A_9[%rem3A_1246, %dma_start3A_1253, %dma_start3A_1254, %dma_start3A_1255] : memref<2x1x1x512xf32, #tpu.memory_space<vmem>> -> memref<1x1x1x512xf32, #tpu.memory_space<vmem>>
            %dma_start3A_1257 = tpu.memref_squeeze %dma_start3A_1256 : memref<1x1x1x512xf32, #tpu.memory_space<vmem>> -> memref<1x1x512xf32, #tpu.memory_space<vmem>>
            %dma_start3A_1258 = arith.constant 0 : i32
            %dma_start3A_1259 = arith.constant 0 : i32
            %dma_start3A_1260 = tpu.memref_slice %arg6[%mul3A_1250, %dma_start3A_1258, %dma_start3A_1259] : memref<16x1x512xf32, #tpu.memory_space<hbm>> -> memref<1x1x512xf32, #tpu.memory_space<hbm>>
            tpu.enqueue_dma source(%dma_start3A_1260 : memref<1x1x512xf32, #tpu.memory_space<hbm>>) target(%dma_start3A_1257 : memref<1x1x512xf32, #tpu.memory_space<vmem>>) target_semaphore(%dma_start3A_1252 : memref<!tpu.dma_semaphore, #tpu.memory_space<semaphore_mem>>)
            "tpu.trace_stop"() : () -> ()
          } else {
          }
          %and3A_582 = arith.constant true
          %and3A_583 = arith.andi %and3A_578, %and3A_582 : i1
          %add3A_584 = arith.constant 1 : i32
          %add3A_585 = arith.addi %while3A_399, %add3A_584 : i32
          %select_n3A_586 = arith.select %and3A_583, %add3A_585, %while3A_399 : i32
          %get3A_587 = arith.index_cast %add3A_437 : i32 to index
          %get3A_588 = memref.load %arg0[%get3A_587] : memref<19xi32, #tpu.memory_space<smem>>
          %get3A_589 = arith.index_cast %add3A_446 : i32 to index
          %get3A_590 = memref.load %arg0[%get3A_589] : memref<19xi32, #tpu.memory_space<smem>>
          %ne3A_591 = arith.cmpi ne, %get3A_588, %get3A_590 : i32
          %or3A_592 = arith.constant false
          %or3A_593 = arith.ori %or3A_592, %ne3A_591 : i1
          %or3A_594 = arith.constant false
          %or3A_595 = arith.ori %or3A_593, %or3A_594 : i1
          %or3A_596 = arith.constant false
          %or3A_597 = arith.ori %or3A_595, %or3A_596 : i1
          %sub3A_598 = arith.constant 3 : i32
          %sub3A_599 = arith.subi %mul3A_410, %sub3A_598 : i32
          %add3A_600 = arith.constant 1 : i32
          %add3A_601 = arith.addi %sub3A_599, %add3A_600 : i32
          %ge3A_602 = arith.cmpi sge, %while3A_388, %add3A_601 : i32
          %not3A_603 = arith.constant true
          %not3A_604 = arith.xori %ge3A_602, %not3A_603 : i1
          %and3A_605 = arith.andi %or3A_597, %not3A_604 : i1
          %add3A_606 = arith.constant 3 : i32
          %add3A_607 = arith.addi %while3A_402, %add3A_606 : i32
          %add3A_608 = arith.constant 1 : i32
          %add3A_609 = arith.addi %while3A_403, %add3A_608 : i32
          %select_n3A_610 = arith.constant true
          %select_n3A_611 = arith.select %select_n3A_610, %add3A_609, %while3A_403 : i32
          %select_n3A_612 = arith.constant false
          %select_n3A_613 = arith.constant 0 : i32
          %select_n3A_614 = arith.select %select_n3A_612, %select_n3A_613, %select_n3A_611 : i32
          %while3A_615:3 = scf.while (%while3A_1245 = %while3A_403, %while3A_1246 = %select_n3A_614, %while3A_1247 = %while3A_401) : (i32, i32, i32) -> (i32, i32, i32) {
            %lt3A_1248 = arith.cmpi ult, %while3A_1247, %add3A_607 : i32
            %lt3A_1249 = arith.cmpi slt, %while3A_1246, %get3A_0 : i32
            %and3A_1250 = arith.constant true
            %and3A_1251 = arith.andi %and3A_1250, %lt3A_1249 : i1
            %and3A_1252 = arith.constant true
            %and3A_1253 = arith.andi %and3A_1252, %lt3A_1248 : i1
            %and3A_1254 = arith.andi %and3A_1253, %and3A_1251 : i1
            scf.condition(%and3A_1254) %while3A_1245, %while3A_1246, %while3A_1247 : i32, i32, i32
          } do {
          ^bb0(%while3A_1245: i32, %while3A_1246: i32, %while3A_1247: i32):
            %add3A_1248 = arith.constant 0 : i32
            %add3A_1249 = arith.addi %while3A_1245, %add3A_1248 : i32
            %add3A_1250 = arith.constant 0 : i32
            %add3A_1251 = arith.addi %while3A_1246, %add3A_1250 : i32
            %get3A_1252 = arith.index_cast %add3A_1249 : i32 to index
            %get3A_1253 = memref.load %arg0[%get3A_1252] : memref<19xi32, #tpu.memory_space<smem>>
            %get3A_1254 = arith.index_cast %add3A_1251 : i32 to index
            %get3A_1255 = memref.load %arg0[%get3A_1254] : memref<19xi32, #tpu.memory_space<smem>>
            %ne3A_1256 = arith.cmpi ne, %get3A_1253, %get3A_1255 : i32
            %or3A_1257 = arith.constant false
            %or3A_1258 = arith.ori %or3A_1257, %ne3A_1256 : i1
            %or3A_1259 = arith.constant false
            %or3A_1260 = arith.ori %or3A_1258, %or3A_1259 : i1
            %or3A_1261 = arith.constant false
            %or3A_1262 = arith.ori %or3A_1260, %or3A_1261 : i1
            %convert_element_type3A_1263 = arith.extui %or3A_1262 : i1 to i32
            %cond3A_1264 = arith.constant 0 : i32
            %cond3A_1265 = arith.cmpi ne, %convert_element_type3A_1263, %cond3A_1264 : i32
            scf.if %cond3A_1265 {
              %rem3A_1275 = arith.constant 3 : i32
              %rem3A_1276 = arith.remui %while3A_1247, %rem3A_1275 : i32
              %get3A_1277 = arith.index_cast %add3A_1251 : i32 to index
              %get3A_1278 = memref.load %arg0[%get3A_1277] : memref<19xi32, #tpu.memory_space<smem>>
              %mul3A_1279 = arith.constant 1 : i32
              %mul3A_1280 = arith.muli %mul3A_1279, %get3A_1278 : i32
              %dma_start3A_1281 = tpu.memref_slice %run_scoped3A_12[%rem3A_1276] : memref<3x!tpu.dma_semaphore, #tpu.memory_space<semaphore_mem>> -> memref<1x!tpu.dma_semaphore, #tpu.memory_space<semaphore_mem>>
              %dma_start3A_1282 = tpu.memref_squeeze %dma_start3A_1281 : memref<1x!tpu.dma_semaphore, #tpu.memory_space<semaphore_mem>> -> memref<!tpu.dma_semaphore, #tpu.memory_space<semaphore_mem>>
              %dma_start3A_1283 = arith.constant 0 : i32
              %dma_start3A_1284 = arith.constant 0 : i32
              %dma_start3A_1285 = arith.constant 0 : i32
              %dma_start3A_1286 = tpu.memref_slice %run_scoped3A_11[%rem3A_1276, %dma_start3A_1283, %dma_start3A_1284, %dma_start3A_1285] : memref<3x1x512x1024xf32, #tpu.memory_space<vmem>> -> memref<1x1x512x1024xf32, #tpu.memory_space<vmem>>
              %dma_start3A_1287 = tpu.memref_squeeze %dma_start3A_1286 : memref<1x1x512x1024xf32, #tpu.memory_space<vmem>> -> memref<1x512x1024xf32, #tpu.memory_space<vmem>>
              %dma_start3A_1288 = arith.constant 0 : i32
              %dma_start3A_1289 = arith.constant 0 : i32
              %dma_start3A_1290 = tpu.memref_slice %arg7[%mul3A_1280, %dma_start3A_1288, %dma_start3A_1289] : memref<16x512x1024xf32, #tpu.memory_space<hbm>> -> memref<1x512x1024xf32, #tpu.memory_space<hbm>>
              tpu.enqueue_dma source(%dma_start3A_1290 : memref<1x512x1024xf32, #tpu.memory_space<hbm>>) target(%dma_start3A_1287 : memref<1x512x1024xf32, #tpu.memory_space<vmem>>) target_semaphore(%dma_start3A_1282 : memref<!tpu.dma_semaphore, #tpu.memory_space<semaphore_mem>>)
            } else {
            }
            %convert_element_type3A_1266 = arith.extui %or3A_1262 : i1 to i32
            %add3A_1267 = arith.addi %while3A_1247, %convert_element_type3A_1266 : i32
            %add3A_1268 = arith.constant 1 : i32
            %add3A_1269 = arith.addi %while3A_1246, %add3A_1268 : i32
            %select_n3A_1270 = arith.constant true
            %select_n3A_1271 = arith.select %select_n3A_1270, %add3A_1269, %while3A_1246 : i32
            %select_n3A_1272 = arith.constant false
            %select_n3A_1273 = arith.constant 0 : i32
            %select_n3A_1274 = arith.select %select_n3A_1272, %select_n3A_1273, %select_n3A_1271 : i32
            scf.yield %while3A_1246, %select_n3A_1274, %add3A_1267 : i32, i32, i32
          }
          %get3A_616 = arith.index_cast %add3A_417 : i32 to index
          %get3A_617 = memref.load %arg0[%get3A_616] : memref<19xi32, #tpu.memory_space<smem>>
          %get3A_618 = arith.index_cast %add3A_437 : i32 to index
          %get3A_619 = memref.load %arg0[%get3A_618] : memref<19xi32, #tpu.memory_space<smem>>
          %ne3A_620 = arith.cmpi ne, %get3A_617, %get3A_619 : i32
          %or3A_621 = arith.constant false
          %or3A_622 = arith.ori %or3A_621, %ne3A_620 : i1
          %or3A_623 = arith.constant false
          %or3A_624 = arith.ori %or3A_622, %or3A_623 : i1
          %or3A_625 = arith.constant false
          %or3A_626 = arith.ori %or3A_624, %or3A_625 : i1
          %sub3A_627 = arith.constant 2 : i32
          %sub3A_628 = arith.subi %mul3A_410, %sub3A_627 : i32
          %add3A_629 = arith.constant 1 : i32
          %add3A_630 = arith.addi %sub3A_628, %add3A_629 : i32
          %ge3A_631 = arith.cmpi sge, %while3A_388, %add3A_630 : i32
          %not3A_632 = arith.constant true
          %not3A_633 = arith.xori %ge3A_631, %not3A_632 : i1
          %and3A_634 = arith.andi %or3A_626, %not3A_633 : i1
          %convert_element_type3A_635 = arith.extui %and3A_634 : i1 to i32
          %cond3A_636 = arith.constant 0 : i32
          %cond3A_637 = arith.cmpi ne, %convert_element_type3A_635, %cond3A_636 : i32
          scf.if %cond3A_637 {
            "tpu.trace_start"() <{level = 10 : i32, message = "ep_copy_in"}> : () -> ()
            %rem3A_1245 = arith.constant 2 : i32
            %rem3A_1246 = arith.remui %while3A_404, %rem3A_1245 : i32
            %get3A_1247 = arith.index_cast %add3A_437 : i32 to index
            %get3A_1248 = memref.load %arg0[%get3A_1247] : memref<19xi32, #tpu.memory_space<smem>>
            %mul3A_1249 = arith.constant 1 : i32
            %mul3A_1250 = arith.muli %mul3A_1249, %get3A_1248 : i32
            %dma_start3A_1251 = tpu.memref_slice %run_scoped3A_14[%rem3A_1246] : memref<2x!tpu.dma_semaphore, #tpu.memory_space<semaphore_mem>> -> memref<1x!tpu.dma_semaphore, #tpu.memory_space<semaphore_mem>>
            %dma_start3A_1252 = tpu.memref_squeeze %dma_start3A_1251 : memref<1x!tpu.dma_semaphore, #tpu.memory_space<semaphore_mem>> -> memref<!tpu.dma_semaphore, #tpu.memory_space<semaphore_mem>>
            %dma_start3A_1253 = arith.constant 0 : i32
            %dma_start3A_1254 = arith.constant 0 : i32
            %dma_start3A_1255 = arith.constant 0 : i32
            %dma_start3A_1256 = tpu.memref_slice %run_scoped3A_13[%rem3A_1246, %dma_start3A_1253, %dma_start3A_1254, %dma_start3A_1255] : memref<2x1x1x1024xf32, #tpu.memory_space<vmem>> -> memref<1x1x1x1024xf32, #tpu.memory_space<vmem>>
            %dma_start3A_1257 = tpu.memref_squeeze %dma_start3A_1256 : memref<1x1x1x1024xf32, #tpu.memory_space<vmem>> -> memref<1x1x1024xf32, #tpu.memory_space<vmem>>
            %dma_start3A_1258 = arith.constant 0 : i32
            %dma_start3A_1259 = arith.constant 0 : i32
            %dma_start3A_1260 = tpu.memref_slice %arg8[%mul3A_1250, %dma_start3A_1258, %dma_start3A_1259] : memref<16x1x1024xf32, #tpu.memory_space<hbm>> -> memref<1x1x1024xf32, #tpu.memory_space<hbm>>
            tpu.enqueue_dma source(%dma_start3A_1260 : memref<1x1x1024xf32, #tpu.memory_space<hbm>>) target(%dma_start3A_1257 : memref<1x1x1024xf32, #tpu.memory_space<vmem>>) target_semaphore(%dma_start3A_1252 : memref<!tpu.dma_semaphore, #tpu.memory_space<semaphore_mem>>)
            "tpu.trace_stop"() : () -> ()
          } else {
          }
          %and3A_638 = arith.constant true
          %and3A_639 = arith.andi %and3A_634, %and3A_638 : i1
          %add3A_640 = arith.constant 1 : i32
          %add3A_641 = arith.addi %while3A_404, %add3A_640 : i32
          %select_n3A_642 = arith.select %and3A_639, %add3A_641, %while3A_404 : i32
          %ne3A_643 = arith.cmpi ne, %add3A_417, %add3A_437 : i32
          %or3A_644 = arith.constant false
          %or3A_645 = arith.ori %or3A_644, %ne3A_643 : i1
          %or3A_646 = arith.constant false
          %or3A_647 = arith.ori %or3A_645, %or3A_646 : i1
          %sub3A_648 = arith.constant 2 : i32
          %sub3A_649 = arith.subi %mul3A_410, %sub3A_648 : i32
          %add3A_650 = arith.constant 1 : i32
          %add3A_651 = arith.addi %sub3A_649, %add3A_650 : i32
          %ge3A_652 = arith.cmpi sge, %while3A_388, %add3A_651 : i32
          %not3A_653 = arith.constant true
          %not3A_654 = arith.xori %ge3A_652, %not3A_653 : i1
          %and3A_655 = arith.andi %or3A_647, %not3A_654 : i1
          %ne3A_656 = arith.cmpi ne, %add3A_417, %add3A_428 : i32
          %or3A_657 = arith.constant false
          %or3A_658 = arith.ori %or3A_657, %ne3A_656 : i1
          %or3A_659 = arith.constant false
          %or3A_660 = arith.ori %or3A_658, %or3A_659 : i1
          %or3A_661 = arith.ori %or3A_660, %eq3A_412 : i1
          %convert_element_type3A_662 = arith.extui %or3A_661 : i1 to i32
          %cond3A_663 = arith.constant 0 : i32
          %cond3A_664 = arith.cmpi ne, %convert_element_type3A_662, %cond3A_663 : i32
          scf.if %cond3A_664 {
            "tpu.trace_start"() <{level = 10 : i32, message = "ep_wait_in"}> : () -> ()
            %mul3A_1245 = arith.constant 128 : i32
            %mul3A_1246 = arith.muli %mul3A_1245, %add3A_417 : i32
            %rem3A_1247 = arith.constant 3 : i32
            %rem3A_1248 = arith.remui %while3A_390, %rem3A_1247 : i32
            %dma_wait3A = tpu.memref_slice %run_scoped3A_2[%rem3A_1248] : memref<3x!tpu.dma_semaphore, #tpu.memory_space<semaphore_mem>> -> memref<1x!tpu.dma_semaphore, #tpu.memory_space<semaphore_mem>>
            %dma_wait3A_1249 = tpu.memref_squeeze %dma_wait3A : memref<1x!tpu.dma_semaphore, #tpu.memory_space<semaphore_mem>> -> memref<!tpu.dma_semaphore, #tpu.memory_space<semaphore_mem>>
            %dma_wait3A_1250 = arith.constant 0 : i32
            %dma_wait3A_1251 = arith.constant 0 : i32
            %dma_wait3A_1252 = tpu.memref_slice %run_scoped3A[%rem3A_1248, %dma_wait3A_1250, %dma_wait3A_1251] : memref<3x128x1024xf32, #tpu.memory_space<vmem>> -> memref<1x128x1024xf32, #tpu.memory_space<vmem>>
            %dma_wait3A_1253 = tpu.memref_squeeze %dma_wait3A_1252 : memref<1x128x1024xf32, #tpu.memory_space<vmem>> -> memref<128x1024xf32, #tpu.memory_space<vmem>>
            %dma_wait3A_1254 = arith.constant 0 : i32
            %dma_wait3A_1255 = tpu.memref_slice %arg2[%mul3A_1246, %dma_wait3A_1254] : memref<2432x1024xf32, #tpu.memory_space<hbm>> -> memref<128x1024xf32, #tpu.memory_space<hbm>>
            tpu.wait_dma2 semaphore(%dma_wait3A_1249 : memref<!tpu.dma_semaphore, #tpu.memory_space<semaphore_mem>>) src(%dma_wait3A_1255 : memref<128x1024xf32, #tpu.memory_space<hbm>>) dst(%dma_wait3A_1253 : memref<128x1024xf32, #tpu.memory_space<vmem>>)
            "tpu.trace_stop"() : () -> ()
          } else {
          }
          %get3A_665 = arith.index_cast %add3A_417 : i32 to index
          %get3A_666 = memref.load %arg0[%get3A_665] : memref<19xi32, #tpu.memory_space<smem>>
          %get3A_667 = arith.index_cast %add3A_428 : i32 to index
          %get3A_668 = memref.load %arg0[%get3A_667] : memref<19xi32, #tpu.memory_space<smem>>
          %ne3A_669 = arith.cmpi ne, %get3A_666, %get3A_668 : i32
          %or3A_670 = arith.constant false
          %or3A_671 = arith.ori %or3A_670, %ne3A_669 : i1
          %or3A_672 = arith.constant false
          %or3A_673 = arith.ori %or3A_671, %or3A_672 : i1
          %or3A_674 = arith.constant false
          %or3A_675 = arith.ori %or3A_673, %or3A_674 : i1
          %or3A_676 = arith.ori %or3A_675, %eq3A_412 : i1
          %convert_element_type3A_677 = arith.extui %or3A_676 : i1 to i32
          %cond3A_678 = arith.constant 0 : i32
          %cond3A_679 = arith.cmpi ne, %convert_element_type3A_677, %cond3A_678 : i32
          scf.if %cond3A_679 {
            "tpu.trace_start"() <{level = 10 : i32, message = "ep_wait_in"}> : () -> ()
            %get3A_1245 = arith.index_cast %add3A_417 : i32 to index
            %get3A_1246 = memref.load %arg0[%get3A_1245] : memref<19xi32, #tpu.memory_space<smem>>
            %mul3A_1247 = arith.constant 1 : i32
            %mul3A_1248 = arith.muli %mul3A_1247, %get3A_1246 : i32
            %rem3A_1249 = arith.constant 3 : i32
            %rem3A_1250 = arith.remui %while3A_392, %rem3A_1249 : i32
            %dma_wait3A = tpu.memref_slice %run_scoped3A_4[%rem3A_1250] : memref<3x!tpu.dma_semaphore, #tpu.memory_space<semaphore_mem>> -> memref<1x!tpu.dma_semaphore, #tpu.memory_space<semaphore_mem>>
            %dma_wait3A_1251 = tpu.memref_squeeze %dma_wait3A : memref<1x!tpu.dma_semaphore, #tpu.memory_space<semaphore_mem>> -> memref<!tpu.dma_semaphore, #tpu.memory_space<semaphore_mem>>
            %dma_wait3A_1252 = arith.constant 0 : i32
            %dma_wait3A_1253 = arith.constant 0 : i32
            %dma_wait3A_1254 = arith.constant 0 : i32
            %dma_wait3A_1255 = tpu.memref_slice %run_scoped3A_3[%rem3A_1250, %dma_wait3A_1252, %dma_wait3A_1253, %dma_wait3A_1254] : memref<3x1x1024x512xf32, #tpu.memory_space<vmem>> -> memref<1x1x1024x512xf32, #tpu.memory_space<vmem>>
            %dma_wait3A_1256 = tpu.memref_squeeze %dma_wait3A_1255 : memref<1x1x1024x512xf32, #tpu.memory_space<vmem>> -> memref<1x1024x512xf32, #tpu.memory_space<vmem>>
            %dma_wait3A_1257 = arith.constant 0 : i32
            %dma_wait3A_1258 = arith.constant 0 : i32
            %dma_wait3A_1259 = tpu.memref_slice %arg3[%mul3A_1248, %dma_wait3A_1257, %dma_wait3A_1258] : memref<16x1024x512xf32, #tpu.memory_space<hbm>> -> memref<1x1024x512xf32, #tpu.memory_space<hbm>>
            tpu.wait_dma2 semaphore(%dma_wait3A_1251 : memref<!tpu.dma_semaphore, #tpu.memory_space<semaphore_mem>>) src(%dma_wait3A_1259 : memref<1x1024x512xf32, #tpu.memory_space<hbm>>) dst(%dma_wait3A_1256 : memref<1x1024x512xf32, #tpu.memory_space<vmem>>)
            "tpu.trace_stop"() : () -> ()
          } else {
          }
          %get3A_680 = arith.index_cast %add3A_417 : i32 to index
          %get3A_681 = memref.load %arg0[%get3A_680] : memref<19xi32, #tpu.memory_space<smem>>
          %get3A_682 = arith.index_cast %add3A_428 : i32 to index
          %get3A_683 = memref.load %arg0[%get3A_682] : memref<19xi32, #tpu.memory_space<smem>>
          %ne3A_684 = arith.cmpi ne, %get3A_681, %get3A_683 : i32
          %or3A_685 = arith.constant false
          %or3A_686 = arith.ori %or3A_685, %ne3A_684 : i1
          %or3A_687 = arith.constant false
          %or3A_688 = arith.ori %or3A_686, %or3A_687 : i1
          %or3A_689 = arith.constant false
          %or3A_690 = arith.ori %or3A_688, %or3A_689 : i1
          %or3A_691 = arith.ori %or3A_690, %eq3A_412 : i1
          %convert_element_type3A_692 = arith.extui %or3A_691 : i1 to i32
          %cond3A_693 = arith.constant 0 : i32
          %cond3A_694 = arith.cmpi ne, %convert_element_type3A_692, %cond3A_693 : i32
          scf.if %cond3A_694 {
            "tpu.trace_start"() <{level = 10 : i32, message = "ep_wait_in"}> : () -> ()
            %get3A_1245 = arith.index_cast %add3A_417 : i32 to index
            %get3A_1246 = memref.load %arg0[%get3A_1245] : memref<19xi32, #tpu.memory_space<smem>>
            %mul3A_1247 = arith.constant 1 : i32
            %mul3A_1248 = arith.muli %mul3A_1247, %get3A_1246 : i32
            %rem3A_1249 = arith.constant 2 : i32
            %rem3A_1250 = arith.remui %while3A_395, %rem3A_1249 : i32
            %dma_wait3A = tpu.memref_slice %run_scoped3A_6[%rem3A_1250] : memref<2x!tpu.dma_semaphore, #tpu.memory_space<semaphore_mem>> -> memref<1x!tpu.dma_semaphore, #tpu.memory_space<semaphore_mem>>
            %dma_wait3A_1251 = tpu.memref_squeeze %dma_wait3A : memref<1x!tpu.dma_semaphore, #tpu.memory_space<semaphore_mem>> -> memref<!tpu.dma_semaphore, #tpu.memory_space<semaphore_mem>>
            %dma_wait3A_1252 = arith.constant 0 : i32
            %dma_wait3A_1253 = arith.constant 0 : i32
            %dma_wait3A_1254 = arith.constant 0 : i32
            %dma_wait3A_1255 = tpu.memref_slice %run_scoped3A_5[%rem3A_1250, %dma_wait3A_1252, %dma_wait3A_1253, %dma_wait3A_1254] : memref<2x1x1x512xf32, #tpu.memory_space<vmem>> -> memref<1x1x1x512xf32, #tpu.memory_space<vmem>>
            %dma_wait3A_1256 = tpu.memref_squeeze %dma_wait3A_1255 : memref<1x1x1x512xf32, #tpu.memory_space<vmem>> -> memref<1x1x512xf32, #tpu.memory_space<vmem>>
            %dma_wait3A_1257 = arith.constant 0 : i32
            %dma_wait3A_1258 = arith.constant 0 : i32
            %dma_wait3A_1259 = tpu.memref_slice %arg4[%mul3A_1248, %dma_wait3A_1257, %dma_wait3A_1258] : memref<16x1x512xf32, #tpu.memory_space<hbm>> -> memref<1x1x512xf32, #tpu.memory_space<hbm>>
            tpu.wait_dma2 semaphore(%dma_wait3A_1251 : memref<!tpu.dma_semaphore, #tpu.memory_space<semaphore_mem>>) src(%dma_wait3A_1259 : memref<1x1x512xf32, #tpu.memory_space<hbm>>) dst(%dma_wait3A_1256 : memref<1x1x512xf32, #tpu.memory_space<vmem>>)
            "tpu.trace_stop"() : () -> ()
          } else {
          }
          %get3A_695 = arith.index_cast %add3A_417 : i32 to index
          %get3A_696 = memref.load %arg0[%get3A_695] : memref<19xi32, #tpu.memory_space<smem>>
          %get3A_697 = arith.index_cast %add3A_428 : i32 to index
          %get3A_698 = memref.load %arg0[%get3A_697] : memref<19xi32, #tpu.memory_space<smem>>
          %ne3A_699 = arith.cmpi ne, %get3A_696, %get3A_698 : i32
          %or3A_700 = arith.constant false
          %or3A_701 = arith.ori %or3A_700, %ne3A_699 : i1
          %or3A_702 = arith.constant false
          %or3A_703 = arith.ori %or3A_701, %or3A_702 : i1
          %or3A_704 = arith.constant false
          %or3A_705 = arith.ori %or3A_703, %or3A_704 : i1
          %or3A_706 = arith.ori %or3A_705, %eq3A_412 : i1
          %convert_element_type3A_707 = arith.extui %or3A_706 : i1 to i32
          %cond3A_708 = arith.constant 0 : i32
          %cond3A_709 = arith.cmpi ne, %convert_element_type3A_707, %cond3A_708 : i32
          scf.if %cond3A_709 {
            "tpu.trace_start"() <{level = 10 : i32, message = "ep_wait_in"}> : () -> ()
            %get3A_1245 = arith.index_cast %add3A_417 : i32 to index
            %get3A_1246 = memref.load %arg0[%get3A_1245] : memref<19xi32, #tpu.memory_space<smem>>
            %mul3A_1247 = arith.constant 1 : i32
            %mul3A_1248 = arith.muli %mul3A_1247, %get3A_1246 : i32
            %rem3A_1249 = arith.constant 3 : i32
            %rem3A_1250 = arith.remui %while3A_397, %rem3A_1249 : i32
            %dma_wait3A = tpu.memref_slice %run_scoped3A_8[%rem3A_1250] : memref<3x!tpu.dma_semaphore, #tpu.memory_space<semaphore_mem>> -> memref<1x!tpu.dma_semaphore, #tpu.memory_space<semaphore_mem>>
            %dma_wait3A_1251 = tpu.memref_squeeze %dma_wait3A : memref<1x!tpu.dma_semaphore, #tpu.memory_space<semaphore_mem>> -> memref<!tpu.dma_semaphore, #tpu.memory_space<semaphore_mem>>
            %dma_wait3A_1252 = arith.constant 0 : i32
            %dma_wait3A_1253 = arith.constant 0 : i32
            %dma_wait3A_1254 = arith.constant 0 : i32
            %dma_wait3A_1255 = tpu.memref_slice %run_scoped3A_7[%rem3A_1250, %dma_wait3A_1252, %dma_wait3A_1253, %dma_wait3A_1254] : memref<3x1x1024x512xf32, #tpu.memory_space<vmem>> -> memref<1x1x1024x512xf32, #tpu.memory_space<vmem>>
            %dma_wait3A_1256 = tpu.memref_squeeze %dma_wait3A_1255 : memref<1x1x1024x512xf32, #tpu.memory_space<vmem>> -> memref<1x1024x512xf32, #tpu.memory_space<vmem>>
            %dma_wait3A_1257 = arith.constant 0 : i32
            %dma_wait3A_1258 = arith.constant 0 : i32
            %dma_wait3A_1259 = tpu.memref_slice %arg5[%mul3A_1248, %dma_wait3A_1257, %dma_wait3A_1258] : memref<16x1024x512xf32, #tpu.memory_space<hbm>> -> memref<1x1024x512xf32, #tpu.memory_space<hbm>>
            tpu.wait_dma2 semaphore(%dma_wait3A_1251 : memref<!tpu.dma_semaphore, #tpu.memory_space<semaphore_mem>>) src(%dma_wait3A_1259 : memref<1x1024x512xf32, #tpu.memory_space<hbm>>) dst(%dma_wait3A_1256 : memref<1x1024x512xf32, #tpu.memory_space<vmem>>)
            "tpu.trace_stop"() : () -> ()
          } else {
          }
          %get3A_710 = arith.index_cast %add3A_417 : i32 to index
          %get3A_711 = memref.load %arg0[%get3A_710] : memref<19xi32, #tpu.memory_space<smem>>
          %get3A_712 = arith.index_cast %add3A_428 : i32 to index
          %get3A_713 = memref.load %arg0[%get3A_712] : memref<19xi32, #tpu.memory_space<smem>>
          %ne3A_714 = arith.cmpi ne, %get3A_711, %get3A_713 : i32
          %or3A_715 = arith.constant false
          %or3A_716 = arith.ori %or3A_715, %ne3A_714 : i1
          %or3A_717 = arith.constant false
          %or3A_718 = arith.ori %or3A_716, %or3A_717 : i1
          %or3A_719 = arith.constant false
          %or3A_720 = arith.ori %or3A_718, %or3A_719 : i1
          %or3A_721 = arith.ori %or3A_720, %eq3A_412 : i1
          %convert_element_type3A_722 = arith.extui %or3A_721 : i1 to i32
          %cond3A_723 = arith.constant 0 : i32
          %cond3A_724 = arith.cmpi ne, %convert_element_type3A_722, %cond3A_723 : i32
          scf.if %cond3A_724 {
            "tpu.trace_start"() <{level = 10 : i32, message = "ep_wait_in"}> : () -> ()
            %get3A_1245 = arith.index_cast %add3A_417 : i32 to index
            %get3A_1246 = memref.load %arg0[%get3A_1245] : memref<19xi32, #tpu.memory_space<smem>>
            %mul3A_1247 = arith.constant 1 : i32
            %mul3A_1248 = arith.muli %mul3A_1247, %get3A_1246 : i32
            %rem3A_1249 = arith.constant 2 : i32
            %rem3A_1250 = arith.remui %while3A_400, %rem3A_1249 : i32
            %dma_wait3A = tpu.memref_slice %run_scoped3A_10[%rem3A_1250] : memref<2x!tpu.dma_semaphore, #tpu.memory_space<semaphore_mem>> -> memref<1x!tpu.dma_semaphore, #tpu.memory_space<semaphore_mem>>
            %dma_wait3A_1251 = tpu.memref_squeeze %dma_wait3A : memref<1x!tpu.dma_semaphore, #tpu.memory_space<semaphore_mem>> -> memref<!tpu.dma_semaphore, #tpu.memory_space<semaphore_mem>>
            %dma_wait3A_1252 = arith.constant 0 : i32
            %dma_wait3A_1253 = arith.constant 0 : i32
            %dma_wait3A_1254 = arith.constant 0 : i32
            %dma_wait3A_1255 = tpu.memref_slice %run_scoped3A_9[%rem3A_1250, %dma_wait3A_1252, %dma_wait3A_1253, %dma_wait3A_1254] : memref<2x1x1x512xf32, #tpu.memory_space<vmem>> -> memref<1x1x1x512xf32, #tpu.memory_space<vmem>>
            %dma_wait3A_1256 = tpu.memref_squeeze %dma_wait3A_1255 : memref<1x1x1x512xf32, #tpu.memory_space<vmem>> -> memref<1x1x512xf32, #tpu.memory_space<vmem>>
            %dma_wait3A_1257 = arith.constant 0 : i32
            %dma_wait3A_1258 = arith.constant 0 : i32
            %dma_wait3A_1259 = tpu.memref_slice %arg6[%mul3A_1248, %dma_wait3A_1257, %dma_wait3A_1258] : memref<16x1x512xf32, #tpu.memory_space<hbm>> -> memref<1x1x512xf32, #tpu.memory_space<hbm>>
            tpu.wait_dma2 semaphore(%dma_wait3A_1251 : memref<!tpu.dma_semaphore, #tpu.memory_space<semaphore_mem>>) src(%dma_wait3A_1259 : memref<1x1x512xf32, #tpu.memory_space<hbm>>) dst(%dma_wait3A_1256 : memref<1x1x512xf32, #tpu.memory_space<vmem>>)
            "tpu.trace_stop"() : () -> ()
          } else {
          }
          %get3A_725 = arith.index_cast %add3A_417 : i32 to index
          %get3A_726 = memref.load %arg0[%get3A_725] : memref<19xi32, #tpu.memory_space<smem>>
          %get3A_727 = arith.index_cast %add3A_428 : i32 to index
          %get3A_728 = memref.load %arg0[%get3A_727] : memref<19xi32, #tpu.memory_space<smem>>
          %ne3A_729 = arith.cmpi ne, %get3A_726, %get3A_728 : i32
          %or3A_730 = arith.constant false
          %or3A_731 = arith.ori %or3A_730, %ne3A_729 : i1
          %or3A_732 = arith.constant false
          %or3A_733 = arith.ori %or3A_731, %or3A_732 : i1
          %or3A_734 = arith.constant false
          %or3A_735 = arith.ori %or3A_733, %or3A_734 : i1
          %or3A_736 = arith.ori %or3A_735, %eq3A_412 : i1
          %convert_element_type3A_737 = arith.extui %or3A_736 : i1 to i32
          %cond3A_738 = arith.constant 0 : i32
          %cond3A_739 = arith.cmpi ne, %convert_element_type3A_737, %cond3A_738 : i32
          scf.if %cond3A_739 {
            "tpu.trace_start"() <{level = 10 : i32, message = "ep_wait_in"}> : () -> ()
            %get3A_1245 = arith.index_cast %add3A_417 : i32 to index
            %get3A_1246 = memref.load %arg0[%get3A_1245] : memref<19xi32, #tpu.memory_space<smem>>
            %mul3A_1247 = arith.constant 1 : i32
            %mul3A_1248 = arith.muli %mul3A_1247, %get3A_1246 : i32
            %rem3A_1249 = arith.constant 3 : i32
            %rem3A_1250 = arith.remui %while3A_402, %rem3A_1249 : i32
            %dma_wait3A = tpu.memref_slice %run_scoped3A_12[%rem3A_1250] : memref<3x!tpu.dma_semaphore, #tpu.memory_space<semaphore_mem>> -> memref<1x!tpu.dma_semaphore, #tpu.memory_space<semaphore_mem>>
            %dma_wait3A_1251 = tpu.memref_squeeze %dma_wait3A : memref<1x!tpu.dma_semaphore, #tpu.memory_space<semaphore_mem>> -> memref<!tpu.dma_semaphore, #tpu.memory_space<semaphore_mem>>
            %dma_wait3A_1252 = arith.constant 0 : i32
            %dma_wait3A_1253 = arith.constant 0 : i32
            %dma_wait3A_1254 = arith.constant 0 : i32
            %dma_wait3A_1255 = tpu.memref_slice %run_scoped3A_11[%rem3A_1250, %dma_wait3A_1252, %dma_wait3A_1253, %dma_wait3A_1254] : memref<3x1x512x1024xf32, #tpu.memory_space<vmem>> -> memref<1x1x512x1024xf32, #tpu.memory_space<vmem>>
            %dma_wait3A_1256 = tpu.memref_squeeze %dma_wait3A_1255 : memref<1x1x512x1024xf32, #tpu.memory_space<vmem>> -> memref<1x512x1024xf32, #tpu.memory_space<vmem>>
            %dma_wait3A_1257 = arith.constant 0 : i32
            %dma_wait3A_1258 = arith.constant 0 : i32
            %dma_wait3A_1259 = tpu.memref_slice %arg7[%mul3A_1248, %dma_wait3A_1257, %dma_wait3A_1258] : memref<16x512x1024xf32, #tpu.memory_space<hbm>> -> memref<1x512x1024xf32, #tpu.memory_space<hbm>>
            tpu.wait_dma2 semaphore(%dma_wait3A_1251 : memref<!tpu.dma_semaphore, #tpu.memory_space<semaphore_mem>>) src(%dma_wait3A_1259 : memref<1x512x1024xf32, #tpu.memory_space<hbm>>) dst(%dma_wait3A_1256 : memref<1x512x1024xf32, #tpu.memory_space<vmem>>)
            "tpu.trace_stop"() : () -> ()
          } else {
          }
          %get3A_740 = arith.index_cast %add3A_417 : i32 to index
          %get3A_741 = memref.load %arg0[%get3A_740] : memref<19xi32, #tpu.memory_space<smem>>
          %get3A_742 = arith.index_cast %add3A_428 : i32 to index
          %get3A_743 = memref.load %arg0[%get3A_742] : memref<19xi32, #tpu.memory_space<smem>>
          %ne3A_744 = arith.cmpi ne, %get3A_741, %get3A_743 : i32
          %or3A_745 = arith.constant false
          %or3A_746 = arith.ori %or3A_745, %ne3A_744 : i1
          %or3A_747 = arith.constant false
          %or3A_748 = arith.ori %or3A_746, %or3A_747 : i1
          %or3A_749 = arith.constant false
          %or3A_750 = arith.ori %or3A_748, %or3A_749 : i1
          %or3A_751 = arith.ori %or3A_750, %eq3A_412 : i1
          %convert_element_type3A_752 = arith.extui %or3A_751 : i1 to i32
          %cond3A_753 = arith.constant 0 : i32
          %cond3A_754 = arith.cmpi ne, %convert_element_type3A_752, %cond3A_753 : i32
          scf.if %cond3A_754 {
            "tpu.trace_start"() <{level = 10 : i32, message = "ep_wait_in"}> : () -> ()
            %get3A_1245 = arith.index_cast %add3A_417 : i32 to index
            %get3A_1246 = memref.load %arg0[%get3A_1245] : memref<19xi32, #tpu.memory_space<smem>>
            %mul3A_1247 = arith.constant 1 : i32
            %mul3A_1248 = arith.muli %mul3A_1247, %get3A_1246 : i32
            %rem3A_1249 = arith.constant 2 : i32
            %rem3A_1250 = arith.remui %while3A_405, %rem3A_1249 : i32
            %dma_wait3A = tpu.memref_slice %run_scoped3A_14[%rem3A_1250] : memref<2x!tpu.dma_semaphore, #tpu.memory_space<semaphore_mem>> -> memref<1x!tpu.dma_semaphore, #tpu.memory_space<semaphore_mem>>
            %dma_wait3A_1251 = tpu.memref_squeeze %dma_wait3A : memref<1x!tpu.dma_semaphore, #tpu.memory_space<semaphore_mem>> -> memref<!tpu.dma_semaphore, #tpu.memory_space<semaphore_mem>>
            %dma_wait3A_1252 = arith.constant 0 : i32
            %dma_wait3A_1253 = arith.constant 0 : i32
            %dma_wait3A_1254 = arith.constant 0 : i32
            %dma_wait3A_1255 = tpu.memref_slice %run_scoped3A_13[%rem3A_1250, %dma_wait3A_1252, %dma_wait3A_1253, %dma_wait3A_1254] : memref<2x1x1x1024xf32, #tpu.memory_space<vmem>> -> memref<1x1x1x1024xf32, #tpu.memory_space<vmem>>
            %dma_wait3A_1256 = tpu.memref_squeeze %dma_wait3A_1255 : memref<1x1x1x1024xf32, #tpu.memory_space<vmem>> -> memref<1x1x1024xf32, #tpu.memory_space<vmem>>
            %dma_wait3A_1257 = arith.constant 0 : i32
            %dma_wait3A_1258 = arith.constant 0 : i32
            %dma_wait3A_1259 = tpu.memref_slice %arg8[%mul3A_1248, %dma_wait3A_1257, %dma_wait3A_1258] : memref<16x1x1024xf32, #tpu.memory_space<hbm>> -> memref<1x1x1024xf32, #tpu.memory_space<hbm>>
            tpu.wait_dma2 semaphore(%dma_wait3A_1251 : memref<!tpu.dma_semaphore, #tpu.memory_space<semaphore_mem>>) src(%dma_wait3A_1259 : memref<1x1x1024xf32, #tpu.memory_space<hbm>>) dst(%dma_wait3A_1256 : memref<1x1x1024xf32, #tpu.memory_space<vmem>>)
            "tpu.trace_stop"() : () -> ()
          } else {
          }
          %ne3A_755 = arith.cmpi ne, %add3A_417, %add3A_428 : i32
          %or3A_756 = arith.constant false
          %or3A_757 = arith.ori %or3A_756, %ne3A_755 : i1
          %or3A_758 = arith.constant false
          %or3A_759 = arith.ori %or3A_757, %or3A_758 : i1
          %or3A_760 = arith.ori %or3A_759, %eq3A_412 : i1
          %convert_element_type3A_761 = arith.extui %or3A_760 : i1 to i32
          %cond3A_762 = arith.constant 0 : i32
          %cond3A_763 = arith.cmpi ne, %convert_element_type3A_761, %cond3A_762 : i32
          scf.if %cond3A_763 {
          } else {
          }
          %rem3A_764 = arith.constant 3 : i32
          %rem3A_765 = arith.remui %while3A_390, %rem3A_764 : i32
          %rem3A_766 = arith.constant 3 : i32
          %rem3A_767 = arith.remui %while3A_392, %rem3A_766 : i32
          %rem3A_768 = arith.constant 2 : i32
          %rem3A_769 = arith.remui %while3A_395, %rem3A_768 : i32
          %rem3A_770 = arith.constant 3 : i32
          %rem3A_771 = arith.remui %while3A_397, %rem3A_770 : i32
          %rem3A_772 = arith.constant 2 : i32
          %rem3A_773 = arith.remui %while3A_400, %rem3A_772 : i32
          %rem3A_774 = arith.constant 3 : i32
          %rem3A_775 = arith.remui %while3A_402, %rem3A_774 : i32
          %rem3A_776 = arith.constant 2 : i32
          %rem3A_777 = arith.remui %while3A_405, %rem3A_776 : i32
          %rem3A_778 = arith.constant 2 : i32
          %rem3A_779 = arith.remui %while3A_406, %rem3A_778 : i32
          "tpu.trace_start"() <{level = 10 : i32, message = "ep_run_kernel"}> : () -> ()
          %get3A_780 = arith.index_cast %rem3A_765 : i32 to index
          %get3A_781 = arith.constant 0 : index
          %get3A_782 = arith.constant 0 : index
          %get3A_783 = vector.load %run_scoped3A[%get3A_780, %get3A_781, %get3A_782] : memref<3x128x1024xf32, #tpu.memory_space<vmem>>, vector<1x128x1024xf32>
          %get3A_784 = vector.shape_cast %get3A_783 : vector<1x128x1024xf32> to vector<128x1024xf32>
          %get3A_785 = arith.constant 0 : i32
          %get3A_786 = arith.constant 0 : i32
          %get3A_787 = arith.constant 0 : i32
          %get3A_788 = tpu.memref_slice %run_scoped3A_3[%rem3A_767, %get3A_785, %get3A_786, %get3A_787] : memref<3x1x1024x512xf32, #tpu.memory_space<vmem>> -> memref<1x1x1024x512xf32, #tpu.memory_space<vmem>>
          %get3A_789 = tpu.memref_squeeze %get3A_788 : memref<1x1x1024x512xf32, #tpu.memory_space<vmem>> -> memref<1x1024x512xf32, #tpu.memory_space<vmem>>
          %get3A_790 = arith.constant 0 : index
          %get3A_791 = arith.constant 0 : index
          %get3A_792 = arith.constant 0 : index
          %get3A_793 = vector.load %get3A_789[%get3A_790, %get3A_791, %get3A_792] : memref<1x1024x512xf32, #tpu.memory_space<vmem>>, vector<1x1024x512xf32>
          %get3A_794 = vector.shape_cast %get3A_793 : vector<1x1024x512xf32> to vector<1024x512xf32>
          %dot_general3A = arith.constant dense<0.000000e+00> : vector<128x512xf32>
          %dot_general3A_795 = tpu.matmul %get3A_784, %get3A_794, %dot_general3A {dimension_numbers = #tpu.dot_dimension_numbers<[1], [0], [0], [1], [0, 0, 1, 1], [], []>, transpose_lhs_hint = false} : vector<128x1024xf32>, vector<1024x512xf32>, vector<128x512xf32> -> vector<128x512xf32>
          %get3A_796 = arith.constant 0 : i32
          %get3A_797 = arith.constant 0 : i32
          %get3A_798 = arith.constant 0 : i32
          %get3A_799 = tpu.memref_slice %run_scoped3A_5[%rem3A_769, %get3A_796, %get3A_797, %get3A_798] : memref<2x1x1x512xf32, #tpu.memory_space<vmem>> -> memref<1x1x1x512xf32, #tpu.memory_space<vmem>>
          %get3A_800 = tpu.memref_squeeze %get3A_799 : memref<1x1x1x512xf32, #tpu.memory_space<vmem>> -> memref<1x1x512xf32, #tpu.memory_space<vmem>>
          %get3A_801 = arith.constant 0 : index
          %get3A_802 = arith.constant 0 : index
          %get3A_803 = arith.constant 0 : index
          %get3A_804 = vector.load %get3A_800[%get3A_801, %get3A_802, %get3A_803] : memref<1x1x512xf32, #tpu.memory_space<vmem>>, vector<1x1x512xf32>
          %get3A_805 = vector.shape_cast %get3A_804 : vector<1x1x512xf32> to vector<1x512xf32>
          %add3A_806 = vector.broadcast %get3A_805 : vector<1x512xf32> to vector<128x512xf32>
          %add3A_807 = arith.addf %dot_general3A_795, %add3A_806 : vector<128x512xf32>
          %convert_element_type3A_808 = arith.truncf %get3A_784 : vector<128x1024xf32> to vector<128x1024xbf16>
          %get3A_809 = arith.constant 0 : i32
          %get3A_810 = arith.constant 0 : i32
          %get3A_811 = arith.constant 0 : i32
          %get3A_812 = tpu.memref_slice %run_scoped3A_7[%rem3A_771, %get3A_809, %get3A_810, %get3A_811] : memref<3x1x1024x512xf32, #tpu.memory_space<vmem>> -> memref<1x1x1024x512xf32, #tpu.memory_space<vmem>>
          %get3A_813 = tpu.memref_squeeze %get3A_812 : memref<1x1x1024x512xf32, #tpu.memory_space<vmem>> -> memref<1x1024x512xf32, #tpu.memory_space<vmem>>
          %get3A_814 = arith.constant 0 : index
          %get3A_815 = arith.constant 0 : index
          %get3A_816 = arith.constant 0 : index
          %get3A_817 = vector.load %get3A_813[%get3A_814, %get3A_815, %get3A_816] : memref<1x1024x512xf32, #tpu.memory_space<vmem>>, vector<1x1024x512xf32>
          %get3A_818 = vector.shape_cast %get3A_817 : vector<1x1024x512xf32> to vector<1024x512xf32>
          %convert_element_type3A_819 = arith.truncf %get3A_818 : vector<1024x512xf32> to vector<1024x512xbf16>
          %dot_general3A_820 = arith.constant dense<0.000000e+00> : vector<128x512xf32>
          %dot_general3A_821 = tpu.matmul %convert_element_type3A_808, %convert_element_type3A_819, %dot_general3A_820 {dimension_numbers = #tpu.dot_dimension_numbers<[1], [0], [0], [1], [0, 0, 1, 1], [], []>, transpose_lhs_hint = false} : vector<128x1024xbf16>, vector<1024x512xbf16>, vector<128x512xf32> -> vector<128x512xf32>
          %get3A_822 = arith.constant 0 : i32
          %get3A_823 = arith.constant 0 : i32
          %get3A_824 = arith.constant 0 : i32
          %get3A_825 = tpu.memref_slice %run_scoped3A_9[%rem3A_773, %get3A_822, %get3A_823, %get3A_824] : memref<2x1x1x512xf32, #tpu.memory_space<vmem>> -> memref<1x1x1x512xf32, #tpu.memory_space<vmem>>
          %get3A_826 = tpu.memref_squeeze %get3A_825 : memref<1x1x1x512xf32, #tpu.memory_space<vmem>> -> memref<1x1x512xf32, #tpu.memory_space<vmem>>
          %get3A_827 = arith.constant 0 : index
          %get3A_828 = arith.constant 0 : index
          %get3A_829 = arith.constant 0 : index
          %get3A_830 = vector.load %get3A_826[%get3A_827, %get3A_828, %get3A_829] : memref<1x1x512xf32, #tpu.memory_space<vmem>>, vector<1x1x512xf32>
          %get3A_831 = vector.shape_cast %get3A_830 : vector<1x1x512xf32> to vector<1x512xf32>
          %add3A_832 = vector.broadcast %get3A_831 : vector<1x512xf32> to vector<128x512xf32>
          %add3A_833 = arith.addf %dot_general3A_821, %add3A_832 : vector<128x512xf32>
          %gt3A_834 = arith.constant 1.000000e+00 : f32
          %gt3A_835 = vector.broadcast %gt3A_834 : f32 to vector<128x512xf32>
          %gt3A_836 = arith.cmpf ogt, %add3A_807, %gt3A_835 : vector<128x512xf32>
          %jit3A = arith.constant 0.000000e+00 : f32
          %broadcast_in_dim3A = vector.broadcast %jit3A : f32 to vector<128x512xf32>
          %select_n3A_837 = arith.select %gt3A_836, %add3A_833, %broadcast_in_dim3A : vector<128x512xi1>, vector<128x512xf32>
          %convert_element_type3A_838 = arith.truncf %select_n3A_837 : vector<128x512xf32> to vector<128x512xbf16>
          %get3A_839 = arith.constant 0 : i32
          %get3A_840 = arith.constant 0 : i32
          %get3A_841 = arith.constant 0 : i32
          %get3A_842 = tpu.memref_slice %run_scoped3A_11[%rem3A_775, %get3A_839, %get3A_840, %get3A_841] : memref<3x1x512x1024xf32, #tpu.memory_space<vmem>> -> memref<1x1x512x1024xf32, #tpu.memory_space<vmem>>
          %get3A_843 = tpu.memref_squeeze %get3A_842 : memref<1x1x512x1024xf32, #tpu.memory_space<vmem>> -> memref<1x512x1024xf32, #tpu.memory_space<vmem>>
          %get3A_844 = arith.constant 0 : index
          %get3A_845 = arith.constant 0 : index
          %get3A_846 = arith.constant 0 : index
          %get3A_847 = vector.load %get3A_843[%get3A_844, %get3A_845, %get3A_846] : memref<1x512x1024xf32, #tpu.memory_space<vmem>>, vector<1x512x1024xf32>
          %get3A_848 = vector.shape_cast %get3A_847 : vector<1x512x1024xf32> to vector<512x1024xf32>
          %convert_element_type3A_849 = arith.truncf %get3A_848 : vector<512x1024xf32> to vector<512x1024xbf16>
          %dot_general3A_850 = arith.constant dense<0.000000e+00> : vector<128x1024xf32>
          %dot_general3A_851 = tpu.matmul %convert_element_type3A_838, %convert_element_type3A_849, %dot_general3A_850 {dimension_numbers = #tpu.dot_dimension_numbers<[1], [0], [0], [1], [0, 0, 1, 1], [], []>, transpose_lhs_hint = false} : vector<128x512xbf16>, vector<512x1024xbf16>, vector<128x1024xf32> -> vector<128x1024xf32>
          %get3A_852 = arith.constant 0 : i32
          %get3A_853 = arith.constant 0 : i32
          %get3A_854 = arith.constant 0 : i32
          %get3A_855 = tpu.memref_slice %run_scoped3A_13[%rem3A_777, %get3A_852, %get3A_853, %get3A_854] : memref<2x1x1x1024xf32, #tpu.memory_space<vmem>> -> memref<1x1x1x1024xf32, #tpu.memory_space<vmem>>
          %get3A_856 = tpu.memref_squeeze %get3A_855 : memref<1x1x1x1024xf32, #tpu.memory_space<vmem>> -> memref<1x1x1024xf32, #tpu.memory_space<vmem>>
          %get3A_857 = arith.constant 0 : index
          %get3A_858 = arith.constant 0 : index
          %get3A_859 = arith.constant 0 : index
          %get3A_860 = vector.load %get3A_856[%get3A_857, %get3A_858, %get3A_859] : memref<1x1x1024xf32, #tpu.memory_space<vmem>>, vector<1x1x1024xf32>
          %get3A_861 = vector.shape_cast %get3A_860 : vector<1x1x1024xf32> to vector<1x1024xf32>
          %add3A_862 = vector.broadcast %get3A_861 : vector<1x1024xf32> to vector<128x1024xf32>
          %add3A_863 = arith.addf %dot_general3A_851, %add3A_862 : vector<128x1024xf32>
          %swap3A = arith.index_cast %rem3A_779 : i32 to index
          %swap3A_864 = arith.constant 0 : index
          %swap3A_865 = arith.constant 0 : index
          %swap3A_866 = vector.load %run_scoped3A_15[%swap3A, %swap3A_864, %swap3A_865] : memref<2x128x1024xf32, #tpu.memory_space<vmem>>, vector<1x128x1024xf32>
          %swap3A_867 = vector.shape_cast %swap3A_866 : vector<1x128x1024xf32> to vector<128x1024xf32>
          %swap3A_868 = vector.shape_cast %add3A_863 : vector<128x1024xf32> to vector<1x128x1024xf32>
          tpu.vector_store %run_scoped3A_15[%swap3A, %swap3A_864, %swap3A_865], %swap3A_868 {strides = array<i32>} : memref<2x128x1024xf32, #tpu.memory_space<vmem>>, vector<1x128x1024xf32>,
          "tpu.trace_stop"() : () -> ()
          %ne3A_869 = arith.cmpi ne, %add3A_417, %add3A_437 : i32
          %or3A_870 = arith.constant false
          %or3A_871 = arith.ori %or3A_870, %ne3A_869 : i1
          %or3A_872 = arith.constant false
          %or3A_873 = arith.ori %or3A_871, %or3A_872 : i1
          %or3A_874 = arith.ori %or3A_873, %eq3A_415 : i1
          %convert_element_type3A_875 = arith.extui %or3A_874 : i1 to i32
          %cond3A_876 = arith.constant 0 : i32
          %cond3A_877 = arith.cmpi ne, %convert_element_type3A_875, %cond3A_876 : i32
          scf.if %cond3A_877 {
          } else {
          }
          %and3A_878 = arith.constant false
          %and3A_879 = arith.andi %or3A_874, %and3A_878 : i1
          %get3A_880 = arith.index_cast %add3A_417 : i32 to index
          %get3A_881 = memref.load %arg0[%get3A_880] : memref<19xi32, #tpu.memory_space<smem>>
          %get3A_882 = arith.index_cast %add3A_437 : i32 to index
          %get3A_883 = memref.load %arg0[%get3A_882] : memref<19xi32, #tpu.memory_space<smem>>
          %ne3A_884 = arith.cmpi ne, %get3A_881, %get3A_883 : i32
          %or3A_885 = arith.constant false
          %or3A_886 = arith.ori %or3A_885, %ne3A_884 : i1
          %or3A_887 = arith.constant false
          %or3A_888 = arith.ori %or3A_886, %or3A_887 : i1
          %or3A_889 = arith.constant false
          %or3A_890 = arith.ori %or3A_888, %or3A_889 : i1
          %or3A_891 = arith.ori %or3A_890, %eq3A_415 : i1
          %convert_element_type3A_892 = arith.extui %or3A_891 : i1 to i32
          %cond3A_893 = arith.constant 0 : i32
          %cond3A_894 = arith.cmpi ne, %convert_element_type3A_892, %cond3A_893 : i32
          scf.if %cond3A_894 {
          } else {
          }
          %and3A_895 = arith.constant false
          %and3A_896 = arith.andi %or3A_891, %and3A_895 : i1
          %get3A_897 = arith.index_cast %add3A_417 : i32 to index
          %get3A_898 = memref.load %arg0[%get3A_897] : memref<19xi32, #tpu.memory_space<smem>>
          %get3A_899 = arith.index_cast %add3A_437 : i32 to index
          %get3A_900 = memref.load %arg0[%get3A_899] : memref<19xi32, #tpu.memory_space<smem>>
          %ne3A_901 = arith.cmpi ne, %get3A_898, %get3A_900 : i32
          %or3A_902 = arith.constant false
          %or3A_903 = arith.ori %or3A_902, %ne3A_901 : i1
          %or3A_904 = arith.constant false
          %or3A_905 = arith.ori %or3A_903, %or3A_904 : i1
          %or3A_906 = arith.constant false
          %or3A_907 = arith.ori %or3A_905, %or3A_906 : i1
          %or3A_908 = arith.ori %or3A_907, %eq3A_415 : i1
          %convert_element_type3A_909 = arith.extui %or3A_908 : i1 to i32
          %cond3A_910 = arith.constant 0 : i32
          %cond3A_911 = arith.cmpi ne, %convert_element_type3A_909, %cond3A_910 : i32
          scf.if %cond3A_911 {
          } else {
          }
          %and3A_912 = arith.constant false
          %and3A_913 = arith.andi %or3A_908, %and3A_912 : i1
          %get3A_914 = arith.index_cast %add3A_417 : i32 to index
          %get3A_915 = memref.load %arg0[%get3A_914] : memref<19xi32, #tpu.memory_space<smem>>
          %get3A_916 = arith.index_cast %add3A_437 : i32 to index
          %get3A_917 = memref.load %arg0[%get3A_916] : memref<19xi32, #tpu.memory_space<smem>>
          %ne3A_918 = arith.cmpi ne, %get3A_915, %get3A_917 : i32
          %or3A_919 = arith.constant false
          %or3A_920 = arith.ori %or3A_919, %ne3A_918 : i1
          %or3A_921 = arith.constant false
          %or3A_922 = arith.ori %or3A_920, %or3A_921 : i1
          %or3A_923 = arith.constant false
          %or3A_924 = arith.ori %or3A_922, %or3A_923 : i1
          %or3A_925 = arith.ori %or3A_924, %eq3A_415 : i1
          %convert_element_type3A_926 = arith.extui %or3A_925 : i1 to i32
          %cond3A_927 = arith.constant 0 : i32
          %cond3A_928 = arith.cmpi ne, %convert_element_type3A_926, %cond3A_927 : i32
          scf.if %cond3A_928 {
          } else {
          }
          %and3A_929 = arith.constant false
          %and3A_930 = arith.andi %or3A_925, %and3A_929 : i1
          %get3A_931 = arith.index_cast %add3A_417 : i32 to index
          %get3A_932 = memref.load %arg0[%get3A_931] : memref<19xi32, #tpu.memory_space<smem>>
          %get3A_933 = arith.index_cast %add3A_437 : i32 to index
          %get3A_934 = memref.load %arg0[%get3A_933] : memref<19xi32, #tpu.memory_space<smem>>
          %ne3A_935 = arith.cmpi ne, %get3A_932, %get3A_934 : i32
          %or3A_936 = arith.constant false
          %or3A_937 = arith.ori %or3A_936, %ne3A_935 : i1
          %or3A_938 = arith.constant false
          %or3A_939 = arith.ori %or3A_937, %or3A_938 : i1
          %or3A_940 = arith.constant false
          %or3A_941 = arith.ori %or3A_939, %or3A_940 : i1
          %or3A_942 = arith.ori %or3A_941, %eq3A_415 : i1
          %convert_element_type3A_943 = arith.extui %or3A_942 : i1 to i32
          %cond3A_944 = arith.constant 0 : i32
          %cond3A_945 = arith.cmpi ne, %convert_element_type3A_943, %cond3A_944 : i32
          scf.if %cond3A_945 {
          } else {
          }
          %and3A_946 = arith.constant false
          %and3A_947 = arith.andi %or3A_942, %and3A_946 : i1
          %get3A_948 = arith.index_cast %add3A_417 : i32 to index
          %get3A_949 = memref.load %arg0[%get3A_948] : memref<19xi32, #tpu.memory_space<smem>>
          %get3A_950 = arith.index_cast %add3A_437 : i32 to index
          %get3A_951 = memref.load %arg0[%get3A_950] : memref<19xi32, #tpu.memory_space<smem>>
          %ne3A_952 = arith.cmpi ne, %get3A_949, %get3A_951 : i32
          %or3A_953 = arith.constant false
          %or3A_954 = arith.ori %or3A_953, %ne3A_952 : i1
          %or3A_955 = arith.constant false
          %or3A_956 = arith.ori %or3A_954, %or3A_955 : i1
          %or3A_957 = arith.constant false
          %or3A_958 = arith.ori %or3A_956, %or3A_957 : i1
          %or3A_959 = arith.ori %or3A_958, %eq3A_415 : i1
          %convert_element_type3A_960 = arith.extui %or3A_959 : i1 to i32
          %cond3A_961 = arith.constant 0 : i32
          %cond3A_962 = arith.cmpi ne, %convert_element_type3A_960, %cond3A_961 : i32
          scf.if %cond3A_962 {
          } else {
          }
          %and3A_963 = arith.constant false
          %and3A_964 = arith.andi %or3A_959, %and3A_963 : i1
          %get3A_965 = arith.index_cast %add3A_417 : i32 to index
          %get3A_966 = memref.load %arg0[%get3A_965] : memref<19xi32, #tpu.memory_space<smem>>
          %get3A_967 = arith.index_cast %add3A_437 : i32 to index
          %get3A_968 = memref.load %arg0[%get3A_967] : memref<19xi32, #tpu.memory_space<smem>>
          %ne3A_969 = arith.cmpi ne, %get3A_966, %get3A_968 : i32
          %or3A_970 = arith.constant false
          %or3A_971 = arith.ori %or3A_970, %ne3A_969 : i1
          %or3A_972 = arith.constant false
          %or3A_973 = arith.ori %or3A_971, %or3A_972 : i1
          %or3A_974 = arith.constant false
          %or3A_975 = arith.ori %or3A_973, %or3A_974 : i1
          %or3A_976 = arith.ori %or3A_975, %eq3A_415 : i1
          %convert_element_type3A_977 = arith.extui %or3A_976 : i1 to i32
          %cond3A_978 = arith.constant 0 : i32
          %cond3A_979 = arith.cmpi ne, %convert_element_type3A_977, %cond3A_978 : i32
          scf.if %cond3A_979 {
          } else {
          }
          %and3A_980 = arith.constant false
          %and3A_981 = arith.andi %or3A_976, %and3A_980 : i1
          %ne3A_982 = arith.cmpi ne, %add3A_417, %add3A_437 : i32
          %or3A_983 = arith.constant false
          %or3A_984 = arith.ori %or3A_983, %ne3A_982 : i1
          %or3A_985 = arith.constant false
          %or3A_986 = arith.ori %or3A_984, %or3A_985 : i1
          %or3A_987 = arith.ori %or3A_986, %eq3A_415 : i1
          %convert_element_type3A_988 = arith.extui %or3A_987 : i1 to i32
          %cond3A_989 = arith.constant 0 : i32
          %cond3A_990 = arith.cmpi ne, %convert_element_type3A_988, %cond3A_989 : i32
          scf.if %cond3A_990 {
            "tpu.trace_start"() <{level = 10 : i32, message = "ep_copy_out"}> : () -> ()
            %rem3A_1245 = arith.constant 2 : i32
            %rem3A_1246 = arith.remui %while3A_406, %rem3A_1245 : i32
            %mul3A_1247 = arith.constant 128 : i32
            %mul3A_1248 = arith.muli %mul3A_1247, %add3A_417 : i32
            %dma_start3A_1249 = tpu.memref_slice %run_scoped3A_16[%rem3A_1246] : memref<2x!tpu.dma_semaphore, #tpu.memory_space<semaphore_mem>> -> memref<1x!tpu.dma_semaphore, #tpu.memory_space<semaphore_mem>>
            %dma_start3A_1250 = tpu.memref_squeeze %dma_start3A_1249 : memref<1x!tpu.dma_semaphore, #tpu.memory_space<semaphore_mem>> -> memref<!tpu.dma_semaphore, #tpu.memory_space<semaphore_mem>>
            %dma_start3A_1251 = arith.constant 0 : i32
            %dma_start3A_1252 = tpu.memref_slice %arg9[%mul3A_1248, %dma_start3A_1251] : memref<2432x1024xf32, #tpu.memory_space<hbm>> -> memref<128x1024xf32, #tpu.memory_space<hbm>>
            %dma_start3A_1253 = arith.constant 0 : i32
            %dma_start3A_1254 = arith.constant 0 : i32
            %dma_start3A_1255 = tpu.memref_slice %run_scoped3A_15[%rem3A_1246, %dma_start3A_1253, %dma_start3A_1254] : memref<2x128x1024xf32, #tpu.memory_space<vmem>> -> memref<1x128x1024xf32, #tpu.memory_space<vmem>>
            %dma_start3A_1256 = tpu.memref_squeeze %dma_start3A_1255 : memref<1x128x1024xf32, #tpu.memory_space<vmem>> -> memref<128x1024xf32, #tpu.memory_space<vmem>>
            tpu.enqueue_dma source(%dma_start3A_1256 : memref<128x1024xf32, #tpu.memory_space<vmem>>) target(%dma_start3A_1252 : memref<128x1024xf32, #tpu.memory_space<hbm>>) target_semaphore(%dma_start3A_1250 : memref<!tpu.dma_semaphore, #tpu.memory_space<semaphore_mem>>)
            "tpu.trace_stop"() : () -> ()
          } else {
          }
          %and3A_991 = arith.constant true
          %and3A_992 = arith.andi %or3A_987, %and3A_991 : i1
          %add3A_993 = arith.constant 1 : i32
          %add3A_994 = arith.addi %while3A_406, %add3A_993 : i32
          %select_n3A_995 = arith.select %and3A_992, %add3A_994, %while3A_406 : i32
          %ne3A_996 = arith.cmpi ne, %add3A_417, %add3A_428 : i32
          %or3A_997 = arith.constant false
          %or3A_998 = arith.ori %or3A_997, %ne3A_996 : i1
          %or3A_999 = arith.constant false
          %or3A_1000 = arith.ori %or3A_998, %or3A_999 : i1
          %not3A_1001 = arith.constant true
          %not3A_1002 = arith.xori %eq3A_412, %not3A_1001 : i1
          %and3A_1003 = arith.andi %or3A_1000, %not3A_1002 : i1
          %convert_element_type3A_1004 = arith.extui %and3A_1003 : i1 to i32
          %cond3A_1005 = arith.constant 0 : i32
          %cond3A_1006 = arith.cmpi ne, %convert_element_type3A_1004, %cond3A_1005 : i32
          scf.if %cond3A_1006 {
          } else {
          }
          %and3A_1007 = arith.constant false
          %and3A_1008 = arith.andi %and3A_1003, %and3A_1007 : i1
          %get3A_1009 = arith.index_cast %add3A_417 : i32 to index
          %get3A_1010 = memref.load %arg0[%get3A_1009] : memref<19xi32, #tpu.memory_space<smem>>
          %get3A_1011 = arith.index_cast %add3A_428 : i32 to index
          %get3A_1012 = memref.load %arg0[%get3A_1011] : memref<19xi32, #tpu.memory_space<smem>>
          %ne3A_1013 = arith.cmpi ne, %get3A_1010, %get3A_1012 : i32
          %or3A_1014 = arith.constant false
          %or3A_1015 = arith.ori %or3A_1014, %ne3A_1013 : i1
          %or3A_1016 = arith.constant false
          %or3A_1017 = arith.ori %or3A_1015, %or3A_1016 : i1
          %or3A_1018 = arith.constant false
          %or3A_1019 = arith.ori %or3A_1017, %or3A_1018 : i1
          %not3A_1020 = arith.constant true
          %not3A_1021 = arith.xori %eq3A_412, %not3A_1020 : i1
          %and3A_1022 = arith.andi %or3A_1019, %not3A_1021 : i1
          %convert_element_type3A_1023 = arith.extui %and3A_1022 : i1 to i32
          %cond3A_1024 = arith.constant 0 : i32
          %cond3A_1025 = arith.cmpi ne, %convert_element_type3A_1023, %cond3A_1024 : i32
          scf.if %cond3A_1025 {
          } else {
          }
          %and3A_1026 = arith.constant false
          %and3A_1027 = arith.andi %and3A_1022, %and3A_1026 : i1
          %get3A_1028 = arith.index_cast %add3A_417 : i32 to index
          %get3A_1029 = memref.load %arg0[%get3A_1028] : memref<19xi32, #tpu.memory_space<smem>>
          %get3A_1030 = arith.index_cast %add3A_428 : i32 to index
          %get3A_1031 = memref.load %arg0[%get3A_1030] : memref<19xi32, #tpu.memory_space<smem>>
          %ne3A_1032 = arith.cmpi ne, %get3A_1029, %get3A_1031 : i32
          %or3A_1033 = arith.constant false
          %or3A_1034 = arith.ori %or3A_1033, %ne3A_1032 : i1
          %or3A_1035 = arith.constant false
          %or3A_1036 = arith.ori %or3A_1034, %or3A_1035 : i1
          %or3A_1037 = arith.constant false
          %or3A_1038 = arith.ori %or3A_1036, %or3A_1037 : i1
          %not3A_1039 = arith.constant true
          %not3A_1040 = arith.xori %eq3A_412, %not3A_1039 : i1
          %and3A_1041 = arith.andi %or3A_1038, %not3A_1040 : i1
          %convert_element_type3A_1042 = arith.extui %and3A_1041 : i1 to i32
          %cond3A_1043 = arith.constant 0 : i32
          %cond3A_1044 = arith.cmpi ne, %convert_element_type3A_1042, %cond3A_1043 : i32
          scf.if %cond3A_1044 {
          } else {
          }
          %and3A_1045 = arith.constant false
          %and3A_1046 = arith.andi %and3A_1041, %and3A_1045 : i1
          %get3A_1047 = arith.index_cast %add3A_417 : i32 to index
          %get3A_1048 = memref.load %arg0[%get3A_1047] : memref<19xi32, #tpu.memory_space<smem>>
          %get3A_1049 = arith.index_cast %add3A_428 : i32 to index
          %get3A_1050 = memref.load %arg0[%get3A_1049] : memref<19xi32, #tpu.memory_space<smem>>
          %ne3A_1051 = arith.cmpi ne, %get3A_1048, %get3A_1050 : i32
          %or3A_1052 = arith.constant false
          %or3A_1053 = arith.ori %or3A_1052, %ne3A_1051 : i1
          %or3A_1054 = arith.constant false
          %or3A_1055 = arith.ori %or3A_1053, %or3A_1054 : i1
          %or3A_1056 = arith.constant false
          %or3A_1057 = arith.ori %or3A_1055, %or3A_1056 : i1
          %not3A_1058 = arith.constant true
          %not3A_1059 = arith.xori %eq3A_412, %not3A_1058 : i1
          %and3A_1060 = arith.andi %or3A_1057, %not3A_1059 : i1
          %convert_element_type3A_1061 = arith.extui %and3A_1060 : i1 to i32
          %cond3A_1062 = arith.constant 0 : i32
          %cond3A_1063 = arith.cmpi ne, %convert_element_type3A_1061, %cond3A_1062 : i32
          scf.if %cond3A_1063 {
          } else {
          }
          %and3A_1064 = arith.constant false
          %and3A_1065 = arith.andi %and3A_1060, %and3A_1064 : i1
          %get3A_1066 = arith.index_cast %add3A_417 : i32 to index
          %get3A_1067 = memref.load %arg0[%get3A_1066] : memref<19xi32, #tpu.memory_space<smem>>
          %get3A_1068 = arith.index_cast %add3A_428 : i32 to index
          %get3A_1069 = memref.load %arg0[%get3A_1068] : memref<19xi32, #tpu.memory_space<smem>>
          %ne3A_1070 = arith.cmpi ne, %get3A_1067, %get3A_1069 : i32
          %or3A_1071 = arith.constant false
          %or3A_1072 = arith.ori %or3A_1071, %ne3A_1070 : i1
          %or3A_1073 = arith.constant false
          %or3A_1074 = arith.ori %or3A_1072, %or3A_1073 : i1
          %or3A_1075 = arith.constant false
          %or3A_1076 = arith.ori %or3A_1074, %or3A_1075 : i1
          %not3A_1077 = arith.constant true
          %not3A_1078 = arith.xori %eq3A_412, %not3A_1077 : i1
          %and3A_1079 = arith.andi %or3A_1076, %not3A_1078 : i1
          %convert_element_type3A_1080 = arith.extui %and3A_1079 : i1 to i32
          %cond3A_1081 = arith.constant 0 : i32
          %cond3A_1082 = arith.cmpi ne, %convert_element_type3A_1080, %cond3A_1081 : i32
          scf.if %cond3A_1082 {
          } else {
          }
          %and3A_1083 = arith.constant false
          %and3A_1084 = arith.andi %and3A_1079, %and3A_1083 : i1
          %get3A_1085 = arith.index_cast %add3A_417 : i32 to index
          %get3A_1086 = memref.load %arg0[%get3A_1085] : memref<19xi32, #tpu.memory_space<smem>>
          %get3A_1087 = arith.index_cast %add3A_428 : i32 to index
          %get3A_1088 = memref.load %arg0[%get3A_1087] : memref<19xi32, #tpu.memory_space<smem>>
          %ne3A_1089 = arith.cmpi ne, %get3A_1086, %get3A_1088 : i32
          %or3A_1090 = arith.constant false
          %or3A_1091 = arith.ori %or3A_1090, %ne3A_1089 : i1
          %or3A_1092 = arith.constant false
          %or3A_1093 = arith.ori %or3A_1091, %or3A_1092 : i1
          %or3A_1094 = arith.constant false
          %or3A_1095 = arith.ori %or3A_1093, %or3A_1094 : i1
          %not3A_1096 = arith.constant true
          %not3A_1097 = arith.xori %eq3A_412, %not3A_1096 : i1
          %and3A_1098 = arith.andi %or3A_1095, %not3A_1097 : i1
          %convert_element_type3A_1099 = arith.extui %and3A_1098 : i1 to i32
          %cond3A_1100 = arith.constant 0 : i32
          %cond3A_1101 = arith.cmpi ne, %convert_element_type3A_1099, %cond3A_1100 : i32
          scf.if %cond3A_1101 {
          } else {
          }
          %and3A_1102 = arith.constant false
          %and3A_1103 = arith.andi %and3A_1098, %and3A_1102 : i1
          %get3A_1104 = arith.index_cast %add3A_417 : i32 to index
          %get3A_1105 = memref.load %arg0[%get3A_1104] : memref<19xi32, #tpu.memory_space<smem>>
          %get3A_1106 = arith.index_cast %add3A_428 : i32 to index
          %get3A_1107 = memref.load %arg0[%get3A_1106] : memref<19xi32, #tpu.memory_space<smem>>
          %ne3A_1108 = arith.cmpi ne, %get3A_1105, %get3A_1107 : i32
          %or3A_1109 = arith.constant false
          %or3A_1110 = arith.ori %or3A_1109, %ne3A_1108 : i1
          %or3A_1111 = arith.constant false
          %or3A_1112 = arith.ori %or3A_1110, %or3A_1111 : i1
          %or3A_1113 = arith.constant false
          %or3A_1114 = arith.ori %or3A_1112, %or3A_1113 : i1
          %not3A_1115 = arith.constant true
          %not3A_1116 = arith.xori %eq3A_412, %not3A_1115 : i1
          %and3A_1117 = arith.andi %or3A_1114, %not3A_1116 : i1
          %convert_element_type3A_1118 = arith.extui %and3A_1117 : i1 to i32
          %cond3A_1119 = arith.constant 0 : i32
          %cond3A_1120 = arith.cmpi ne, %convert_element_type3A_1118, %cond3A_1119 : i32
          scf.if %cond3A_1120 {
          } else {
          }
          %and3A_1121 = arith.constant false
          %and3A_1122 = arith.andi %and3A_1117, %and3A_1121 : i1
          %ne3A_1123 = arith.cmpi ne, %add3A_417, %add3A_428 : i32
          %or3A_1124 = arith.constant false
          %or3A_1125 = arith.ori %or3A_1124, %ne3A_1123 : i1
          %or3A_1126 = arith.constant false
          %or3A_1127 = arith.ori %or3A_1125, %or3A_1126 : i1
          %not3A_1128 = arith.constant true
          %not3A_1129 = arith.xori %eq3A_412, %not3A_1128 : i1
          %and3A_1130 = arith.andi %or3A_1127, %not3A_1129 : i1
          %convert_element_type3A_1131 = arith.extui %and3A_1130 : i1 to i32
          %cond3A_1132 = arith.constant 0 : i32
          %cond3A_1133 = arith.cmpi ne, %convert_element_type3A_1131, %cond3A_1132 : i32
          scf.if %cond3A_1133 {
            "tpu.trace_start"() <{level = 10 : i32, message = "ep_wait_out"}> : () -> ()
            %rem3A_1245 = arith.constant 2 : i32
            %rem3A_1246 = arith.remui %while3A_407, %rem3A_1245 : i32
            %mul3A_1247 = arith.constant 128 : i32
            %mul3A_1248 = arith.muli %mul3A_1247, %add3A_428 : i32
            %dma_wait3A = tpu.memref_slice %run_scoped3A_16[%rem3A_1246] : memref<2x!tpu.dma_semaphore, #tpu.memory_space<semaphore_mem>> -> memref<1x!tpu.dma_semaphore, #tpu.memory_space<semaphore_mem>>
            %dma_wait3A_1249 = tpu.memref_squeeze %dma_wait3A : memref<1x!tpu.dma_semaphore, #tpu.memory_space<semaphore_mem>> -> memref<!tpu.dma_semaphore, #tpu.memory_space<semaphore_mem>>
            %dma_wait3A_1250 = arith.constant 0 : i32
            %dma_wait3A_1251 = tpu.memref_slice %arg9[%mul3A_1248, %dma_wait3A_1250] : memref<2432x1024xf32, #tpu.memory_space<hbm>> -> memref<128x1024xf32, #tpu.memory_space<hbm>>
            %dma_wait3A_1252 = arith.constant 0 : i32
            %dma_wait3A_1253 = arith.constant 0 : i32
            %dma_wait3A_1254 = tpu.memref_slice %run_scoped3A_15[%rem3A_1246, %dma_wait3A_1252, %dma_wait3A_1253] : memref<2x128x1024xf32, #tpu.memory_space<vmem>> -> memref<1x128x1024xf32, #tpu.memory_space<vmem>>
            %dma_wait3A_1255 = tpu.memref_squeeze %dma_wait3A_1254 : memref<1x128x1024xf32, #tpu.memory_space<vmem>> -> memref<128x1024xf32, #tpu.memory_space<vmem>>
            tpu.wait_dma2 semaphore(%dma_wait3A_1249 : memref<!tpu.dma_semaphore, #tpu.memory_space<semaphore_mem>>) src(%dma_wait3A_1255 : memref<128x1024xf32, #tpu.memory_space<vmem>>) dst(%dma_wait3A_1251 : memref<128x1024xf32, #tpu.memory_space<hbm>>)
            "tpu.trace_stop"() : () -> ()
          } else {
          }
          %and3A_1134 = arith.constant true
          %and3A_1135 = arith.andi %and3A_1130, %and3A_1134 : i1
          %add3A_1136 = arith.constant 1 : i32
          %add3A_1137 = arith.addi %while3A_407, %add3A_1136 : i32
          %select_n3A_1138 = arith.select %and3A_1135, %add3A_1137, %while3A_407 : i32
          %ne3A_1139 = arith.cmpi ne, %add3A_417, %add3A_437 : i32
          %or3A_1140 = arith.constant false
          %or3A_1141 = arith.ori %or3A_1140, %ne3A_1139 : i1
          %or3A_1142 = arith.constant false
          %or3A_1143 = arith.ori %or3A_1141, %or3A_1142 : i1
          %or3A_1144 = arith.ori %or3A_1143, %eq3A_415 : i1
          %add3A_1145 = arith.constant 1 : i32
          %add3A_1146 = arith.addi %while3A_390, %add3A_1145 : i32
          %select_n3A_1147 = arith.select %or3A_1144, %add3A_1146, %while3A_390 : i32
          %get3A_1148 = arith.index_cast %add3A_417 : i32 to index
          %get3A_1149 = memref.load %arg0[%get3A_1148] : memref<19xi32, #tpu.memory_space<smem>>
          %get3A_1150 = arith.index_cast %add3A_437 : i32 to index
          %get3A_1151 = memref.load %arg0[%get3A_1150] : memref<19xi32, #tpu.memory_space<smem>>
          %ne3A_1152 = arith.cmpi ne, %get3A_1149, %get3A_1151 : i32
          %or3A_1153 = arith.constant false
          %or3A_1154 = arith.ori %or3A_1153, %ne3A_1152 : i1
          %or3A_1155 = arith.constant false
          %or3A_1156 = arith.ori %or3A_1154, %or3A_1155 : i1
          %or3A_1157 = arith.constant false
          %or3A_1158 = arith.ori %or3A_1156, %or3A_1157 : i1
          %or3A_1159 = arith.ori %or3A_1158, %eq3A_415 : i1
          %add3A_1160 = arith.constant 1 : i32
          %add3A_1161 = arith.addi %while3A_392, %add3A_1160 : i32
          %select_n3A_1162 = arith.select %or3A_1159, %add3A_1161, %while3A_392 : i32
          %get3A_1163 = arith.index_cast %add3A_417 : i32 to index
          %get3A_1164 = memref.load %arg0[%get3A_1163] : memref<19xi32, #tpu.memory_space<smem>>
          %get3A_1165 = arith.index_cast %add3A_437 : i32 to index
          %get3A_1166 = memref.load %arg0[%get3A_1165] : memref<19xi32, #tpu.memory_space<smem>>
          %ne3A_1167 = arith.cmpi ne, %get3A_1164, %get3A_1166 : i32
          %or3A_1168 = arith.constant false
          %or3A_1169 = arith.ori %or3A_1168, %ne3A_1167 : i1
          %or3A_1170 = arith.constant false
          %or3A_1171 = arith.ori %or3A_1169, %or3A_1170 : i1
          %or3A_1172 = arith.constant false
          %or3A_1173 = arith.ori %or3A_1171, %or3A_1172 : i1
          %or3A_1174 = arith.ori %or3A_1173, %eq3A_415 : i1
          %add3A_1175 = arith.constant 1 : i32
          %add3A_1176 = arith.addi %while3A_395, %add3A_1175 : i32
          %select_n3A_1177 = arith.select %or3A_1174, %add3A_1176, %while3A_395 : i32
          %get3A_1178 = arith.index_cast %add3A_417 : i32 to index
          %get3A_1179 = memref.load %arg0[%get3A_1178] : memref<19xi32, #tpu.memory_space<smem>>
          %get3A_1180 = arith.index_cast %add3A_437 : i32 to index
          %get3A_1181 = memref.load %arg0[%get3A_1180] : memref<19xi32, #tpu.memory_space<smem>>
          %ne3A_1182 = arith.cmpi ne, %get3A_1179, %get3A_1181 : i32
          %or3A_1183 = arith.constant false
          %or3A_1184 = arith.ori %or3A_1183, %ne3A_1182 : i1
          %or3A_1185 = arith.constant false
          %or3A_1186 = arith.ori %or3A_1184, %or3A_1185 : i1
          %or3A_1187 = arith.constant false
          %or3A_1188 = arith.ori %or3A_1186, %or3A_1187 : i1
          %or3A_1189 = arith.ori %or3A_1188, %eq3A_415 : i1
          %add3A_1190 = arith.constant 1 : i32
          %add3A_1191 = arith.addi %while3A_397, %add3A_1190 : i32
          %select_n3A_1192 = arith.select %or3A_1189, %add3A_1191, %while3A_397 : i32
          %get3A_1193 = arith.index_cast %add3A_417 : i32 to index
          %get3A_1194 = memref.load %arg0[%get3A_1193] : memref<19xi32, #tpu.memory_space<smem>>
          %get3A_1195 = arith.index_cast %add3A_437 : i32 to index
          %get3A_1196 = memref.load %arg0[%get3A_1195] : memref<19xi32, #tpu.memory_space<smem>>
          %ne3A_1197 = arith.cmpi ne, %get3A_1194, %get3A_1196 : i32
          %or3A_1198 = arith.constant false
          %or3A_1199 = arith.ori %or3A_1198, %ne3A_1197 : i1
          %or3A_1200 = arith.constant false
          %or3A_1201 = arith.ori %or3A_1199, %or3A_1200 : i1
          %or3A_1202 = arith.constant false
          %or3A_1203 = arith.ori %or3A_1201, %or3A_1202 : i1
          %or3A_1204 = arith.ori %or3A_1203, %eq3A_415 : i1
          %add3A_1205 = arith.constant 1 : i32
          %add3A_1206 = arith.addi %while3A_400, %add3A_1205 : i32
          %select_n3A_1207 = arith.select %or3A_1204, %add3A_1206, %while3A_400 : i32
          %get3A_1208 = arith.index_cast %add3A_417 : i32 to index
          %get3A_1209 = memref.load %arg0[%get3A_1208] : memref<19xi32, #tpu.memory_space<smem>>
          %get3A_1210 = arith.index_cast %add3A_437 : i32 to index
          %get3A_1211 = memref.load %arg0[%get3A_1210] : memref<19xi32, #tpu.memory_space<smem>>
          %ne3A_1212 = arith.cmpi ne, %get3A_1209, %get3A_1211 : i32
          %or3A_1213 = arith.constant false
          %or3A_1214 = arith.ori %or3A_1213, %ne3A_1212 : i1
          %or3A_1215 = arith.constant false
          %or3A_1216 = arith.ori %or3A_1214, %or3A_1215 : i1
          %or3A_1217 = arith.constant false
          %or3A_1218 = arith.ori %or3A_1216, %or3A_1217 : i1
          %or3A_1219 = arith.ori %or3A_1218, %eq3A_415 : i1
          %add3A_1220 = arith.constant 1 : i32
          %add3A_1221 = arith.addi %while3A_402, %add3A_1220 : i32
          %select_n3A_1222 = arith.select %or3A_1219, %add3A_1221, %while3A_402 : i32
          %get3A_1223 = arith.index_cast %add3A_417 : i32 to index
          %get3A_1224 = memref.load %arg0[%get3A_1223] : memref<19xi32, #tpu.memory_space<smem>>
          %get3A_1225 = arith.index_cast %add3A_437 : i32 to index
          %get3A_1226 = memref.load %arg0[%get3A_1225] : memref<19xi32, #tpu.memory_space<smem>>
          %ne3A_1227 = arith.cmpi ne, %get3A_1224, %get3A_1226 : i32
          %or3A_1228 = arith.constant false
          %or3A_1229 = arith.ori %or3A_1228, %ne3A_1227 : i1
          %or3A_1230 = arith.constant false
          %or3A_1231 = arith.ori %or3A_1229, %or3A_1230 : i1
          %or3A_1232 = arith.constant false
          %or3A_1233 = arith.ori %or3A_1231, %or3A_1232 : i1
          %or3A_1234 = arith.ori %or3A_1233, %eq3A_415 : i1
          %add3A_1235 = arith.constant 1 : i32
          %add3A_1236 = arith.addi %while3A_405, %add3A_1235 : i32
          %select_n3A_1237 = arith.select %or3A_1234, %add3A_1236, %while3A_405 : i32
          %add3A_1238 = arith.constant 1 : i32
          %add3A_1239 = arith.addi %while3A_408, %add3A_1238 : i32
          %select_n3A_1240 = arith.constant true
          %select_n3A_1241 = arith.select %select_n3A_1240, %add3A_1239, %while3A_408 : i32
          %eq3A_1242 = arith.cmpi eq, %select_n3A_1241, %get3A_0 : i32
          %select_n3A_1243 = arith.constant 0 : i32
          %select_n3A_1244 = arith.select %eq3A_1242, %select_n3A_1243, %select_n3A_1241 : i32
          scf.yield %select_n3A_474, %select_n3A_1147, %while3A_503#2, %select_n3A_1162, %while3A_503#0, %select_n3A_530, %select_n3A_1177, %while3A_559#2, %select_n3A_1192, %while3A_559#0, %select_n3A_586, %select_n3A_1207, %while3A_615#2, %select_n3A_1222, %while3A_615#0, %select_n3A_642, %select_n3A_1237, %select_n3A_995, %select_n3A_1138, %select_n3A_1244 : i32, i32, i32, i32, i32, i32, i32, i32, i32, i32, i32, i32, i32, i32, i32, i32, i32, i32, i32, i32
        }
        %while3A_304 = arith.constant 1 : i32
        %while3A_305:20 = scf.for %while3A_388 = %while3A_301 to %while3A_297 step %while3A_304 iter_args(%while3A_389 = %while3A_303#0, %while3A_390 = %while3A_303#1, %while3A_391 = %while3A_303#2, %while3A_392 = %while3A_303#3, %while3A_393 = %while3A_303#4, %while3A_394 = %while3A_303#5, %while3A_395 = %while3A_303#6, %while3A_396 = %while3A_303#7, %while3A_397 = %while3A_303#8, %while3A_398 = %while3A_303#9, %while3A_399 = %while3A_303#10, %while3A_400 = %while3A_303#11, %while3A_401 = %while3A_303#12, %while3A_402 = %while3A_303#13, %while3A_403 = %while3A_303#14, %while3A_404 = %while3A_303#15, %while3A_405 = %while3A_303#16, %while3A_406 = %while3A_303#17, %while3A_407 = %while3A_303#18, %while3A_408 = %while3A_303#19) -> (i32, i32, i32, i32, i32, i32, i32, i32, i32, i32, i32, i32, i32, i32, i32, i32, i32, i32, i32, i32)  : i32 {
          %mul3A_409 = arith.constant 1 : i32
          %mul3A_410 = arith.muli %mul3A_409, %get3A_0 : i32
          %eq3A_411 = arith.constant 0 : i32
          %eq3A_412 = arith.cmpi eq, %while3A_388, %eq3A_411 : i32
          %sub3A_413 = arith.constant 1 : i32
          %sub3A_414 = arith.subi %mul3A_410, %sub3A_413 : i32
          %eq3A_415 = arith.cmpi eq, %while3A_388, %sub3A_414 : i32
          %add3A_416 = arith.constant 0 : i32
          %add3A_417 = arith.addi %while3A_408, %add3A_416 : i32
          %sub3A_418 = arith.constant 1 : i32
          %sub3A_419 = arith.subi %while3A_408, %sub3A_418 : i32
          %select_n3A_420 = arith.constant true
          %select_n3A_421 = arith.select %select_n3A_420, %sub3A_419, %while3A_408 : i32
          %eq3A_422 = arith.constant -1 : i32
          %eq3A_423 = arith.cmpi eq, %select_n3A_421, %eq3A_422 : i32
          %sub3A_424 = arith.constant 1 : i32
          %sub3A_425 = arith.subi %get3A_0, %sub3A_424 : i32
          %select_n3A_426 = arith.select %eq3A_423, %sub3A_425, %select_n3A_421 : i32
          %add3A_427 = arith.constant 0 : i32
          %add3A_428 = arith.addi %select_n3A_426, %add3A_427 : i32
          %add3A_429 = arith.constant 1 : i32
          %add3A_430 = arith.addi %while3A_408, %add3A_429 : i32
          %select_n3A_431 = arith.constant true
          %select_n3A_432 = arith.select %select_n3A_431, %add3A_430, %while3A_408 : i32
          %eq3A_433 = arith.cmpi eq, %select_n3A_432, %get3A_0 : i32
          %select_n3A_434 = arith.constant 0 : i32
          %select_n3A_435 = arith.select %eq3A_433, %select_n3A_434, %select_n3A_432 : i32
          %add3A_436 = arith.constant 0 : i32
          %add3A_437 = arith.addi %select_n3A_435, %add3A_436 : i32
          %add3A_438 = arith.constant 1 : i32
          %add3A_439 = arith.addi %select_n3A_435, %add3A_438 : i32
          %select_n3A_440 = arith.constant true
          %select_n3A_441 = arith.select %select_n3A_440, %add3A_439, %select_n3A_435 : i32
          %eq3A_442 = arith.cmpi eq, %select_n3A_441, %get3A_0 : i32
          %select_n3A_443 = arith.constant 0 : i32
          %select_n3A_444 = arith.select %eq3A_442, %select_n3A_443, %select_n3A_441 : i32
          %add3A_445 = arith.constant 0 : i32
          %add3A_446 = arith.addi %select_n3A_444, %add3A_445 : i32
          %add3A_447 = arith.constant 1 : i32
          %add3A_448 = arith.addi %select_n3A_444, %add3A_447 : i32
          %select_n3A_449 = arith.constant true
          %select_n3A_450 = arith.select %select_n3A_449, %add3A_448, %select_n3A_444 : i32
          %eq3A_451 = arith.cmpi eq, %select_n3A_450, %get3A_0 : i32
          %select_n3A_452 = arith.constant 0 : i32
          %select_n3A_453 = arith.select %eq3A_451, %select_n3A_452, %select_n3A_450 : i32
          %add3A_454 = arith.constant 0 : i32
          %add3A_455 = arith.addi %select_n3A_453, %add3A_454 : i32
          %ne3A_456 = arith.cmpi ne, %add3A_437, %add3A_446 : i32
          %or3A_457 = arith.constant false
          %or3A_458 = arith.ori %or3A_457, %ne3A_456 : i1
          %or3A_459 = arith.constant false
          %or3A_460 = arith.ori %or3A_458, %or3A_459 : i1
          %sub3A_461 = arith.constant 3 : i32
          %sub3A_462 = arith.subi %mul3A_410, %sub3A_461 : i32
          %add3A_463 = arith.constant 1 : i32
          %add3A_464 = arith.addi %sub3A_462, %add3A_463 : i32
          %ge3A = arith.cmpi sge, %while3A_388, %add3A_464 : i32
          %not3A = arith.constant true
          %not3A_465 = arith.xori %ge3A, %not3A : i1
          %and3A_466 = arith.andi %or3A_460, %not3A_465 : i1
          %convert_element_type3A_467 = arith.extui %and3A_466 : i1 to i32
          %cond3A_468 = arith.constant 0 : i32
          %cond3A_469 = arith.cmpi ne, %convert_element_type3A_467, %cond3A_468 : i32
          scf.if %cond3A_469 {
            "tpu.trace_start"() <{level = 10 : i32, message = "ep_copy_in"}> : () -> ()
            %rem3A_1245 = arith.constant 3 : i32
            %rem3A_1246 = arith.remui %while3A_389, %rem3A_1245 : i32
            %mul3A_1247 = arith.constant 128 : i32
            %mul3A_1248 = arith.muli %mul3A_1247, %add3A_446 : i32
            %dma_start3A_1249 = tpu.memref_slice %run_scoped3A_2[%rem3A_1246] : memref<3x!tpu.dma_semaphore, #tpu.memory_space<semaphore_mem>> -> memref<1x!tpu.dma_semaphore, #tpu.memory_space<semaphore_mem>>
            %dma_start3A_1250 = tpu.memref_squeeze %dma_start3A_1249 : memref<1x!tpu.dma_semaphore, #tpu.memory_space<semaphore_mem>> -> memref<!tpu.dma_semaphore, #tpu.memory_space<semaphore_mem>>
            %dma_start3A_1251 = arith.constant 0 : i32
            %dma_start3A_1252 = arith.constant 0 : i32
            %dma_start3A_1253 = tpu.memref_slice %run_scoped3A[%rem3A_1246, %dma_start3A_1251, %dma_start3A_1252] : memref<3x128x1024xf32, #tpu.memory_space<vmem>> -> memref<1x128x1024xf32, #tpu.memory_space<vmem>>
            %dma_start3A_1254 = tpu.memref_squeeze %dma_start3A_1253 : memref<1x128x1024xf32, #tpu.memory_space<vmem>> -> memref<128x1024xf32, #tpu.memory_space<vmem>>
            %dma_start3A_1255 = arith.constant 0 : i32
            %dma_start3A_1256 = tpu.memref_slice %arg2[%mul3A_1248, %dma_start3A_1255] : memref<2432x1024xf32, #tpu.memory_space<hbm>> -> memref<128x1024xf32, #tpu.memory_space<hbm>>
            tpu.enqueue_dma source(%dma_start3A_1256 : memref<128x1024xf32, #tpu.memory_space<hbm>>) target(%dma_start3A_1254 : memref<128x1024xf32, #tpu.memory_space<vmem>>) target_semaphore(%dma_start3A_1250 : memref<!tpu.dma_semaphore, #tpu.memory_space<semaphore_mem>>)
            "tpu.trace_stop"() : () -> ()
          } else {
          }
          %and3A_470 = arith.constant true
          %and3A_471 = arith.andi %and3A_466, %and3A_470 : i1
          %add3A_472 = arith.constant 1 : i32
          %add3A_473 = arith.addi %while3A_389, %add3A_472 : i32
          %select_n3A_474 = arith.select %and3A_471, %add3A_473, %while3A_389 : i32
          %get3A_475 = arith.index_cast %add3A_437 : i32 to index
          %get3A_476 = memref.load %arg0[%get3A_475] : memref<19xi32, #tpu.memory_space<smem>>
          %get3A_477 = arith.index_cast %add3A_446 : i32 to index
          %get3A_478 = memref.load %arg0[%get3A_477] : memref<19xi32, #tpu.memory_space<smem>>
          %ne3A_479 = arith.cmpi ne, %get3A_476, %get3A_478 : i32
          %or3A_480 = arith.constant false
          %or3A_481 = arith.ori %or3A_480, %ne3A_479 : i1
          %or3A_482 = arith.constant false
          %or3A_483 = arith.ori %or3A_481, %or3A_482 : i1
          %or3A_484 = arith.constant false
          %or3A_485 = arith.ori %or3A_483, %or3A_484 : i1
          %sub3A_486 = arith.constant 3 : i32
          %sub3A_487 = arith.subi %mul3A_410, %sub3A_486 : i32
          %add3A_488 = arith.constant 1 : i32
          %add3A_489 = arith.addi %sub3A_487, %add3A_488 : i32
          %ge3A_490 = arith.cmpi sge, %while3A_388, %add3A_489 : i32
          %not3A_491 = arith.constant true
          %not3A_492 = arith.xori %ge3A_490, %not3A_491 : i1
          %and3A_493 = arith.andi %or3A_485, %not3A_492 : i1
          %add3A_494 = arith.constant 3 : i32
          %add3A_495 = arith.addi %while3A_392, %add3A_494 : i32
          %add3A_496 = arith.constant 1 : i32
          %add3A_497 = arith.addi %while3A_393, %add3A_496 : i32
          %select_n3A_498 = arith.constant true
          %select_n3A_499 = arith.select %select_n3A_498, %add3A_497, %while3A_393 : i32
          %select_n3A_500 = arith.constant false
          %select_n3A_501 = arith.constant 0 : i32
          %select_n3A_502 = arith.select %select_n3A_500, %select_n3A_501, %select_n3A_499 : i32
          %while3A_503:3 = scf.while (%while3A_1245 = %while3A_393, %while3A_1246 = %select_n3A_502, %while3A_1247 = %while3A_391) : (i32, i32, i32) -> (i32, i32, i32) {
            %lt3A_1248 = arith.cmpi ult, %while3A_1247, %add3A_495 : i32
            %lt3A_1249 = arith.cmpi slt, %while3A_1246, %get3A_0 : i32
            %and3A_1250 = arith.constant true
            %and3A_1251 = arith.andi %and3A_1250, %lt3A_1249 : i1
            %and3A_1252 = arith.constant true
            %and3A_1253 = arith.andi %and3A_1252, %lt3A_1248 : i1
            %and3A_1254 = arith.andi %and3A_1253, %and3A_1251 : i1
            scf.condition(%and3A_1254) %while3A_1245, %while3A_1246, %while3A_1247 : i32, i32, i32
          } do {
          ^bb0(%while3A_1245: i32, %while3A_1246: i32, %while3A_1247: i32):
            %add3A_1248 = arith.constant 0 : i32
            %add3A_1249 = arith.addi %while3A_1245, %add3A_1248 : i32
            %add3A_1250 = arith.constant 0 : i32
            %add3A_1251 = arith.addi %while3A_1246, %add3A_1250 : i32
            %get3A_1252 = arith.index_cast %add3A_1249 : i32 to index
            %get3A_1253 = memref.load %arg0[%get3A_1252] : memref<19xi32, #tpu.memory_space<smem>>
            %get3A_1254 = arith.index_cast %add3A_1251 : i32 to index
            %get3A_1255 = memref.load %arg0[%get3A_1254] : memref<19xi32, #tpu.memory_space<smem>>
            %ne3A_1256 = arith.cmpi ne, %get3A_1253, %get3A_1255 : i32
            %or3A_1257 = arith.constant false
            %or3A_1258 = arith.ori %or3A_1257, %ne3A_1256 : i1
            %or3A_1259 = arith.constant false
            %or3A_1260 = arith.ori %or3A_1258, %or3A_1259 : i1
            %or3A_1261 = arith.constant false
            %or3A_1262 = arith.ori %or3A_1260, %or3A_1261 : i1
            %convert_element_type3A_1263 = arith.extui %or3A_1262 : i1 to i32
            %cond3A_1264 = arith.constant 0 : i32
            %cond3A_1265 = arith.cmpi ne, %convert_element_type3A_1263, %cond3A_1264 : i32
            scf.if %cond3A_1265 {
              %rem3A_1275 = arith.constant 3 : i32
              %rem3A_1276 = arith.remui %while3A_1247, %rem3A_1275 : i32
              %get3A_1277 = arith.index_cast %add3A_1251 : i32 to index
              %get3A_1278 = memref.load %arg0[%get3A_1277] : memref<19xi32, #tpu.memory_space<smem>>
              %mul3A_1279 = arith.constant 1 : i32
              %mul3A_1280 = arith.muli %mul3A_1279, %get3A_1278 : i32
              %dma_start3A_1281 = tpu.memref_slice %run_scoped3A_4[%rem3A_1276] : memref<3x!tpu.dma_semaphore, #tpu.memory_space<semaphore_mem>> -> memref<1x!tpu.dma_semaphore, #tpu.memory_space<semaphore_mem>>
              %dma_start3A_1282 = tpu.memref_squeeze %dma_start3A_1281 : memref<1x!tpu.dma_semaphore, #tpu.memory_space<semaphore_mem>> -> memref<!tpu.dma_semaphore, #tpu.memory_space<semaphore_mem>>
              %dma_start3A_1283 = arith.constant 0 : i32
              %dma_start3A_1284 = arith.constant 0 : i32
              %dma_start3A_1285 = arith.constant 0 : i32
              %dma_start3A_1286 = tpu.memref_slice %run_scoped3A_3[%rem3A_1276, %dma_start3A_1283, %dma_start3A_1284, %dma_start3A_1285] : memref<3x1x1024x512xf32, #tpu.memory_space<vmem>> -> memref<1x1x1024x512xf32, #tpu.memory_space<vmem>>
              %dma_start3A_1287 = tpu.memref_squeeze %dma_start3A_1286 : memref<1x1x1024x512xf32, #tpu.memory_space<vmem>> -> memref<1x1024x512xf32, #tpu.memory_space<vmem>>
              %dma_start3A_1288 = arith.constant 0 : i32
              %dma_start3A_1289 = arith.constant 0 : i32
              %dma_start3A_1290 = tpu.memref_slice %arg3[%mul3A_1280, %dma_start3A_1288, %dma_start3A_1289] : memref<16x1024x512xf32, #tpu.memory_space<hbm>> -> memref<1x1024x512xf32, #tpu.memory_space<hbm>>
              tpu.enqueue_dma source(%dma_start3A_1290 : memref<1x1024x512xf32, #tpu.memory_space<hbm>>) target(%dma_start3A_1287 : memref<1x1024x512xf32, #tpu.memory_space<vmem>>) target_semaphore(%dma_start3A_1282 : memref<!tpu.dma_semaphore, #tpu.memory_space<semaphore_mem>>)
            } else {
            }
            %convert_element_type3A_1266 = arith.extui %or3A_1262 : i1 to i32
            %add3A_1267 = arith.addi %while3A_1247, %convert_element_type3A_1266 : i32
            %add3A_1268 = arith.constant 1 : i32
            %add3A_1269 = arith.addi %while3A_1246, %add3A_1268 : i32
            %select_n3A_1270 = arith.constant true
            %select_n3A_1271 = arith.select %select_n3A_1270, %add3A_1269, %while3A_1246 : i32
            %select_n3A_1272 = arith.constant false
            %select_n3A_1273 = arith.constant 0 : i32
            %select_n3A_1274 = arith.select %select_n3A_1272, %select_n3A_1273, %select_n3A_1271 : i32
            scf.yield %while3A_1246, %select_n3A_1274, %add3A_1267 : i32, i32, i32
          }
          %get3A_504 = arith.index_cast %add3A_417 : i32 to index
          %get3A_505 = memref.load %arg0[%get3A_504] : memref<19xi32, #tpu.memory_space<smem>>
          %get3A_506 = arith.index_cast %add3A_437 : i32 to index
          %get3A_507 = memref.load %arg0[%get3A_506] : memref<19xi32, #tpu.memory_space<smem>>
          %ne3A_508 = arith.cmpi ne, %get3A_505, %get3A_507 : i32
          %or3A_509 = arith.constant false
          %or3A_510 = arith.ori %or3A_509, %ne3A_508 : i1
          %or3A_511 = arith.constant false
          %or3A_512 = arith.ori %or3A_510, %or3A_511 : i1
          %or3A_513 = arith.constant false
          %or3A_514 = arith.ori %or3A_512, %or3A_513 : i1
          %sub3A_515 = arith.constant 2 : i32
          %sub3A_516 = arith.subi %mul3A_410, %sub3A_515 : i32
          %add3A_517 = arith.constant 1 : i32
          %add3A_518 = arith.addi %sub3A_516, %add3A_517 : i32
          %ge3A_519 = arith.cmpi sge, %while3A_388, %add3A_518 : i32
          %not3A_520 = arith.constant true
          %not3A_521 = arith.xori %ge3A_519, %not3A_520 : i1
          %and3A_522 = arith.andi %or3A_514, %not3A_521 : i1
          %convert_element_type3A_523 = arith.extui %and3A_522 : i1 to i32
          %cond3A_524 = arith.constant 0 : i32
          %cond3A_525 = arith.cmpi ne, %convert_element_type3A_523, %cond3A_524 : i32
          scf.if %cond3A_525 {
            "tpu.trace_start"() <{level = 10 : i32, message = "ep_copy_in"}> : () -> ()
            %rem3A_1245 = arith.constant 2 : i32
            %rem3A_1246 = arith.remui %while3A_394, %rem3A_1245 : i32
            %get3A_1247 = arith.index_cast %add3A_437 : i32 to index
            %get3A_1248 = memref.load %arg0[%get3A_1247] : memref<19xi32, #tpu.memory_space<smem>>
            %mul3A_1249 = arith.constant 1 : i32
            %mul3A_1250 = arith.muli %mul3A_1249, %get3A_1248 : i32
            %dma_start3A_1251 = tpu.memref_slice %run_scoped3A_6[%rem3A_1246] : memref<2x!tpu.dma_semaphore, #tpu.memory_space<semaphore_mem>> -> memref<1x!tpu.dma_semaphore, #tpu.memory_space<semaphore_mem>>
            %dma_start3A_1252 = tpu.memref_squeeze %dma_start3A_1251 : memref<1x!tpu.dma_semaphore, #tpu.memory_space<semaphore_mem>> -> memref<!tpu.dma_semaphore, #tpu.memory_space<semaphore_mem>>
            %dma_start3A_1253 = arith.constant 0 : i32
            %dma_start3A_1254 = arith.constant 0 : i32
            %dma_start3A_1255 = arith.constant 0 : i32
            %dma_start3A_1256 = tpu.memref_slice %run_scoped3A_5[%rem3A_1246, %dma_start3A_1253, %dma_start3A_1254, %dma_start3A_1255] : memref<2x1x1x512xf32, #tpu.memory_space<vmem>> -> memref<1x1x1x512xf32, #tpu.memory_space<vmem>>
            %dma_start3A_1257 = tpu.memref_squeeze %dma_start3A_1256 : memref<1x1x1x512xf32, #tpu.memory_space<vmem>> -> memref<1x1x512xf32, #tpu.memory_space<vmem>>
            %dma_start3A_1258 = arith.constant 0 : i32
            %dma_start3A_1259 = arith.constant 0 : i32
            %dma_start3A_1260 = tpu.memref_slice %arg4[%mul3A_1250, %dma_start3A_1258, %dma_start3A_1259] : memref<16x1x512xf32, #tpu.memory_space<hbm>> -> memref<1x1x512xf32, #tpu.memory_space<hbm>>
            tpu.enqueue_dma source(%dma_start3A_1260 : memref<1x1x512xf32, #tpu.memory_space<hbm>>) target(%dma_start3A_1257 : memref<1x1x512xf32, #tpu.memory_space<vmem>>) target_semaphore(%dma_start3A_1252 : memref<!tpu.dma_semaphore, #tpu.memory_space<semaphore_mem>>)
            "tpu.trace_stop"() : () -> ()
          } else {
          }
          %and3A_526 = arith.constant true
          %and3A_527 = arith.andi %and3A_522, %and3A_526 : i1
          %add3A_528 = arith.constant 1 : i32
          %add3A_529 = arith.addi %while3A_394, %add3A_528 : i32
          %select_n3A_530 = arith.select %and3A_527, %add3A_529, %while3A_394 : i32
          %get3A_531 = arith.index_cast %add3A_437 : i32 to index
          %get3A_532 = memref.load %arg0[%get3A_531] : memref<19xi32, #tpu.memory_space<smem>>
          %get3A_533 = arith.index_cast %add3A_446 : i32 to index
          %get3A_534 = memref.load %arg0[%get3A_533] : memref<19xi32, #tpu.memory_space<smem>>
          %ne3A_535 = arith.cmpi ne, %get3A_532, %get3A_534 : i32
          %or3A_536 = arith.constant false
          %or3A_537 = arith.ori %or3A_536, %ne3A_535 : i1
          %or3A_538 = arith.constant false
          %or3A_539 = arith.ori %or3A_537, %or3A_538 : i1
          %or3A_540 = arith.constant false
          %or3A_541 = arith.ori %or3A_539, %or3A_540 : i1
          %sub3A_542 = arith.constant 3 : i32
          %sub3A_543 = arith.subi %mul3A_410, %sub3A_542 : i32
          %add3A_544 = arith.constant 1 : i32
          %add3A_545 = arith.addi %sub3A_543, %add3A_544 : i32
          %ge3A_546 = arith.cmpi sge, %while3A_388, %add3A_545 : i32
          %not3A_547 = arith.constant true
          %not3A_548 = arith.xori %ge3A_546, %not3A_547 : i1
          %and3A_549 = arith.andi %or3A_541, %not3A_548 : i1
          %add3A_550 = arith.constant 3 : i32
          %add3A_551 = arith.addi %while3A_397, %add3A_550 : i32
          %add3A_552 = arith.constant 1 : i32
          %add3A_553 = arith.addi %while3A_398, %add3A_552 : i32
          %select_n3A_554 = arith.constant true
          %select_n3A_555 = arith.select %select_n3A_554, %add3A_553, %while3A_398 : i32
          %select_n3A_556 = arith.constant false
          %select_n3A_557 = arith.constant 0 : i32
          %select_n3A_558 = arith.select %select_n3A_556, %select_n3A_557, %select_n3A_555 : i32
          %while3A_559:3 = scf.while (%while3A_1245 = %while3A_398, %while3A_1246 = %select_n3A_558, %while3A_1247 = %while3A_396) : (i32, i32, i32) -> (i32, i32, i32) {
            %lt3A_1248 = arith.cmpi ult, %while3A_1247, %add3A_551 : i32
            %lt3A_1249 = arith.cmpi slt, %while3A_1246, %get3A_0 : i32
            %and3A_1250 = arith.constant true
            %and3A_1251 = arith.andi %and3A_1250, %lt3A_1249 : i1
            %and3A_1252 = arith.constant true
            %and3A_1253 = arith.andi %and3A_1252, %lt3A_1248 : i1
            %and3A_1254 = arith.andi %and3A_1253, %and3A_1251 : i1
            scf.condition(%and3A_1254) %while3A_1245, %while3A_1246, %while3A_1247 : i32, i32, i32
          } do {
          ^bb0(%while3A_1245: i32, %while3A_1246: i32, %while3A_1247: i32):
            %add3A_1248 = arith.constant 0 : i32
            %add3A_1249 = arith.addi %while3A_1245, %add3A_1248 : i32
            %add3A_1250 = arith.constant 0 : i32
            %add3A_1251 = arith.addi %while3A_1246, %add3A_1250 : i32
            %get3A_1252 = arith.index_cast %add3A_1249 : i32 to index
            %get3A_1253 = memref.load %arg0[%get3A_1252] : memref<19xi32, #tpu.memory_space<smem>>
            %get3A_1254 = arith.index_cast %add3A_1251 : i32 to index
            %get3A_1255 = memref.load %arg0[%get3A_1254] : memref<19xi32, #tpu.memory_space<smem>>
            %ne3A_1256 = arith.cmpi ne, %get3A_1253, %get3A_1255 : i32
            %or3A_1257 = arith.constant false
            %or3A_1258 = arith.ori %or3A_1257, %ne3A_1256 : i1
            %or3A_1259 = arith.constant false
            %or3A_1260 = arith.ori %or3A_1258, %or3A_1259 : i1
            %or3A_1261 = arith.constant false
            %or3A_1262 = arith.ori %or3A_1260, %or3A_1261 : i1
            %convert_element_type3A_1263 = arith.extui %or3A_1262 : i1 to i32
            %cond3A_1264 = arith.constant 0 : i32
            %cond3A_1265 = arith.cmpi ne, %convert_element_type3A_1263, %cond3A_1264 : i32
            scf.if %cond3A_1265 {
              %rem3A_1275 = arith.constant 3 : i32
              %rem3A_1276 = arith.remui %while3A_1247, %rem3A_1275 : i32
              %get3A_1277 = arith.index_cast %add3A_1251 : i32 to index
              %get3A_1278 = memref.load %arg0[%get3A_1277] : memref<19xi32, #tpu.memory_space<smem>>
              %mul3A_1279 = arith.constant 1 : i32
              %mul3A_1280 = arith.muli %mul3A_1279, %get3A_1278 : i32
              %dma_start3A_1281 = tpu.memref_slice %run_scoped3A_8[%rem3A_1276] : memref<3x!tpu.dma_semaphore, #tpu.memory_space<semaphore_mem>> -> memref<1x!tpu.dma_semaphore, #tpu.memory_space<semaphore_mem>>
              %dma_start3A_1282 = tpu.memref_squeeze %dma_start3A_1281 : memref<1x!tpu.dma_semaphore, #tpu.memory_space<semaphore_mem>> -> memref<!tpu.dma_semaphore, #tpu.memory_space<semaphore_mem>>
              %dma_start3A_1283 = arith.constant 0 : i32
              %dma_start3A_1284 = arith.constant 0 : i32
              %dma_start3A_1285 = arith.constant 0 : i32
              %dma_start3A_1286 = tpu.memref_slice %run_scoped3A_7[%rem3A_1276, %dma_start3A_1283, %dma_start3A_1284, %dma_start3A_1285] : memref<3x1x1024x512xf32, #tpu.memory_space<vmem>> -> memref<1x1x1024x512xf32, #tpu.memory_space<vmem>>
              %dma_start3A_1287 = tpu.memref_squeeze %dma_start3A_1286 : memref<1x1x1024x512xf32, #tpu.memory_space<vmem>> -> memref<1x1024x512xf32, #tpu.memory_space<vmem>>
              %dma_start3A_1288 = arith.constant 0 : i32
              %dma_start3A_1289 = arith.constant 0 : i32
              %dma_start3A_1290 = tpu.memref_slice %arg5[%mul3A_1280, %dma_start3A_1288, %dma_start3A_1289] : memref<16x1024x512xf32, #tpu.memory_space<hbm>> -> memref<1x1024x512xf32, #tpu.memory_space<hbm>>
              tpu.enqueue_dma source(%dma_start3A_1290 : memref<1x1024x512xf32, #tpu.memory_space<hbm>>) target(%dma_start3A_1287 : memref<1x1024x512xf32, #tpu.memory_space<vmem>>) target_semaphore(%dma_start3A_1282 : memref<!tpu.dma_semaphore, #tpu.memory_space<semaphore_mem>>)
            } else {
            }
            %convert_element_type3A_1266 = arith.extui %or3A_1262 : i1 to i32
            %add3A_1267 = arith.addi %while3A_1247, %convert_element_type3A_1266 : i32
            %add3A_1268 = arith.constant 1 : i32
            %add3A_1269 = arith.addi %while3A_1246, %add3A_1268 : i32
            %select_n3A_1270 = arith.constant true
            %select_n3A_1271 = arith.select %select_n3A_1270, %add3A_1269, %while3A_1246 : i32
            %select_n3A_1272 = arith.constant false
            %select_n3A_1273 = arith.constant 0 : i32
            %select_n3A_1274 = arith.select %select_n3A_1272, %select_n3A_1273, %select_n3A_1271 : i32
            scf.yield %while3A_1246, %select_n3A_1274, %add3A_1267 : i32, i32, i32
          }
          %get3A_560 = arith.index_cast %add3A_417 : i32 to index
          %get3A_561 = memref.load %arg0[%get3A_560] : memref<19xi32, #tpu.memory_space<smem>>
          %get3A_562 = arith.index_cast %add3A_437 : i32 to index
          %get3A_563 = memref.load %arg0[%get3A_562] : memref<19xi32, #tpu.memory_space<smem>>
          %ne3A_564 = arith.cmpi ne, %get3A_561, %get3A_563 : i32
          %or3A_565 = arith.constant false
          %or3A_566 = arith.ori %or3A_565, %ne3A_564 : i1
          %or3A_567 = arith.constant false
          %or3A_568 = arith.ori %or3A_566, %or3A_567 : i1
          %or3A_569 = arith.constant false
          %or3A_570 = arith.ori %or3A_568, %or3A_569 : i1
          %sub3A_571 = arith.constant 2 : i32
          %sub3A_572 = arith.subi %mul3A_410, %sub3A_571 : i32
          %add3A_573 = arith.constant 1 : i32
          %add3A_574 = arith.addi %sub3A_572, %add3A_573 : i32
          %ge3A_575 = arith.cmpi sge, %while3A_388, %add3A_574 : i32
          %not3A_576 = arith.constant true
          %not3A_577 = arith.xori %ge3A_575, %not3A_576 : i1
          %and3A_578 = arith.andi %or3A_570, %not3A_577 : i1
          %convert_element_type3A_579 = arith.extui %and3A_578 : i1 to i32
          %cond3A_580 = arith.constant 0 : i32
          %cond3A_581 = arith.cmpi ne, %convert_element_type3A_579, %cond3A_580 : i32
          scf.if %cond3A_581 {
            "tpu.trace_start"() <{level = 10 : i32, message = "ep_copy_in"}> : () -> ()
            %rem3A_1245 = arith.constant 2 : i32
            %rem3A_1246 = arith.remui %while3A_399, %rem3A_1245 : i32
            %get3A_1247 = arith.index_cast %add3A_437 : i32 to index
            %get3A_1248 = memref.load %arg0[%get3A_1247] : memref<19xi32, #tpu.memory_space<smem>>
            %mul3A_1249 = arith.constant 1 : i32
            %mul3A_1250 = arith.muli %mul3A_1249, %get3A_1248 : i32
            %dma_start3A_1251 = tpu.memref_slice %run_scoped3A_10[%rem3A_1246] : memref<2x!tpu.dma_semaphore, #tpu.memory_space<semaphore_mem>> -> memref<1x!tpu.dma_semaphore, #tpu.memory_space<semaphore_mem>>
            %dma_start3A_1252 = tpu.memref_squeeze %dma_start3A_1251 : memref<1x!tpu.dma_semaphore, #tpu.memory_space<semaphore_mem>> -> memref<!tpu.dma_semaphore, #tpu.memory_space<semaphore_mem>>
            %dma_start3A_1253 = arith.constant 0 : i32
            %dma_start3A_1254 = arith.constant 0 : i32
            %dma_start3A_1255 = arith.constant 0 : i32
            %dma_start3A_1256 = tpu.memref_slice %run_scoped3A_9[%rem3A_1246, %dma_start3A_1253, %dma_start3A_1254, %dma_start3A_1255] : memref<2x1x1x512xf32, #tpu.memory_space<vmem>> -> memref<1x1x1x512xf32, #tpu.memory_space<vmem>>
            %dma_start3A_1257 = tpu.memref_squeeze %dma_start3A_1256 : memref<1x1x1x512xf32, #tpu.memory_space<vmem>> -> memref<1x1x512xf32, #tpu.memory_space<vmem>>
            %dma_start3A_1258 = arith.constant 0 : i32
            %dma_start3A_1259 = arith.constant 0 : i32
            %dma_start3A_1260 = tpu.memref_slice %arg6[%mul3A_1250, %dma_start3A_1258, %dma_start3A_1259] : memref<16x1x512xf32, #tpu.memory_space<hbm>> -> memref<1x1x512xf32, #tpu.memory_space<hbm>>
            tpu.enqueue_dma source(%dma_start3A_1260 : memref<1x1x512xf32, #tpu.memory_space<hbm>>) target(%dma_start3A_1257 : memref<1x1x512xf32, #tpu.memory_space<vmem>>) target_semaphore(%dma_start3A_1252 : memref<!tpu.dma_semaphore, #tpu.memory_space<semaphore_mem>>)
            "tpu.trace_stop"() : () -> ()
          } else {
          }
          %and3A_582 = arith.constant true
          %and3A_583 = arith.andi %and3A_578, %and3A_582 : i1
          %add3A_584 = arith.constant 1 : i32
          %add3A_585 = arith.addi %while3A_399, %add3A_584 : i32
          %select_n3A_586 = arith.select %and3A_583, %add3A_585, %while3A_399 : i32
          %get3A_587 = arith.index_cast %add3A_437 : i32 to index
          %get3A_588 = memref.load %arg0[%get3A_587] : memref<19xi32, #tpu.memory_space<smem>>
          %get3A_589 = arith.index_cast %add3A_446 : i32 to index
          %get3A_590 = memref.load %arg0[%get3A_589] : memref<19xi32, #tpu.memory_space<smem>>
          %ne3A_591 = arith.cmpi ne, %get3A_588, %get3A_590 : i32
          %or3A_592 = arith.constant false
          %or3A_593 = arith.ori %or3A_592, %ne3A_591 : i1
          %or3A_594 = arith.constant false
          %or3A_595 = arith.ori %or3A_593, %or3A_594 : i1
          %or3A_596 = arith.constant false
          %or3A_597 = arith.ori %or3A_595, %or3A_596 : i1
          %sub3A_598 = arith.constant 3 : i32
          %sub3A_599 = arith.subi %mul3A_410, %sub3A_598 : i32
          %add3A_600 = arith.constant 1 : i32
          %add3A_601 = arith.addi %sub3A_599, %add3A_600 : i32
          %ge3A_602 = arith.cmpi sge, %while3A_388, %add3A_601 : i32
          %not3A_603 = arith.constant true
          %not3A_604 = arith.xori %ge3A_602, %not3A_603 : i1
          %and3A_605 = arith.andi %or3A_597, %not3A_604 : i1
          %add3A_606 = arith.constant 3 : i32
          %add3A_607 = arith.addi %while3A_402, %add3A_606 : i32
          %add3A_608 = arith.constant 1 : i32
          %add3A_609 = arith.addi %while3A_403, %add3A_608 : i32
          %select_n3A_610 = arith.constant true
          %select_n3A_611 = arith.select %select_n3A_610, %add3A_609, %while3A_403 : i32
          %select_n3A_612 = arith.constant false
          %select_n3A_613 = arith.constant 0 : i32
          %select_n3A_614 = arith.select %select_n3A_612, %select_n3A_613, %select_n3A_611 : i32
          %while3A_615:3 = scf.while (%while3A_1245 = %while3A_403, %while3A_1246 = %select_n3A_614, %while3A_1247 = %while3A_401) : (i32, i32, i32) -> (i32, i32, i32) {
            %lt3A_1248 = arith.cmpi ult, %while3A_1247, %add3A_607 : i32
            %lt3A_1249 = arith.cmpi slt, %while3A_1246, %get3A_0 : i32
            %and3A_1250 = arith.constant true
            %and3A_1251 = arith.andi %and3A_1250, %lt3A_1249 : i1
            %and3A_1252 = arith.constant true
            %and3A_1253 = arith.andi %and3A_1252, %lt3A_1248 : i1
            %and3A_1254 = arith.andi %and3A_1253, %and3A_1251 : i1
            scf.condition(%and3A_1254) %while3A_1245, %while3A_1246, %while3A_1247 : i32, i32, i32
          } do {
          ^bb0(%while3A_1245: i32, %while3A_1246: i32, %while3A_1247: i32):
            %add3A_1248 = arith.constant 0 : i32
            %add3A_1249 = arith.addi %while3A_1245, %add3A_1248 : i32
            %add3A_1250 = arith.constant 0 : i32
            %add3A_1251 = arith.addi %while3A_1246, %add3A_1250 : i32
            %get3A_1252 = arith.index_cast %add3A_1249 : i32 to index
            %get3A_1253 = memref.load %arg0[%get3A_1252] : memref<19xi32, #tpu.memory_space<smem>>
            %get3A_1254 = arith.index_cast %add3A_1251 : i32 to index
            %get3A_1255 = memref.load %arg0[%get3A_1254] : memref<19xi32, #tpu.memory_space<smem>>
            %ne3A_1256 = arith.cmpi ne, %get3A_1253, %get3A_1255 : i32
            %or3A_1257 = arith.constant false
            %or3A_1258 = arith.ori %or3A_1257, %ne3A_1256 : i1
            %or3A_1259 = arith.constant false
            %or3A_1260 = arith.ori %or3A_1258, %or3A_1259 : i1
            %or3A_1261 = arith.constant false
            %or3A_1262 = arith.ori %or3A_1260, %or3A_1261 : i1
            %convert_element_type3A_1263 = arith.extui %or3A_1262 : i1 to i32
            %cond3A_1264 = arith.constant 0 : i32
            %cond3A_1265 = arith.cmpi ne, %convert_element_type3A_1263, %cond3A_1264 : i32
            scf.if %cond3A_1265 {
              %rem3A_1275 = arith.constant 3 : i32
              %rem3A_1276 = arith.remui %while3A_1247, %rem3A_1275 : i32
              %get3A_1277 = arith.index_cast %add3A_1251 : i32 to index
              %get3A_1278 = memref.load %arg0[%get3A_1277] : memref<19xi32, #tpu.memory_space<smem>>
              %mul3A_1279 = arith.constant 1 : i32
              %mul3A_1280 = arith.muli %mul3A_1279, %get3A_1278 : i32
              %dma_start3A_1281 = tpu.memref_slice %run_scoped3A_12[%rem3A_1276] : memref<3x!tpu.dma_semaphore, #tpu.memory_space<semaphore_mem>> -> memref<1x!tpu.dma_semaphore, #tpu.memory_space<semaphore_mem>>
              %dma_start3A_1282 = tpu.memref_squeeze %dma_start3A_1281 : memref<1x!tpu.dma_semaphore, #tpu.memory_space<semaphore_mem>> -> memref<!tpu.dma_semaphore, #tpu.memory_space<semaphore_mem>>
              %dma_start3A_1283 = arith.constant 0 : i32
              %dma_start3A_1284 = arith.constant 0 : i32
              %dma_start3A_1285 = arith.constant 0 : i32
              %dma_start3A_1286 = tpu.memref_slice %run_scoped3A_11[%rem3A_1276, %dma_start3A_1283, %dma_start3A_1284, %dma_start3A_1285] : memref<3x1x512x1024xf32, #tpu.memory_space<vmem>> -> memref<1x1x512x1024xf32, #tpu.memory_space<vmem>>
              %dma_start3A_1287 = tpu.memref_squeeze %dma_start3A_1286 : memref<1x1x512x1024xf32, #tpu.memory_space<vmem>> -> memref<1x512x1024xf32, #tpu.memory_space<vmem>>
              %dma_start3A_1288 = arith.constant 0 : i32
              %dma_start3A_1289 = arith.constant 0 : i32
              %dma_start3A_1290 = tpu.memref_slice %arg7[%mul3A_1280, %dma_start3A_1288, %dma_start3A_1289] : memref<16x512x1024xf32, #tpu.memory_space<hbm>> -> memref<1x512x1024xf32, #tpu.memory_space<hbm>>
              tpu.enqueue_dma source(%dma_start3A_1290 : memref<1x512x1024xf32, #tpu.memory_space<hbm>>) target(%dma_start3A_1287 : memref<1x512x1024xf32, #tpu.memory_space<vmem>>) target_semaphore(%dma_start3A_1282 : memref<!tpu.dma_semaphore, #tpu.memory_space<semaphore_mem>>)
            } else {
            }
            %convert_element_type3A_1266 = arith.extui %or3A_1262 : i1 to i32
            %add3A_1267 = arith.addi %while3A_1247, %convert_element_type3A_1266 : i32
            %add3A_1268 = arith.constant 1 : i32
            %add3A_1269 = arith.addi %while3A_1246, %add3A_1268 : i32
            %select_n3A_1270 = arith.constant true
            %select_n3A_1271 = arith.select %select_n3A_1270, %add3A_1269, %while3A_1246 : i32
            %select_n3A_1272 = arith.constant false
            %select_n3A_1273 = arith.constant 0 : i32
            %select_n3A_1274 = arith.select %select_n3A_1272, %select_n3A_1273, %select_n3A_1271 : i32
            scf.yield %while3A_1246, %select_n3A_1274, %add3A_1267 : i32, i32, i32
          }
          %get3A_616 = arith.index_cast %add3A_417 : i32 to index
          %get3A_617 = memref.load %arg0[%get3A_616] : memref<19xi32, #tpu.memory_space<smem>>
          %get3A_618 = arith.index_cast %add3A_437 : i32 to index
          %get3A_619 = memref.load %arg0[%get3A_618] : memref<19xi32, #tpu.memory_space<smem>>
          %ne3A_620 = arith.cmpi ne, %get3A_617, %get3A_619 : i32
          %or3A_621 = arith.constant false
          %or3A_622 = arith.ori %or3A_621, %ne3A_620 : i1
          %or3A_623 = arith.constant false
          %or3A_624 = arith.ori %or3A_622, %or3A_623 : i1
          %or3A_625 = arith.constant false
          %or3A_626 = arith.ori %or3A_624, %or3A_625 : i1
          %sub3A_627 = arith.constant 2 : i32
          %sub3A_628 = arith.subi %mul3A_410, %sub3A_627 : i32
          %add3A_629 = arith.constant 1 : i32
          %add3A_630 = arith.addi %sub3A_628, %add3A_629 : i32
          %ge3A_631 = arith.cmpi sge, %while3A_388, %add3A_630 : i32
          %not3A_632 = arith.constant true
          %not3A_633 = arith.xori %ge3A_631, %not3A_632 : i1
          %and3A_634 = arith.andi %or3A_626, %not3A_633 : i1
          %convert_element_type3A_635 = arith.extui %and3A_634 : i1 to i32
          %cond3A_636 = arith.constant 0 : i32
          %cond3A_637 = arith.cmpi ne, %convert_element_type3A_635, %cond3A_636 : i32
          scf.if %cond3A_637 {
            "tpu.trace_start"() <{level = 10 : i32, message = "ep_copy_in"}> : () -> ()
            %rem3A_1245 = arith.constant 2 : i32
            %rem3A_1246 = arith.remui %while3A_404, %rem3A_1245 : i32
            %get3A_1247 = arith.index_cast %add3A_437 : i32 to index
            %get3A_1248 = memref.load %arg0[%get3A_1247] : memref<19xi32, #tpu.memory_space<smem>>
            %mul3A_1249 = arith.constant 1 : i32
            %mul3A_1250 = arith.muli %mul3A_1249, %get3A_1248 : i32
            %dma_start3A_1251 = tpu.memref_slice %run_scoped3A_14[%rem3A_1246] : memref<2x!tpu.dma_semaphore, #tpu.memory_space<semaphore_mem>> -> memref<1x!tpu.dma_semaphore, #tpu.memory_space<semaphore_mem>>
            %dma_start3A_1252 = tpu.memref_squeeze %dma_start3A_1251 : memref<1x!tpu.dma_semaphore, #tpu.memory_space<semaphore_mem>> -> memref<!tpu.dma_semaphore, #tpu.memory_space<semaphore_mem>>
            %dma_start3A_1253 = arith.constant 0 : i32
            %dma_start3A_1254 = arith.constant 0 : i32
            %dma_start3A_1255 = arith.constant 0 : i32
            %dma_start3A_1256 = tpu.memref_slice %run_scoped3A_13[%rem3A_1246, %dma_start3A_1253, %dma_start3A_1254, %dma_start3A_1255] : memref<2x1x1x1024xf32, #tpu.memory_space<vmem>> -> memref<1x1x1x1024xf32, #tpu.memory_space<vmem>>
            %dma_start3A_1257 = tpu.memref_squeeze %dma_start3A_1256 : memref<1x1x1x1024xf32, #tpu.memory_space<vmem>> -> memref<1x1x1024xf32, #tpu.memory_space<vmem>>
            %dma_start3A_1258 = arith.constant 0 : i32
            %dma_start3A_1259 = arith.constant 0 : i32
            %dma_start3A_1260 = tpu.memref_slice %arg8[%mul3A_1250, %dma_start3A_1258, %dma_start3A_1259] : memref<16x1x1024xf32, #tpu.memory_space<hbm>> -> memref<1x1x1024xf32, #tpu.memory_space<hbm>>
            tpu.enqueue_dma source(%dma_start3A_1260 : memref<1x1x1024xf32, #tpu.memory_space<hbm>>) target(%dma_start3A_1257 : memref<1x1x1024xf32, #tpu.memory_space<vmem>>) target_semaphore(%dma_start3A_1252 : memref<!tpu.dma_semaphore, #tpu.memory_space<semaphore_mem>>)
            "tpu.trace_stop"() : () -> ()
          } else {
          }
          %and3A_638 = arith.constant true
          %and3A_639 = arith.andi %and3A_634, %and3A_638 : i1
          %add3A_640 = arith.constant 1 : i32
          %add3A_641 = arith.addi %while3A_404, %add3A_640 : i32
          %select_n3A_642 = arith.select %and3A_639, %add3A_641, %while3A_404 : i32
          %ne3A_643 = arith.cmpi ne, %add3A_417, %add3A_437 : i32
          %or3A_644 = arith.constant false
          %or3A_645 = arith.ori %or3A_644, %ne3A_643 : i1
          %or3A_646 = arith.constant false
          %or3A_647 = arith.ori %or3A_645, %or3A_646 : i1
          %sub3A_648 = arith.constant 2 : i32
          %sub3A_649 = arith.subi %mul3A_410, %sub3A_648 : i32
          %add3A_650 = arith.constant 1 : i32
          %add3A_651 = arith.addi %sub3A_649, %add3A_650 : i32
          %ge3A_652 = arith.cmpi sge, %while3A_388, %add3A_651 : i32
          %not3A_653 = arith.constant true
          %not3A_654 = arith.xori %ge3A_652, %not3A_653 : i1
          %and3A_655 = arith.andi %or3A_647, %not3A_654 : i1
          %ne3A_656 = arith.cmpi ne, %add3A_417, %add3A_428 : i32
          %or3A_657 = arith.constant false
          %or3A_658 = arith.ori %or3A_657, %ne3A_656 : i1
          %or3A_659 = arith.constant false
          %or3A_660 = arith.ori %or3A_658, %or3A_659 : i1
          %or3A_661 = arith.ori %or3A_660, %eq3A_412 : i1
          %convert_element_type3A_662 = arith.extui %or3A_661 : i1 to i32
          %cond3A_663 = arith.constant 0 : i32
          %cond3A_664 = arith.cmpi ne, %convert_element_type3A_662, %cond3A_663 : i32
          scf.if %cond3A_664 {
            "tpu.trace_start"() <{level = 10 : i32, message = "ep_wait_in"}> : () -> ()
            %mul3A_1245 = arith.constant 128 : i32
            %mul3A_1246 = arith.muli %mul3A_1245, %add3A_417 : i32
            %rem3A_1247 = arith.constant 3 : i32
            %rem3A_1248 = arith.remui %while3A_390, %rem3A_1247 : i32
            %dma_wait3A = tpu.memref_slice %run_scoped3A_2[%rem3A_1248] : memref<3x!tpu.dma_semaphore, #tpu.memory_space<semaphore_mem>> -> memref<1x!tpu.dma_semaphore, #tpu.memory_space<semaphore_mem>>
            %dma_wait3A_1249 = tpu.memref_squeeze %dma_wait3A : memref<1x!tpu.dma_semaphore, #tpu.memory_space<semaphore_mem>> -> memref<!tpu.dma_semaphore, #tpu.memory_space<semaphore_mem>>
            %dma_wait3A_1250 = arith.constant 0 : i32
            %dma_wait3A_1251 = arith.constant 0 : i32
            %dma_wait3A_1252 = tpu.memref_slice %run_scoped3A[%rem3A_1248, %dma_wait3A_1250, %dma_wait3A_1251] : memref<3x128x1024xf32, #tpu.memory_space<vmem>> -> memref<1x128x1024xf32, #tpu.memory_space<vmem>>
            %dma_wait3A_1253 = tpu.memref_squeeze %dma_wait3A_1252 : memref<1x128x1024xf32, #tpu.memory_space<vmem>> -> memref<128x1024xf32, #tpu.memory_space<vmem>>
            %dma_wait3A_1254 = arith.constant 0 : i32
            %dma_wait3A_1255 = tpu.memref_slice %arg2[%mul3A_1246, %dma_wait3A_1254] : memref<2432x1024xf32, #tpu.memory_space<hbm>> -> memref<128x1024xf32, #tpu.memory_space<hbm>>
            tpu.wait_dma2 semaphore(%dma_wait3A_1249 : memref<!tpu.dma_semaphore, #tpu.memory_space<semaphore_mem>>) src(%dma_wait3A_1255 : memref<128x1024xf32, #tpu.memory_space<hbm>>) dst(%dma_wait3A_1253 : memref<128x1024xf32, #tpu.memory_space<vmem>>)
            "tpu.trace_stop"() : () -> ()
          } else {
          }
          %get3A_665 = arith.index_cast %add3A_417 : i32 to index
          %get3A_666 = memref.load %arg0[%get3A_665] : memref<19xi32, #tpu.memory_space<smem>>
          %get3A_667 = arith.index_cast %add3A_428 : i32 to index
          %get3A_668 = memref.load %arg0[%get3A_667] : memref<19xi32, #tpu.memory_space<smem>>
          %ne3A_669 = arith.cmpi ne, %get3A_666, %get3A_668 : i32
          %or3A_670 = arith.constant false
          %or3A_671 = arith.ori %or3A_670, %ne3A_669 : i1
          %or3A_672 = arith.constant false
          %or3A_673 = arith.ori %or3A_671, %or3A_672 : i1
          %or3A_674 = arith.constant false
          %or3A_675 = arith.ori %or3A_673, %or3A_674 : i1
          %or3A_676 = arith.ori %or3A_675, %eq3A_412 : i1
          %convert_element_type3A_677 = arith.extui %or3A_676 : i1 to i32
          %cond3A_678 = arith.constant 0 : i32
          %cond3A_679 = arith.cmpi ne, %convert_element_type3A_677, %cond3A_678 : i32
          scf.if %cond3A_679 {
            "tpu.trace_start"() <{level = 10 : i32, message = "ep_wait_in"}> : () -> ()
            %get3A_1245 = arith.index_cast %add3A_417 : i32 to index
            %get3A_1246 = memref.load %arg0[%get3A_1245] : memref<19xi32, #tpu.memory_space<smem>>
            %mul3A_1247 = arith.constant 1 : i32
            %mul3A_1248 = arith.muli %mul3A_1247, %get3A_1246 : i32
            %rem3A_1249 = arith.constant 3 : i32
            %rem3A_1250 = arith.remui %while3A_392, %rem3A_1249 : i32
            %dma_wait3A = tpu.memref_slice %run_scoped3A_4[%rem3A_1250] : memref<3x!tpu.dma_semaphore, #tpu.memory_space<semaphore_mem>> -> memref<1x!tpu.dma_semaphore, #tpu.memory_space<semaphore_mem>>
            %dma_wait3A_1251 = tpu.memref_squeeze %dma_wait3A : memref<1x!tpu.dma_semaphore, #tpu.memory_space<semaphore_mem>> -> memref<!tpu.dma_semaphore, #tpu.memory_space<semaphore_mem>>
            %dma_wait3A_1252 = arith.constant 0 : i32
            %dma_wait3A_1253 = arith.constant 0 : i32
            %dma_wait3A_1254 = arith.constant 0 : i32
            %dma_wait3A_1255 = tpu.memref_slice %run_scoped3A_3[%rem3A_1250, %dma_wait3A_1252, %dma_wait3A_1253, %dma_wait3A_1254] : memref<3x1x1024x512xf32, #tpu.memory_space<vmem>> -> memref<1x1x1024x512xf32, #tpu.memory_space<vmem>>
            %dma_wait3A_1256 = tpu.memref_squeeze %dma_wait3A_1255 : memref<1x1x1024x512xf32, #tpu.memory_space<vmem>> -> memref<1x1024x512xf32, #tpu.memory_space<vmem>>
            %dma_wait3A_1257 = arith.constant 0 : i32
            %dma_wait3A_1258 = arith.constant 0 : i32
            %dma_wait3A_1259 = tpu.memref_slice %arg3[%mul3A_1248, %dma_wait3A_1257, %dma_wait3A_1258] : memref<16x1024x512xf32, #tpu.memory_space<hbm>> -> memref<1x1024x512xf32, #tpu.memory_space<hbm>>
            tpu.wait_dma2 semaphore(%dma_wait3A_1251 : memref<!tpu.dma_semaphore, #tpu.memory_space<semaphore_mem>>) src(%dma_wait3A_1259 : memref<1x1024x512xf32, #tpu.memory_space<hbm>>) dst(%dma_wait3A_1256 : memref<1x1024x512xf32, #tpu.memory_space<vmem>>)
            "tpu.trace_stop"() : () -> ()
          } else {
          }
          %get3A_680 = arith.index_cast %add3A_417 : i32 to index
          %get3A_681 = memref.load %arg0[%get3A_680] : memref<19xi32, #tpu.memory_space<smem>>
          %get3A_682 = arith.index_cast %add3A_428 : i32 to index
          %get3A_683 = memref.load %arg0[%get3A_682] : memref<19xi32, #tpu.memory_space<smem>>
          %ne3A_684 = arith.cmpi ne, %get3A_681, %get3A_683 : i32
          %or3A_685 = arith.constant false
          %or3A_686 = arith.ori %or3A_685, %ne3A_684 : i1
          %or3A_687 = arith.constant false
          %or3A_688 = arith.ori %or3A_686, %or3A_687 : i1
          %or3A_689 = arith.constant false
          %or3A_690 = arith.ori %or3A_688, %or3A_689 : i1
          %or3A_691 = arith.ori %or3A_690, %eq3A_412 : i1
          %convert_element_type3A_692 = arith.extui %or3A_691 : i1 to i32
          %cond3A_693 = arith.constant 0 : i32
          %cond3A_694 = arith.cmpi ne, %convert_element_type3A_692, %cond3A_693 : i32
          scf.if %cond3A_694 {
            "tpu.trace_start"() <{level = 10 : i32, message = "ep_wait_in"}> : () -> ()
            %get3A_1245 = arith.index_cast %add3A_417 : i32 to index
            %get3A_1246 = memref.load %arg0[%get3A_1245] : memref<19xi32, #tpu.memory_space<smem>>
            %mul3A_1247 = arith.constant 1 : i32
            %mul3A_1248 = arith.muli %mul3A_1247, %get3A_1246 : i32
            %rem3A_1249 = arith.constant 2 : i32
            %rem3A_1250 = arith.remui %while3A_395, %rem3A_1249 : i32
            %dma_wait3A = tpu.memref_slice %run_scoped3A_6[%rem3A_1250] : memref<2x!tpu.dma_semaphore, #tpu.memory_space<semaphore_mem>> -> memref<1x!tpu.dma_semaphore, #tpu.memory_space<semaphore_mem>>
            %dma_wait3A_1251 = tpu.memref_squeeze %dma_wait3A : memref<1x!tpu.dma_semaphore, #tpu.memory_space<semaphore_mem>> -> memref<!tpu.dma_semaphore, #tpu.memory_space<semaphore_mem>>
            %dma_wait3A_1252 = arith.constant 0 : i32
            %dma_wait3A_1253 = arith.constant 0 : i32
            %dma_wait3A_1254 = arith.constant 0 : i32
            %dma_wait3A_1255 = tpu.memref_slice %run_scoped3A_5[%rem3A_1250, %dma_wait3A_1252, %dma_wait3A_1253, %dma_wait3A_1254] : memref<2x1x1x512xf32, #tpu.memory_space<vmem>> -> memref<1x1x1x512xf32, #tpu.memory_space<vmem>>
            %dma_wait3A_1256 = tpu.memref_squeeze %dma_wait3A_1255 : memref<1x1x1x512xf32, #tpu.memory_space<vmem>> -> memref<1x1x512xf32, #tpu.memory_space<vmem>>
            %dma_wait3A_1257 = arith.constant 0 : i32
            %dma_wait3A_1258 = arith.constant 0 : i32
            %dma_wait3A_1259 = tpu.memref_slice %arg4[%mul3A_1248, %dma_wait3A_1257, %dma_wait3A_1258] : memref<16x1x512xf32, #tpu.memory_space<hbm>> -> memref<1x1x512xf32, #tpu.memory_space<hbm>>
            tpu.wait_dma2 semaphore(%dma_wait3A_1251 : memref<!tpu.dma_semaphore, #tpu.memory_space<semaphore_mem>>) src(%dma_wait3A_1259 : memref<1x1x512xf32, #tpu.memory_space<hbm>>) dst(%dma_wait3A_1256 : memref<1x1x512xf32, #tpu.memory_space<vmem>>)
            "tpu.trace_stop"() : () -> ()
          } else {
          }
          %get3A_695 = arith.index_cast %add3A_417 : i32 to index
          %get3A_696 = memref.load %arg0[%get3A_695] : memref<19xi32, #tpu.memory_space<smem>>
          %get3A_697 = arith.index_cast %add3A_428 : i32 to index
          %get3A_698 = memref.load %arg0[%get3A_697] : memref<19xi32, #tpu.memory_space<smem>>
          %ne3A_699 = arith.cmpi ne, %get3A_696, %get3A_698 : i32
          %or3A_700 = arith.constant false
          %or3A_701 = arith.ori %or3A_700, %ne3A_699 : i1
          %or3A_702 = arith.constant false
          %or3A_703 = arith.ori %or3A_701, %or3A_702 : i1
          %or3A_704 = arith.constant false
          %or3A_705 = arith.ori %or3A_703, %or3A_704 : i1
          %or3A_706 = arith.ori %or3A_705, %eq3A_412 : i1
          %convert_element_type3A_707 = arith.extui %or3A_706 : i1 to i32
          %cond3A_708 = arith.constant 0 : i32
          %cond3A_709 = arith.cmpi ne, %convert_element_type3A_707, %cond3A_708 : i32
          scf.if %cond3A_709 {
            "tpu.trace_start"() <{level = 10 : i32, message = "ep_wait_in"}> : () -> ()
            %get3A_1245 = arith.index_cast %add3A_417 : i32 to index
            %get3A_1246 = memref.load %arg0[%get3A_1245] : memref<19xi32, #tpu.memory_space<smem>>
            %mul3A_1247 = arith.constant 1 : i32
            %mul3A_1248 = arith.muli %mul3A_1247, %get3A_1246 : i32
            %rem3A_1249 = arith.constant 3 : i32
            %rem3A_1250 = arith.remui %while3A_397, %rem3A_1249 : i32
            %dma_wait3A = tpu.memref_slice %run_scoped3A_8[%rem3A_1250] : memref<3x!tpu.dma_semaphore, #tpu.memory_space<semaphore_mem>> -> memref<1x!tpu.dma_semaphore, #tpu.memory_space<semaphore_mem>>
            %dma_wait3A_1251 = tpu.memref_squeeze %dma_wait3A : memref<1x!tpu.dma_semaphore, #tpu.memory_space<semaphore_mem>> -> memref<!tpu.dma_semaphore, #tpu.memory_space<semaphore_mem>>
            %dma_wait3A_1252 = arith.constant 0 : i32
            %dma_wait3A_1253 = arith.constant 0 : i32
            %dma_wait3A_1254 = arith.constant 0 : i32
            %dma_wait3A_1255 = tpu.memref_slice %run_scoped3A_7[%rem3A_1250, %dma_wait3A_1252, %dma_wait3A_1253, %dma_wait3A_1254] : memref<3x1x1024x512xf32, #tpu.memory_space<vmem>> -> memref<1x1x1024x512xf32, #tpu.memory_space<vmem>>
            %dma_wait3A_1256 = tpu.memref_squeeze %dma_wait3A_1255 : memref<1x1x1024x512xf32, #tpu.memory_space<vmem>> -> memref<1x1024x512xf32, #tpu.memory_space<vmem>>
            %dma_wait3A_1257 = arith.constant 0 : i32
            %dma_wait3A_1258 = arith.constant 0 : i32
            %dma_wait3A_1259 = tpu.memref_slice %arg5[%mul3A_1248, %dma_wait3A_1257, %dma_wait3A_1258] : memref<16x1024x512xf32, #tpu.memory_space<hbm>> -> memref<1x1024x512xf32, #tpu.memory_space<hbm>>
            tpu.wait_dma2 semaphore(%dma_wait3A_1251 : memref<!tpu.dma_semaphore, #tpu.memory_space<semaphore_mem>>) src(%dma_wait3A_1259 : memref<1x1024x512xf32, #tpu.memory_space<hbm>>) dst(%dma_wait3A_1256 : memref<1x1024x512xf32, #tpu.memory_space<vmem>>)
            "tpu.trace_stop"() : () -> ()
          } else {
          }
          %get3A_710 = arith.index_cast %add3A_417 : i32 to index
          %get3A_711 = memref.load %arg0[%get3A_710] : memref<19xi32, #tpu.memory_space<smem>>
          %get3A_712 = arith.index_cast %add3A_428 : i32 to index
          %get3A_713 = memref.load %arg0[%get3A_712] : memref<19xi32, #tpu.memory_space<smem>>
          %ne3A_714 = arith.cmpi ne, %get3A_711, %get3A_713 : i32
          %or3A_715 = arith.constant false
          %or3A_716 = arith.ori %or3A_715, %ne3A_714 : i1
          %or3A_717 = arith.constant false
          %or3A_718 = arith.ori %or3A_716, %or3A_717 : i1
          %or3A_719 = arith.constant false
          %or3A_720 = arith.ori %or3A_718, %or3A_719 : i1
          %or3A_721 = arith.ori %or3A_720, %eq3A_412 : i1
          %convert_element_type3A_722 = arith.extui %or3A_721 : i1 to i32
          %cond3A_723 = arith.constant 0 : i32
          %cond3A_724 = arith.cmpi ne, %convert_element_type3A_722, %cond3A_723 : i32
          scf.if %cond3A_724 {
            "tpu.trace_start"() <{level = 10 : i32, message = "ep_wait_in"}> : () -> ()
            %get3A_1245 = arith.index_cast %add3A_417 : i32 to index
            %get3A_1246 = memref.load %arg0[%get3A_1245] : memref<19xi32, #tpu.memory_space<smem>>
            %mul3A_1247 = arith.constant 1 : i32
            %mul3A_1248 = arith.muli %mul3A_1247, %get3A_1246 : i32
            %rem3A_1249 = arith.constant 2 : i32
            %rem3A_1250 = arith.remui %while3A_400, %rem3A_1249 : i32
            %dma_wait3A = tpu.memref_slice %run_scoped3A_10[%rem3A_1250] : memref<2x!tpu.dma_semaphore, #tpu.memory_space<semaphore_mem>> -> memref<1x!tpu.dma_semaphore, #tpu.memory_space<semaphore_mem>>
            %dma_wait3A_1251 = tpu.memref_squeeze %dma_wait3A : memref<1x!tpu.dma_semaphore, #tpu.memory_space<semaphore_mem>> -> memref<!tpu.dma_semaphore, #tpu.memory_space<semaphore_mem>>
            %dma_wait3A_1252 = arith.constant 0 : i32
            %dma_wait3A_1253 = arith.constant 0 : i32
            %dma_wait3A_1254 = arith.constant 0 : i32
            %dma_wait3A_1255 = tpu.memref_slice %run_scoped3A_9[%rem3A_1250, %dma_wait3A_1252, %dma_wait3A_1253, %dma_wait3A_1254] : memref<2x1x1x512xf32, #tpu.memory_space<vmem>> -> memref<1x1x1x512xf32, #tpu.memory_space<vmem>>
            %dma_wait3A_1256 = tpu.memref_squeeze %dma_wait3A_1255 : memref<1x1x1x512xf32, #tpu.memory_space<vmem>> -> memref<1x1x512xf32, #tpu.memory_space<vmem>>
            %dma_wait3A_1257 = arith.constant 0 : i32
            %dma_wait3A_1258 = arith.constant 0 : i32
            %dma_wait3A_1259 = tpu.memref_slice %arg6[%mul3A_1248, %dma_wait3A_1257, %dma_wait3A_1258] : memref<16x1x512xf32, #tpu.memory_space<hbm>> -> memref<1x1x512xf32, #tpu.memory_space<hbm>>
            tpu.wait_dma2 semaphore(%dma_wait3A_1251 : memref<!tpu.dma_semaphore, #tpu.memory_space<semaphore_mem>>) src(%dma_wait3A_1259 : memref<1x1x512xf32, #tpu.memory_space<hbm>>) dst(%dma_wait3A_1256 : memref<1x1x512xf32, #tpu.memory_space<vmem>>)
            "tpu.trace_stop"() : () -> ()
          } else {
          }
          %get3A_725 = arith.index_cast %add3A_417 : i32 to index
          %get3A_726 = memref.load %arg0[%get3A_725] : memref<19xi32, #tpu.memory_space<smem>>
          %get3A_727 = arith.index_cast %add3A_428 : i32 to index
          %get3A_728 = memref.load %arg0[%get3A_727] : memref<19xi32, #tpu.memory_space<smem>>
          %ne3A_729 = arith.cmpi ne, %get3A_726, %get3A_728 : i32
          %or3A_730 = arith.constant false
          %or3A_731 = arith.ori %or3A_730, %ne3A_729 : i1
          %or3A_732 = arith.constant false
          %or3A_733 = arith.ori %or3A_731, %or3A_732 : i1
          %or3A_734 = arith.constant false
          %or3A_735 = arith.ori %or3A_733, %or3A_734 : i1
          %or3A_736 = arith.ori %or3A_735, %eq3A_412 : i1
          %convert_element_type3A_737 = arith.extui %or3A_736 : i1 to i32
          %cond3A_738 = arith.constant 0 : i32
          %cond3A_739 = arith.cmpi ne, %convert_element_type3A_737, %cond3A_738 : i32
          scf.if %cond3A_739 {
            "tpu.trace_start"() <{level = 10 : i32, message = "ep_wait_in"}> : () -> ()
            %get3A_1245 = arith.index_cast %add3A_417 : i32 to index
            %get3A_1246 = memref.load %arg0[%get3A_1245] : memref<19xi32, #tpu.memory_space<smem>>
            %mul3A_1247 = arith.constant 1 : i32
            %mul3A_1248 = arith.muli %mul3A_1247, %get3A_1246 : i32
            %rem3A_1249 = arith.constant 3 : i32
            %rem3A_1250 = arith.remui %while3A_402, %rem3A_1249 : i32
            %dma_wait3A = tpu.memref_slice %run_scoped3A_12[%rem3A_1250] : memref<3x!tpu.dma_semaphore, #tpu.memory_space<semaphore_mem>> -> memref<1x!tpu.dma_semaphore, #tpu.memory_space<semaphore_mem>>
            %dma_wait3A_1251 = tpu.memref_squeeze %dma_wait3A : memref<1x!tpu.dma_semaphore, #tpu.memory_space<semaphore_mem>> -> memref<!tpu.dma_semaphore, #tpu.memory_space<semaphore_mem>>
            %dma_wait3A_1252 = arith.constant 0 : i32
            %dma_wait3A_1253 = arith.constant 0 : i32
            %dma_wait3A_1254 = arith.constant 0 : i32
            %dma_wait3A_1255 = tpu.memref_slice %run_scoped3A_11[%rem3A_1250, %dma_wait3A_1252, %dma_wait3A_1253, %dma_wait3A_1254] : memref<3x1x512x1024xf32, #tpu.memory_space<vmem>> -> memref<1x1x512x1024xf32, #tpu.memory_space<vmem>>
            %dma_wait3A_1256 = tpu.memref_squeeze %dma_wait3A_1255 : memref<1x1x512x1024xf32, #tpu.memory_space<vmem>> -> memref<1x512x1024xf32, #tpu.memory_space<vmem>>
            %dma_wait3A_1257 = arith.constant 0 : i32
            %dma_wait3A_1258 = arith.constant 0 : i32
            %dma_wait3A_1259 = tpu.memref_slice %arg7[%mul3A_1248, %dma_wait3A_1257, %dma_wait3A_1258] : memref<16x512x1024xf32, #tpu.memory_space<hbm>> -> memref<1x512x1024xf32, #tpu.memory_space<hbm>>
            tpu.wait_dma2 semaphore(%dma_wait3A_1251 : memref<!tpu.dma_semaphore, #tpu.memory_space<semaphore_mem>>) src(%dma_wait3A_1259 : memref<1x512x1024xf32, #tpu.memory_space<hbm>>) dst(%dma_wait3A_1256 : memref<1x512x1024xf32, #tpu.memory_space<vmem>>)
            "tpu.trace_stop"() : () -> ()
          } else {
          }
          %get3A_740 = arith.index_cast %add3A_417 : i32 to index
          %get3A_741 = memref.load %arg0[%get3A_740] : memref<19xi32, #tpu.memory_space<smem>>
          %get3A_742 = arith.index_cast %add3A_428 : i32 to index
          %get3A_743 = memref.load %arg0[%get3A_742] : memref<19xi32, #tpu.memory_space<smem>>
          %ne3A_744 = arith.cmpi ne, %get3A_741, %get3A_743 : i32
          %or3A_745 = arith.constant false
          %or3A_746 = arith.ori %or3A_745, %ne3A_744 : i1
          %or3A_747 = arith.constant false
          %or3A_748 = arith.ori %or3A_746, %or3A_747 : i1
          %or3A_749 = arith.constant false
          %or3A_750 = arith.ori %or3A_748, %or3A_749 : i1
          %or3A_751 = arith.ori %or3A_750, %eq3A_412 : i1
          %convert_element_type3A_752 = arith.extui %or3A_751 : i1 to i32
          %cond3A_753 = arith.constant 0 : i32
          %cond3A_754 = arith.cmpi ne, %convert_element_type3A_752, %cond3A_753 : i32
          scf.if %cond3A_754 {
            "tpu.trace_start"() <{level = 10 : i32, message = "ep_wait_in"}> : () -> ()
            %get3A_1245 = arith.index_cast %add3A_417 : i32 to index
            %get3A_1246 = memref.load %arg0[%get3A_1245] : memref<19xi32, #tpu.memory_space<smem>>
            %mul3A_1247 = arith.constant 1 : i32
            %mul3A_1248 = arith.muli %mul3A_1247, %get3A_1246 : i32
            %rem3A_1249 = arith.constant 2 : i32
            %rem3A_1250 = arith.remui %while3A_405, %rem3A_1249 : i32
            %dma_wait3A = tpu.memref_slice %run_scoped3A_14[%rem3A_1250] : memref<2x!tpu.dma_semaphore, #tpu.memory_space<semaphore_mem>> -> memref<1x!tpu.dma_semaphore, #tpu.memory_space<semaphore_mem>>
            %dma_wait3A_1251 = tpu.memref_squeeze %dma_wait3A : memref<1x!tpu.dma_semaphore, #tpu.memory_space<semaphore_mem>> -> memref<!tpu.dma_semaphore, #tpu.memory_space<semaphore_mem>>
            %dma_wait3A_1252 = arith.constant 0 : i32
            %dma_wait3A_1253 = arith.constant 0 : i32
            %dma_wait3A_1254 = arith.constant 0 : i32
            %dma_wait3A_1255 = tpu.memref_slice %run_scoped3A_13[%rem3A_1250, %dma_wait3A_1252, %dma_wait3A_1253, %dma_wait3A_1254] : memref<2x1x1x1024xf32, #tpu.memory_space<vmem>> -> memref<1x1x1x1024xf32, #tpu.memory_space<vmem>>
            %dma_wait3A_1256 = tpu.memref_squeeze %dma_wait3A_1255 : memref<1x1x1x1024xf32, #tpu.memory_space<vmem>> -> memref<1x1x1024xf32, #tpu.memory_space<vmem>>
            %dma_wait3A_1257 = arith.constant 0 : i32
            %dma_wait3A_1258 = arith.constant 0 : i32
            %dma_wait3A_1259 = tpu.memref_slice %arg8[%mul3A_1248, %dma_wait3A_1257, %dma_wait3A_1258] : memref<16x1x1024xf32, #tpu.memory_space<hbm>> -> memref<1x1x1024xf32, #tpu.memory_space<hbm>>
            tpu.wait_dma2 semaphore(%dma_wait3A_1251 : memref<!tpu.dma_semaphore, #tpu.memory_space<semaphore_mem>>) src(%dma_wait3A_1259 : memref<1x1x1024xf32, #tpu.memory_space<hbm>>) dst(%dma_wait3A_1256 : memref<1x1x1024xf32, #tpu.memory_space<vmem>>)
            "tpu.trace_stop"() : () -> ()
          } else {
          }
          %ne3A_755 = arith.cmpi ne, %add3A_417, %add3A_428 : i32
          %or3A_756 = arith.constant false
          %or3A_757 = arith.ori %or3A_756, %ne3A_755 : i1
          %or3A_758 = arith.constant false
          %or3A_759 = arith.ori %or3A_757, %or3A_758 : i1
          %or3A_760 = arith.ori %or3A_759, %eq3A_412 : i1
          %convert_element_type3A_761 = arith.extui %or3A_760 : i1 to i32
          %cond3A_762 = arith.constant 0 : i32
          %cond3A_763 = arith.cmpi ne, %convert_element_type3A_761, %cond3A_762 : i32
          scf.if %cond3A_763 {
          } else {
          }
          %rem3A_764 = arith.constant 3 : i32
          %rem3A_765 = arith.remui %while3A_390, %rem3A_764 : i32
          %rem3A_766 = arith.constant 3 : i32
          %rem3A_767 = arith.remui %while3A_392, %rem3A_766 : i32
          %rem3A_768 = arith.constant 2 : i32
          %rem3A_769 = arith.remui %while3A_395, %rem3A_768 : i32
          %rem3A_770 = arith.constant 3 : i32
          %rem3A_771 = arith.remui %while3A_397, %rem3A_770 : i32
          %rem3A_772 = arith.constant 2 : i32
          %rem3A_773 = arith.remui %while3A_400, %rem3A_772 : i32
          %rem3A_774 = arith.constant 3 : i32
          %rem3A_775 = arith.remui %while3A_402, %rem3A_774 : i32
          %rem3A_776 = arith.constant 2 : i32
          %rem3A_777 = arith.remui %while3A_405, %rem3A_776 : i32
          %rem3A_778 = arith.constant 2 : i32
          %rem3A_779 = arith.remui %while3A_406, %rem3A_778 : i32
          "tpu.trace_start"() <{level = 10 : i32, message = "ep_run_kernel"}> : () -> ()
          %get3A_780 = arith.index_cast %rem3A_765 : i32 to index
          %get3A_781 = arith.constant 0 : index
          %get3A_782 = arith.constant 0 : index
          %get3A_783 = vector.load %run_scoped3A[%get3A_780, %get3A_781, %get3A_782] : memref<3x128x1024xf32, #tpu.memory_space<vmem>>, vector<1x128x1024xf32>
          %get3A_784 = vector.shape_cast %get3A_783 : vector<1x128x1024xf32> to vector<128x1024xf32>
          %get3A_785 = arith.constant 0 : i32
          %get3A_786 = arith.constant 0 : i32
          %get3A_787 = arith.constant 0 : i32
          %get3A_788 = tpu.memref_slice %run_scoped3A_3[%rem3A_767, %get3A_785, %get3A_786, %get3A_787] : memref<3x1x1024x512xf32, #tpu.memory_space<vmem>> -> memref<1x1x1024x512xf32, #tpu.memory_space<vmem>>
          %get3A_789 = tpu.memref_squeeze %get3A_788 : memref<1x1x1024x512xf32, #tpu.memory_space<vmem>> -> memref<1x1024x512xf32, #tpu.memory_space<vmem>>
          %get3A_790 = arith.constant 0 : index
          %get3A_791 = arith.constant 0 : index
          %get3A_792 = arith.constant 0 : index
          %get3A_793 = vector.load %get3A_789[%get3A_790, %get3A_791, %get3A_792] : memref<1x1024x512xf32, #tpu.memory_space<vmem>>, vector<1x1024x512xf32>
          %get3A_794 = vector.shape_cast %get3A_793 : vector<1x1024x512xf32> to vector<1024x512xf32>
          %dot_general3A = arith.constant dense<0.000000e+00> : vector<128x512xf32>
          %dot_general3A_795 = tpu.matmul %get3A_784, %get3A_794, %dot_general3A {dimension_numbers = #tpu.dot_dimension_numbers<[1], [0], [0], [1], [0, 0, 1, 1], [], []>, transpose_lhs_hint = false} : vector<128x1024xf32>, vector<1024x512xf32>, vector<128x512xf32> -> vector<128x512xf32>
          %get3A_796 = arith.constant 0 : i32
          %get3A_797 = arith.constant 0 : i32
          %get3A_798 = arith.constant 0 : i32
          %get3A_799 = tpu.memref_slice %run_scoped3A_5[%rem3A_769, %get3A_796, %get3A_797, %get3A_798] : memref<2x1x1x512xf32, #tpu.memory_space<vmem>> -> memref<1x1x1x512xf32, #tpu.memory_space<vmem>>
          %get3A_800 = tpu.memref_squeeze %get3A_799 : memref<1x1x1x512xf32, #tpu.memory_space<vmem>> -> memref<1x1x512xf32, #tpu.memory_space<vmem>>
          %get3A_801 = arith.constant 0 : index
          %get3A_802 = arith.constant 0 : index
          %get3A_803 = arith.constant 0 : index
          %get3A_804 = vector.load %get3A_800[%get3A_801, %get3A_802, %get3A_803] : memref<1x1x512xf32, #tpu.memory_space<vmem>>, vector<1x1x512xf32>
          %get3A_805 = vector.shape_cast %get3A_804 : vector<1x1x512xf32> to vector<1x512xf32>
          %add3A_806 = vector.broadcast %get3A_805 : vector<1x512xf32> to vector<128x512xf32>
          %add3A_807 = arith.addf %dot_general3A_795, %add3A_806 : vector<128x512xf32>
          %convert_element_type3A_808 = arith.truncf %get3A_784 : vector<128x1024xf32> to vector<128x1024xbf16>
          %get3A_809 = arith.constant 0 : i32
          %get3A_810 = arith.constant 0 : i32
          %get3A_811 = arith.constant 0 : i32
          %get3A_812 = tpu.memref_slice %run_scoped3A_7[%rem3A_771, %get3A_809, %get3A_810, %get3A_811] : memref<3x1x1024x512xf32, #tpu.memory_space<vmem>> -> memref<1x1x1024x512xf32, #tpu.memory_space<vmem>>
          %get3A_813 = tpu.memref_squeeze %get3A_812 : memref<1x1x1024x512xf32, #tpu.memory_space<vmem>> -> memref<1x1024x512xf32, #tpu.memory_space<vmem>>
          %get3A_814 = arith.constant 0 : index
          %get3A_815 = arith.constant 0 : index
          %get3A_816 = arith.constant 0 : index
          %get3A_817 = vector.load %get3A_813[%get3A_814, %get3A_815, %get3A_816] : memref<1x1024x512xf32, #tpu.memory_space<vmem>>, vector<1x1024x512xf32>
          %get3A_818 = vector.shape_cast %get3A_817 : vector<1x1024x512xf32> to vector<1024x512xf32>
          %convert_element_type3A_819 = arith.truncf %get3A_818 : vector<1024x512xf32> to vector<1024x512xbf16>
          %dot_general3A_820 = arith.constant dense<0.000000e+00> : vector<128x512xf32>
          %dot_general3A_821 = tpu.matmul %convert_element_type3A_808, %convert_element_type3A_819, %dot_general3A_820 {dimension_numbers = #tpu.dot_dimension_numbers<[1], [0], [0], [1], [0, 0, 1, 1], [], []>, transpose_lhs_hint = false} : vector<128x1024xbf16>, vector<1024x512xbf16>, vector<128x512xf32> -> vector<128x512xf32>
          %get3A_822 = arith.constant 0 : i32
          %get3A_823 = arith.constant 0 : i32
          %get3A_824 = arith.constant 0 : i32
          %get3A_825 = tpu.memref_slice %run_scoped3A_9[%rem3A_773, %get3A_822, %get3A_823, %get3A_824] : memref<2x1x1x512xf32, #tpu.memory_space<vmem>> -> memref<1x1x1x512xf32, #tpu.memory_space<vmem>>
          %get3A_826 = tpu.memref_squeeze %get3A_825 : memref<1x1x1x512xf32, #tpu.memory_space<vmem>> -> memref<1x1x512xf32, #tpu.memory_space<vmem>>
          %get3A_827 = arith.constant 0 : index
          %get3A_828 = arith.constant 0 : index
          %get3A_829 = arith.constant 0 : index
          %get3A_830 = vector.load %get3A_826[%get3A_827, %get3A_828, %get3A_829] : memref<1x1x512xf32, #tpu.memory_space<vmem>>, vector<1x1x512xf32>
          %get3A_831 = vector.shape_cast %get3A_830 : vector<1x1x512xf32> to vector<1x512xf32>
          %add3A_832 = vector.broadcast %get3A_831 : vector<1x512xf32> to vector<128x512xf32>
          %add3A_833 = arith.addf %dot_general3A_821, %add3A_832 : vector<128x512xf32>
          %gt3A_834 = arith.constant 1.000000e+00 : f32
          %gt3A_835 = vector.broadcast %gt3A_834 : f32 to vector<128x512xf32>
          %gt3A_836 = arith.cmpf ogt, %add3A_807, %gt3A_835 : vector<128x512xf32>
          %jit3A = arith.constant 0.000000e+00 : f32
          %broadcast_in_dim3A = vector.broadcast %jit3A : f32 to vector<128x512xf32>
          %select_n3A_837 = arith.select %gt3A_836, %add3A_833, %broadcast_in_dim3A : vector<128x512xi1>, vector<128x512xf32>
          %convert_element_type3A_838 = arith.truncf %select_n3A_837 : vector<128x512xf32> to vector<128x512xbf16>
          %get3A_839 = arith.constant 0 : i32
          %get3A_840 = arith.constant 0 : i32
          %get3A_841 = arith.constant 0 : i32
          %get3A_842 = tpu.memref_slice %run_scoped3A_11[%rem3A_775, %get3A_839, %get3A_840, %get3A_841] : memref<3x1x512x1024xf32, #tpu.memory_space<vmem>> -> memref<1x1x512x1024xf32, #tpu.memory_space<vmem>>
          %get3A_843 = tpu.memref_squeeze %get3A_842 : memref<1x1x512x1024xf32, #tpu.memory_space<vmem>> -> memref<1x512x1024xf32, #tpu.memory_space<vmem>>
          %get3A_844 = arith.constant 0 : index
          %get3A_845 = arith.constant 0 : index
          %get3A_846 = arith.constant 0 : index
          %get3A_847 = vector.load %get3A_843[%get3A_844, %get3A_845, %get3A_846] : memref<1x512x1024xf32, #tpu.memory_space<vmem>>, vector<1x512x1024xf32>
          %get3A_848 = vector.shape_cast %get3A_847 : vector<1x512x1024xf32> to vector<512x1024xf32>
          %convert_element_type3A_849 = arith.truncf %get3A_848 : vector<512x1024xf32> to vector<512x1024xbf16>
          %dot_general3A_850 = arith.constant dense<0.000000e+00> : vector<128x1024xf32>
          %dot_general3A_851 = tpu.matmul %convert_element_type3A_838, %convert_element_type3A_849, %dot_general3A_850 {dimension_numbers = #tpu.dot_dimension_numbers<[1], [0], [0], [1], [0, 0, 1, 1], [], []>, transpose_lhs_hint = false} : vector<128x512xbf16>, vector<512x1024xbf16>, vector<128x1024xf32> -> vector<128x1024xf32>
          %get3A_852 = arith.constant 0 : i32
          %get3A_853 = arith.constant 0 : i32
          %get3A_854 = arith.constant 0 : i32
          %get3A_855 = tpu.memref_slice %run_scoped3A_13[%rem3A_777, %get3A_852, %get3A_853, %get3A_854] : memref<2x1x1x1024xf32, #tpu.memory_space<vmem>> -> memref<1x1x1x1024xf32, #tpu.memory_space<vmem>>
          %get3A_856 = tpu.memref_squeeze %get3A_855 : memref<1x1x1x1024xf32, #tpu.memory_space<vmem>> -> memref<1x1x1024xf32, #tpu.memory_space<vmem>>
          %get3A_857 = arith.constant 0 : index
          %get3A_858 = arith.constant 0 : index
          %get3A_859 = arith.constant 0 : index
          %get3A_860 = vector.load %get3A_856[%get3A_857, %get3A_858, %get3A_859] : memref<1x1x1024xf32, #tpu.memory_space<vmem>>, vector<1x1x1024xf32>
          %get3A_861 = vector.shape_cast %get3A_860 : vector<1x1x1024xf32> to vector<1x1024xf32>
          %add3A_862 = vector.broadcast %get3A_861 : vector<1x1024xf32> to vector<128x1024xf32>
          %add3A_863 = arith.addf %dot_general3A_851, %add3A_862 : vector<128x1024xf32>
          %swap3A = arith.index_cast %rem3A_779 : i32 to index
          %swap3A_864 = arith.constant 0 : index
          %swap3A_865 = arith.constant 0 : index
          %swap3A_866 = vector.load %run_scoped3A_15[%swap3A, %swap3A_864, %swap3A_865] : memref<2x128x1024xf32, #tpu.memory_space<vmem>>, vector<1x128x1024xf32>
          %swap3A_867 = vector.shape_cast %swap3A_866 : vector<1x128x1024xf32> to vector<128x1024xf32>
          %swap3A_868 = vector.shape_cast %add3A_863 : vector<128x1024xf32> to vector<1x128x1024xf32>
          tpu.vector_store %run_scoped3A_15[%swap3A, %swap3A_864, %swap3A_865], %swap3A_868 {strides = array<i32>} : memref<2x128x1024xf32, #tpu.memory_space<vmem>>, vector<1x128x1024xf32>,
          "tpu.trace_stop"() : () -> ()
          %ne3A_869 = arith.cmpi ne, %add3A_417, %add3A_437 : i32
          %or3A_870 = arith.constant false
          %or3A_871 = arith.ori %or3A_870, %ne3A_869 : i1
          %or3A_872 = arith.constant false
          %or3A_873 = arith.ori %or3A_871, %or3A_872 : i1
          %or3A_874 = arith.ori %or3A_873, %eq3A_415 : i1
          %convert_element_type3A_875 = arith.extui %or3A_874 : i1 to i32
          %cond3A_876 = arith.constant 0 : i32
          %cond3A_877 = arith.cmpi ne, %convert_element_type3A_875, %cond3A_876 : i32
          scf.if %cond3A_877 {
          } else {
          }
          %and3A_878 = arith.constant false
          %and3A_879 = arith.andi %or3A_874, %and3A_878 : i1
          %get3A_880 = arith.index_cast %add3A_417 : i32 to index
          %get3A_881 = memref.load %arg0[%get3A_880] : memref<19xi32, #tpu.memory_space<smem>>
          %get3A_882 = arith.index_cast %add3A_437 : i32 to index
          %get3A_883 = memref.load %arg0[%get3A_882] : memref<19xi32, #tpu.memory_space<smem>>
          %ne3A_884 = arith.cmpi ne, %get3A_881, %get3A_883 : i32
          %or3A_885 = arith.constant false
          %or3A_886 = arith.ori %or3A_885, %ne3A_884 : i1
          %or3A_887 = arith.constant false
          %or3A_888 = arith.ori %or3A_886, %or3A_887 : i1
          %or3A_889 = arith.constant false
          %or3A_890 = arith.ori %or3A_888, %or3A_889 : i1
          %or3A_891 = arith.ori %or3A_890, %eq3A_415 : i1
          %convert_element_type3A_892 = arith.extui %or3A_891 : i1 to i32
          %cond3A_893 = arith.constant 0 : i32
          %cond3A_894 = arith.cmpi ne, %convert_element_type3A_892, %cond3A_893 : i32
          scf.if %cond3A_894 {
          } else {
          }
          %and3A_895 = arith.constant false
          %and3A_896 = arith.andi %or3A_891, %and3A_895 : i1
          %get3A_897 = arith.index_cast %add3A_417 : i32 to index
          %get3A_898 = memref.load %arg0[%get3A_897] : memref<19xi32, #tpu.memory_space<smem>>
          %get3A_899 = arith.index_cast %add3A_437 : i32 to index
          %get3A_900 = memref.load %arg0[%get3A_899] : memref<19xi32, #tpu.memory_space<smem>>
          %ne3A_901 = arith.cmpi ne, %get3A_898, %get3A_900 : i32
          %or3A_902 = arith.constant false
          %or3A_903 = arith.ori %or3A_902, %ne3A_901 : i1
          %or3A_904 = arith.constant false
          %or3A_905 = arith.ori %or3A_903, %or3A_904 : i1
          %or3A_906 = arith.constant false
          %or3A_907 = arith.ori %or3A_905, %or3A_906 : i1
          %or3A_908 = arith.ori %or3A_907, %eq3A_415 : i1
          %convert_element_type3A_909 = arith.extui %or3A_908 : i1 to i32
          %cond3A_910 = arith.constant 0 : i32
          %cond3A_911 = arith.cmpi ne, %convert_element_type3A_909, %cond3A_910 : i32
          scf.if %cond3A_911 {
          } else {
          }
          %and3A_912 = arith.constant false
          %and3A_913 = arith.andi %or3A_908, %and3A_912 : i1
          %get3A_914 = arith.index_cast %add3A_417 : i32 to index
          %get3A_915 = memref.load %arg0[%get3A_914] : memref<19xi32, #tpu.memory_space<smem>>
          %get3A_916 = arith.index_cast %add3A_437 : i32 to index
          %get3A_917 = memref.load %arg0[%get3A_916] : memref<19xi32, #tpu.memory_space<smem>>
          %ne3A_918 = arith.cmpi ne, %get3A_915, %get3A_917 : i32
          %or3A_919 = arith.constant false
          %or3A_920 = arith.ori %or3A_919, %ne3A_918 : i1
          %or3A_921 = arith.constant false
          %or3A_922 = arith.ori %or3A_920, %or3A_921 : i1
          %or3A_923 = arith.constant false
          %or3A_924 = arith.ori %or3A_922, %or3A_923 : i1
          %or3A_925 = arith.ori %or3A_924, %eq3A_415 : i1
          %convert_element_type3A_926 = arith.extui %or3A_925 : i1 to i32
          %cond3A_927 = arith.constant 0 : i32
          %cond3A_928 = arith.cmpi ne, %convert_element_type3A_926, %cond3A_927 : i32
          scf.if %cond3A_928 {
          } else {
          }
          %and3A_929 = arith.constant false
          %and3A_930 = arith.andi %or3A_925, %and3A_929 : i1
          %get3A_931 = arith.index_cast %add3A_417 : i32 to index
          %get3A_932 = memref.load %arg0[%get3A_931] : memref<19xi32, #tpu.memory_space<smem>>
          %get3A_933 = arith.index_cast %add3A_437 : i32 to index
          %get3A_934 = memref.load %arg0[%get3A_933] : memref<19xi32, #tpu.memory_space<smem>>
          %ne3A_935 = arith.cmpi ne, %get3A_932, %get3A_934 : i32
          %or3A_936 = arith.constant false
          %or3A_937 = arith.ori %or3A_936, %ne3A_935 : i1
          %or3A_938 = arith.constant false
          %or3A_939 = arith.ori %or3A_937, %or3A_938 : i1
          %or3A_940 = arith.constant false
          %or3A_941 = arith.ori %or3A_939, %or3A_940 : i1
          %or3A_942 = arith.ori %or3A_941, %eq3A_415 : i1
          %convert_element_type3A_943 = arith.extui %or3A_942 : i1 to i32
          %cond3A_944 = arith.constant 0 : i32
          %cond3A_945 = arith.cmpi ne, %convert_element_type3A_943, %cond3A_944 : i32
          scf.if %cond3A_945 {
          } else {
          }
          %and3A_946 = arith.constant false
          %and3A_947 = arith.andi %or3A_942, %and3A_946 : i1
          %get3A_948 = arith.index_cast %add3A_417 : i32 to index
          %get3A_949 = memref.load %arg0[%get3A_948] : memref<19xi32, #tpu.memory_space<smem>>
          %get3A_950 = arith.index_cast %add3A_437 : i32 to index
          %get3A_951 = memref.load %arg0[%get3A_950] : memref<19xi32, #tpu.memory_space<smem>>
          %ne3A_952 = arith.cmpi ne, %get3A_949, %get3A_951 : i32
          %or3A_953 = arith.constant false
          %or3A_954 = arith.ori %or3A_953, %ne3A_952 : i1
          %or3A_955 = arith.constant false
          %or3A_956 = arith.ori %or3A_954, %or3A_955 : i1
          %or3A_957 = arith.constant false
          %or3A_958 = arith.ori %or3A_956, %or3A_957 : i1
          %or3A_959 = arith.ori %or3A_958, %eq3A_415 : i1
          %convert_element_type3A_960 = arith.extui %or3A_959 : i1 to i32
          %cond3A_961 = arith.constant 0 : i32
          %cond3A_962 = arith.cmpi ne, %convert_element_type3A_960, %cond3A_961 : i32
          scf.if %cond3A_962 {
          } else {
          }
          %and3A_963 = arith.constant false
          %and3A_964 = arith.andi %or3A_959, %and3A_963 : i1
          %get3A_965 = arith.index_cast %add3A_417 : i32 to index
          %get3A_966 = memref.load %arg0[%get3A_965] : memref<19xi32, #tpu.memory_space<smem>>
          %get3A_967 = arith.index_cast %add3A_437 : i32 to index
          %get3A_968 = memref.load %arg0[%get3A_967] : memref<19xi32, #tpu.memory_space<smem>>
          %ne3A_969 = arith.cmpi ne, %get3A_966, %get3A_968 : i32
          %or3A_970 = arith.constant false
          %or3A_971 = arith.ori %or3A_970, %ne3A_969 : i1
          %or3A_972 = arith.constant false
          %or3A_973 = arith.ori %or3A_971, %or3A_972 : i1
          %or3A_974 = arith.constant false
          %or3A_975 = arith.ori %or3A_973, %or3A_974 : i1
          %or3A_976 = arith.ori %or3A_975, %eq3A_415 : i1
          %convert_element_type3A_977 = arith.extui %or3A_976 : i1 to i32
          %cond3A_978 = arith.constant 0 : i32
          %cond3A_979 = arith.cmpi ne, %convert_element_type3A_977, %cond3A_978 : i32
          scf.if %cond3A_979 {
          } else {
          }
          %and3A_980 = arith.constant false
          %and3A_981 = arith.andi %or3A_976, %and3A_980 : i1
          %ne3A_982 = arith.cmpi ne, %add3A_417, %add3A_437 : i32
          %or3A_983 = arith.constant false
          %or3A_984 = arith.ori %or3A_983, %ne3A_982 : i1
          %or3A_985 = arith.constant false
          %or3A_986 = arith.ori %or3A_984, %or3A_985 : i1
          %or3A_987 = arith.ori %or3A_986, %eq3A_415 : i1
          %convert_element_type3A_988 = arith.extui %or3A_987 : i1 to i32
          %cond3A_989 = arith.constant 0 : i32
          %cond3A_990 = arith.cmpi ne, %convert_element_type3A_988, %cond3A_989 : i32
          scf.if %cond3A_990 {
            "tpu.trace_start"() <{level = 10 : i32, message = "ep_copy_out"}> : () -> ()
            %rem3A_1245 = arith.constant 2 : i32
            %rem3A_1246 = arith.remui %while3A_406, %rem3A_1245 : i32
            %mul3A_1247 = arith.constant 128 : i32
            %mul3A_1248 = arith.muli %mul3A_1247, %add3A_417 : i32
            %dma_start3A_1249 = tpu.memref_slice %run_scoped3A_16[%rem3A_1246] : memref<2x!tpu.dma_semaphore, #tpu.memory_space<semaphore_mem>> -> memref<1x!tpu.dma_semaphore, #tpu.memory_space<semaphore_mem>>
            %dma_start3A_1250 = tpu.memref_squeeze %dma_start3A_1249 : memref<1x!tpu.dma_semaphore, #tpu.memory_space<semaphore_mem>> -> memref<!tpu.dma_semaphore, #tpu.memory_space<semaphore_mem>>
            %dma_start3A_1251 = arith.constant 0 : i32
            %dma_start3A_1252 = tpu.memref_slice %arg9[%mul3A_1248, %dma_start3A_1251] : memref<2432x1024xf32, #tpu.memory_space<hbm>> -> memref<128x1024xf32, #tpu.memory_space<hbm>>
            %dma_start3A_1253 = arith.constant 0 : i32
            %dma_start3A_1254 = arith.constant 0 : i32
            %dma_start3A_1255 = tpu.memref_slice %run_scoped3A_15[%rem3A_1246, %dma_start3A_1253, %dma_start3A_1254] : memref<2x128x1024xf32, #tpu.memory_space<vmem>> -> memref<1x128x1024xf32, #tpu.memory_space<vmem>>
            %dma_start3A_1256 = tpu.memref_squeeze %dma_start3A_1255 : memref<1x128x1024xf32, #tpu.memory_space<vmem>> -> memref<128x1024xf32, #tpu.memory_space<vmem>>
            tpu.enqueue_dma source(%dma_start3A_1256 : memref<128x1024xf32, #tpu.memory_space<vmem>>) target(%dma_start3A_1252 : memref<128x1024xf32, #tpu.memory_space<hbm>>) target_semaphore(%dma_start3A_1250 : memref<!tpu.dma_semaphore, #tpu.memory_space<semaphore_mem>>)
            "tpu.trace_stop"() : () -> ()
          } else {
          }
          %and3A_991 = arith.constant true
          %and3A_992 = arith.andi %or3A_987, %and3A_991 : i1
          %add3A_993 = arith.constant 1 : i32
          %add3A_994 = arith.addi %while3A_406, %add3A_993 : i32
          %select_n3A_995 = arith.select %and3A_992, %add3A_994, %while3A_406 : i32
          %ne3A_996 = arith.cmpi ne, %add3A_417, %add3A_428 : i32
          %or3A_997 = arith.constant false
          %or3A_998 = arith.ori %or3A_997, %ne3A_996 : i1
          %or3A_999 = arith.constant false
          %or3A_1000 = arith.ori %or3A_998, %or3A_999 : i1
          %not3A_1001 = arith.constant true
          %not3A_1002 = arith.xori %eq3A_412, %not3A_1001 : i1
          %and3A_1003 = arith.andi %or3A_1000, %not3A_1002 : i1
          %convert_element_type3A_1004 = arith.extui %and3A_1003 : i1 to i32
          %cond3A_1005 = arith.constant 0 : i32
          %cond3A_1006 = arith.cmpi ne, %convert_element_type3A_1004, %cond3A_1005 : i32
          scf.if %cond3A_1006 {
          } else {
          }
          %and3A_1007 = arith.constant false
          %and3A_1008 = arith.andi %and3A_1003, %and3A_1007 : i1
          %get3A_1009 = arith.index_cast %add3A_417 : i32 to index
          %get3A_1010 = memref.load %arg0[%get3A_1009] : memref<19xi32, #tpu.memory_space<smem>>
          %get3A_1011 = arith.index_cast %add3A_428 : i32 to index
          %get3A_1012 = memref.load %arg0[%get3A_1011] : memref<19xi32, #tpu.memory_space<smem>>
          %ne3A_1013 = arith.cmpi ne, %get3A_1010, %get3A_1012 : i32
          %or3A_1014 = arith.constant false
          %or3A_1015 = arith.ori %or3A_1014, %ne3A_1013 : i1
          %or3A_1016 = arith.constant false
          %or3A_1017 = arith.ori %or3A_1015, %or3A_1016 : i1
          %or3A_1018 = arith.constant false
          %or3A_1019 = arith.ori %or3A_1017, %or3A_1018 : i1
          %not3A_1020 = arith.constant true
          %not3A_1021 = arith.xori %eq3A_412, %not3A_1020 : i1
          %and3A_1022 = arith.andi %or3A_1019, %not3A_1021 : i1
          %convert_element_type3A_1023 = arith.extui %and3A_1022 : i1 to i32
          %cond3A_1024 = arith.constant 0 : i32
          %cond3A_1025 = arith.cmpi ne, %convert_element_type3A_1023, %cond3A_1024 : i32
          scf.if %cond3A_1025 {
          } else {
          }
          %and3A_1026 = arith.constant false
          %and3A_1027 = arith.andi %and3A_1022, %and3A_1026 : i1
          %get3A_1028 = arith.index_cast %add3A_417 : i32 to index
          %get3A_1029 = memref.load %arg0[%get3A_1028] : memref<19xi32, #tpu.memory_space<smem>>
          %get3A_1030 = arith.index_cast %add3A_428 : i32 to index
          %get3A_1031 = memref.load %arg0[%get3A_1030] : memref<19xi32, #tpu.memory_space<smem>>
          %ne3A_1032 = arith.cmpi ne, %get3A_1029, %get3A_1031 : i32
          %or3A_1033 = arith.constant false
          %or3A_1034 = arith.ori %or3A_1033, %ne3A_1032 : i1
          %or3A_1035 = arith.constant false
          %or3A_1036 = arith.ori %or3A_1034, %or3A_1035 : i1
          %or3A_1037 = arith.constant false
          %or3A_1038 = arith.ori %or3A_1036, %or3A_1037 : i1
          %not3A_1039 = arith.constant true
          %not3A_1040 = arith.xori %eq3A_412, %not3A_1039 : i1
          %and3A_1041 = arith.andi %or3A_1038, %not3A_1040 : i1
          %convert_element_type3A_1042 = arith.extui %and3A_1041 : i1 to i32
          %cond3A_1043 = arith.constant 0 : i32
          %cond3A_1044 = arith.cmpi ne, %convert_element_type3A_1042, %cond3A_1043 : i32
          scf.if %cond3A_1044 {
          } else {
          }
          %and3A_1045 = arith.constant false
          %and3A_1046 = arith.andi %and3A_1041, %and3A_1045 : i1
          %get3A_1047 = arith.index_cast %add3A_417 : i32 to index
          %get3A_1048 = memref.load %arg0[%get3A_1047] : memref<19xi32, #tpu.memory_space<smem>>
          %get3A_1049 = arith.index_cast %add3A_428 : i32 to index
          %get3A_1050 = memref.load %arg0[%get3A_1049] : memref<19xi32, #tpu.memory_space<smem>>
          %ne3A_1051 = arith.cmpi ne, %get3A_1048, %get3A_1050 : i32
          %or3A_1052 = arith.constant false
          %or3A_1053 = arith.ori %or3A_1052, %ne3A_1051 : i1
          %or3A_1054 = arith.constant false
          %or3A_1055 = arith.ori %or3A_1053, %or3A_1054 : i1
          %or3A_1056 = arith.constant false
          %or3A_1057 = arith.ori %or3A_1055, %or3A_1056 : i1
          %not3A_1058 = arith.constant true
          %not3A_1059 = arith.xori %eq3A_412, %not3A_1058 : i1
          %and3A_1060 = arith.andi %or3A_1057, %not3A_1059 : i1
          %convert_element_type3A_1061 = arith.extui %and3A_1060 : i1 to i32
          %cond3A_1062 = arith.constant 0 : i32
          %cond3A_1063 = arith.cmpi ne, %convert_element_type3A_1061, %cond3A_1062 : i32
          scf.if %cond3A_1063 {
          } else {
          }
          %and3A_1064 = arith.constant false
          %and3A_1065 = arith.andi %and3A_1060, %and3A_1064 : i1
          %get3A_1066 = arith.index_cast %add3A_417 : i32 to index
          %get3A_1067 = memref.load %arg0[%get3A_1066] : memref<19xi32, #tpu.memory_space<smem>>
          %get3A_1068 = arith.index_cast %add3A_428 : i32 to index
          %get3A_1069 = memref.load %arg0[%get3A_1068] : memref<19xi32, #tpu.memory_space<smem>>
          %ne3A_1070 = arith.cmpi ne, %get3A_1067, %get3A_1069 : i32
          %or3A_1071 = arith.constant false
          %or3A_1072 = arith.ori %or3A_1071, %ne3A_1070 : i1
          %or3A_1073 = arith.constant false
          %or3A_1074 = arith.ori %or3A_1072, %or3A_1073 : i1
          %or3A_1075 = arith.constant false
          %or3A_1076 = arith.ori %or3A_1074, %or3A_1075 : i1
          %not3A_1077 = arith.constant true
          %not3A_1078 = arith.xori %eq3A_412, %not3A_1077 : i1
          %and3A_1079 = arith.andi %or3A_1076, %not3A_1078 : i1
          %convert_element_type3A_1080 = arith.extui %and3A_1079 : i1 to i32
          %cond3A_1081 = arith.constant 0 : i32
          %cond3A_1082 = arith.cmpi ne, %convert_element_type3A_1080, %cond3A_1081 : i32
          scf.if %cond3A_1082 {
          } else {
          }
          %and3A_1083 = arith.constant false
          %and3A_1084 = arith.andi %and3A_1079, %and3A_1083 : i1
          %get3A_1085 = arith.index_cast %add3A_417 : i32 to index
          %get3A_1086 = memref.load %arg0[%get3A_1085] : memref<19xi32, #tpu.memory_space<smem>>
          %get3A_1087 = arith.index_cast %add3A_428 : i32 to index
          %get3A_1088 = memref.load %arg0[%get3A_1087] : memref<19xi32, #tpu.memory_space<smem>>
          %ne3A_1089 = arith.cmpi ne, %get3A_1086, %get3A_1088 : i32
          %or3A_1090 = arith.constant false
          %or3A_1091 = arith.ori %or3A_1090, %ne3A_1089 : i1
          %or3A_1092 = arith.constant false
          %or3A_1093 = arith.ori %or3A_1091, %or3A_1092 : i1
          %or3A_1094 = arith.constant false
          %or3A_1095 = arith.ori %or3A_1093, %or3A_1094 : i1
          %not3A_1096 = arith.constant true
          %not3A_1097 = arith.xori %eq3A_412, %not3A_1096 : i1
          %and3A_1098 = arith.andi %or3A_1095, %not3A_1097 : i1
          %convert_element_type3A_1099 = arith.extui %and3A_1098 : i1 to i32
          %cond3A_1100 = arith.constant 0 : i32
          %cond3A_1101 = arith.cmpi ne, %convert_element_type3A_1099, %cond3A_1100 : i32
          scf.if %cond3A_1101 {
          } else {
          }
          %and3A_1102 = arith.constant false
          %and3A_1103 = arith.andi %and3A_1098, %and3A_1102 : i1
          %get3A_1104 = arith.index_cast %add3A_417 : i32 to index
          %get3A_1105 = memref.load %arg0[%get3A_1104] : memref<19xi32, #tpu.memory_space<smem>>
          %get3A_1106 = arith.index_cast %add3A_428 : i32 to index
          %get3A_1107 = memref.load %arg0[%get3A_1106] : memref<19xi32, #tpu.memory_space<smem>>
          %ne3A_1108 = arith.cmpi ne, %get3A_1105, %get3A_1107 : i32
          %or3A_1109 = arith.constant false
          %or3A_1110 = arith.ori %or3A_1109, %ne3A_1108 : i1
          %or3A_1111 = arith.constant false
          %or3A_1112 = arith.ori %or3A_1110, %or3A_1111 : i1
          %or3A_1113 = arith.constant false
          %or3A_1114 = arith.ori %or3A_1112, %or3A_1113 : i1
          %not3A_1115 = arith.constant true
          %not3A_1116 = arith.xori %eq3A_412, %not3A_1115 : i1
          %and3A_1117 = arith.andi %or3A_1114, %not3A_1116 : i1
          %convert_element_type3A_1118 = arith.extui %and3A_1117 : i1 to i32
          %cond3A_1119 = arith.constant 0 : i32
          %cond3A_1120 = arith.cmpi ne, %convert_element_type3A_1118, %cond3A_1119 : i32
          scf.if %cond3A_1120 {
          } else {
          }
          %and3A_1121 = arith.constant false
          %and3A_1122 = arith.andi %and3A_1117, %and3A_1121 : i1
          %ne3A_1123 = arith.cmpi ne, %add3A_417, %add3A_428 : i32
          %or3A_1124 = arith.constant false
          %or3A_1125 = arith.ori %or3A_1124, %ne3A_1123 : i1
          %or3A_1126 = arith.constant false
          %or3A_1127 = arith.ori %or3A_1125, %or3A_1126 : i1
          %not3A_1128 = arith.constant true
          %not3A_1129 = arith.xori %eq3A_412, %not3A_1128 : i1
          %and3A_1130 = arith.andi %or3A_1127, %not3A_1129 : i1
          %convert_element_type3A_1131 = arith.extui %and3A_1130 : i1 to i32
          %cond3A_1132 = arith.constant 0 : i32
          %cond3A_1133 = arith.cmpi ne, %convert_element_type3A_1131, %cond3A_1132 : i32
          scf.if %cond3A_1133 {
            "tpu.trace_start"() <{level = 10 : i32, message = "ep_wait_out"}> : () -> ()
            %rem3A_1245 = arith.constant 2 : i32
            %rem3A_1246 = arith.remui %while3A_407, %rem3A_1245 : i32
            %mul3A_1247 = arith.constant 128 : i32
            %mul3A_1248 = arith.muli %mul3A_1247, %add3A_428 : i32
            %dma_wait3A = tpu.memref_slice %run_scoped3A_16[%rem3A_1246] : memref<2x!tpu.dma_semaphore, #tpu.memory_space<semaphore_mem>> -> memref<1x!tpu.dma_semaphore, #tpu.memory_space<semaphore_mem>>
            %dma_wait3A_1249 = tpu.memref_squeeze %dma_wait3A : memref<1x!tpu.dma_semaphore, #tpu.memory_space<semaphore_mem>> -> memref<!tpu.dma_semaphore, #tpu.memory_space<semaphore_mem>>
            %dma_wait3A_1250 = arith.constant 0 : i32
            %dma_wait3A_1251 = tpu.memref_slice %arg9[%mul3A_1248, %dma_wait3A_1250] : memref<2432x1024xf32, #tpu.memory_space<hbm>> -> memref<128x1024xf32, #tpu.memory_space<hbm>>
            %dma_wait3A_1252 = arith.constant 0 : i32
            %dma_wait3A_1253 = arith.constant 0 : i32
            %dma_wait3A_1254 = tpu.memref_slice %run_scoped3A_15[%rem3A_1246, %dma_wait3A_1252, %dma_wait3A_1253] : memref<2x128x1024xf32, #tpu.memory_space<vmem>> -> memref<1x128x1024xf32, #tpu.memory_space<vmem>>
            %dma_wait3A_1255 = tpu.memref_squeeze %dma_wait3A_1254 : memref<1x128x1024xf32, #tpu.memory_space<vmem>> -> memref<128x1024xf32, #tpu.memory_space<vmem>>
            tpu.wait_dma2 semaphore(%dma_wait3A_1249 : memref<!tpu.dma_semaphore, #tpu.memory_space<semaphore_mem>>) src(%dma_wait3A_1255 : memref<128x1024xf32, #tpu.memory_space<vmem>>) dst(%dma_wait3A_1251 : memref<128x1024xf32, #tpu.memory_space<hbm>>)
            "tpu.trace_stop"() : () -> ()
          } else {
          }
          %and3A_1134 = arith.constant true
          %and3A_1135 = arith.andi %and3A_1130, %and3A_1134 : i1
          %add3A_1136 = arith.constant 1 : i32
          %add3A_1137 = arith.addi %while3A_407, %add3A_1136 : i32
          %select_n3A_1138 = arith.select %and3A_1135, %add3A_1137, %while3A_407 : i32
          %ne3A_1139 = arith.cmpi ne, %add3A_417, %add3A_437 : i32
          %or3A_1140 = arith.constant false
          %or3A_1141 = arith.ori %or3A_1140, %ne3A_1139 : i1
          %or3A_1142 = arith.constant false
          %or3A_1143 = arith.ori %or3A_1141, %or3A_1142 : i1
          %or3A_1144 = arith.ori %or3A_1143, %eq3A_415 : i1
          %add3A_1145 = arith.constant 1 : i32
          %add3A_1146 = arith.addi %while3A_390, %add3A_1145 : i32
          %select_n3A_1147 = arith.select %or3A_1144, %add3A_1146, %while3A_390 : i32
          %get3A_1148 = arith.index_cast %add3A_417 : i32 to index
          %get3A_1149 = memref.load %arg0[%get3A_1148] : memref<19xi32, #tpu.memory_space<smem>>
          %get3A_1150 = arith.index_cast %add3A_437 : i32 to index
          %get3A_1151 = memref.load %arg0[%get3A_1150] : memref<19xi32, #tpu.memory_space<smem>>
          %ne3A_1152 = arith.cmpi ne, %get3A_1149, %get3A_1151 : i32
          %or3A_1153 = arith.constant false
          %or3A_1154 = arith.ori %or3A_1153, %ne3A_1152 : i1
          %or3A_1155 = arith.constant false
          %or3A_1156 = arith.ori %or3A_1154, %or3A_1155 : i1
          %or3A_1157 = arith.constant false
          %or3A_1158 = arith.ori %or3A_1156, %or3A_1157 : i1
          %or3A_1159 = arith.ori %or3A_1158, %eq3A_415 : i1
          %add3A_1160 = arith.constant 1 : i32
          %add3A_1161 = arith.addi %while3A_392, %add3A_1160 : i32
          %select_n3A_1162 = arith.select %or3A_1159, %add3A_1161, %while3A_392 : i32
          %get3A_1163 = arith.index_cast %add3A_417 : i32 to index
          %get3A_1164 = memref.load %arg0[%get3A_1163] : memref<19xi32, #tpu.memory_space<smem>>
          %get3A_1165 = arith.index_cast %add3A_437 : i32 to index
          %get3A_1166 = memref.load %arg0[%get3A_1165] : memref<19xi32, #tpu.memory_space<smem>>
          %ne3A_1167 = arith.cmpi ne, %get3A_1164, %get3A_1166 : i32
          %or3A_1168 = arith.constant false
          %or3A_1169 = arith.ori %or3A_1168, %ne3A_1167 : i1
          %or3A_1170 = arith.constant false
          %or3A_1171 = arith.ori %or3A_1169, %or3A_1170 : i1
          %or3A_1172 = arith.constant false
          %or3A_1173 = arith.ori %or3A_1171, %or3A_1172 : i1
          %or3A_1174 = arith.ori %or3A_1173, %eq3A_415 : i1
          %add3A_1175 = arith.constant 1 : i32
          %add3A_1176 = arith.addi %while3A_395, %add3A_1175 : i32
          %select_n3A_1177 = arith.select %or3A_1174, %add3A_1176, %while3A_395 : i32
          %get3A_1178 = arith.index_cast %add3A_417 : i32 to index
          %get3A_1179 = memref.load %arg0[%get3A_1178] : memref<19xi32, #tpu.memory_space<smem>>
          %get3A_1180 = arith.index_cast %add3A_437 : i32 to index
          %get3A_1181 = memref.load %arg0[%get3A_1180] : memref<19xi32, #tpu.memory_space<smem>>
          %ne3A_1182 = arith.cmpi ne, %get3A_1179, %get3A_1181 : i32
          %or3A_1183 = arith.constant false
          %or3A_1184 = arith.ori %or3A_1183, %ne3A_1182 : i1
          %or3A_1185 = arith.constant false
          %or3A_1186 = arith.ori %or3A_1184, %or3A_1185 : i1
          %or3A_1187 = arith.constant false
          %or3A_1188 = arith.ori %or3A_1186, %or3A_1187 : i1
          %or3A_1189 = arith.ori %or3A_1188, %eq3A_415 : i1
          %add3A_1190 = arith.constant 1 : i32
          %add3A_1191 = arith.addi %while3A_397, %add3A_1190 : i32
          %select_n3A_1192 = arith.select %or3A_1189, %add3A_1191, %while3A_397 : i32
          %get3A_1193 = arith.index_cast %add3A_417 : i32 to index
          %get3A_1194 = memref.load %arg0[%get3A_1193] : memref<19xi32, #tpu.memory_space<smem>>
          %get3A_1195 = arith.index_cast %add3A_437 : i32 to index
          %get3A_1196 = memref.load %arg0[%get3A_1195] : memref<19xi32, #tpu.memory_space<smem>>
          %ne3A_1197 = arith.cmpi ne, %get3A_1194, %get3A_1196 : i32
          %or3A_1198 = arith.constant false
          %or3A_1199 = arith.ori %or3A_1198, %ne3A_1197 : i1
          %or3A_1200 = arith.constant false
          %or3A_1201 = arith.ori %or3A_1199, %or3A_1200 : i1
          %or3A_1202 = arith.constant false
          %or3A_1203 = arith.ori %or3A_1201, %or3A_1202 : i1
          %or3A_1204 = arith.ori %or3A_1203, %eq3A_415 : i1
          %add3A_1205 = arith.constant 1 : i32
          %add3A_1206 = arith.addi %while3A_400, %add3A_1205 : i32
          %select_n3A_1207 = arith.select %or3A_1204, %add3A_1206, %while3A_400 : i32
          %get3A_1208 = arith.index_cast %add3A_417 : i32 to index
          %get3A_1209 = memref.load %arg0[%get3A_1208] : memref<19xi32, #tpu.memory_space<smem>>
          %get3A_1210 = arith.index_cast %add3A_437 : i32 to index
          %get3A_1211 = memref.load %arg0[%get3A_1210] : memref<19xi32, #tpu.memory_space<smem>>
          %ne3A_1212 = arith.cmpi ne, %get3A_1209, %get3A_1211 : i32
          %or3A_1213 = arith.constant false
          %or3A_1214 = arith.ori %or3A_1213, %ne3A_1212 : i1
          %or3A_1215 = arith.constant false
          %or3A_1216 = arith.ori %or3A_1214, %or3A_1215 : i1
          %or3A_1217 = arith.constant false
          %or3A_1218 = arith.ori %or3A_1216, %or3A_1217 : i1
          %or3A_1219 = arith.ori %or3A_1218, %eq3A_415 : i1
          %add3A_1220 = arith.constant 1 : i32
          %add3A_1221 = arith.addi %while3A_402, %add3A_1220 : i32
          %select_n3A_1222 = arith.select %or3A_1219, %add3A_1221, %while3A_402 : i32
          %get3A_1223 = arith.index_cast %add3A_417 : i32 to index
          %get3A_1224 = memref.load %arg0[%get3A_1223] : memref<19xi32, #tpu.memory_space<smem>>
          %get3A_1225 = arith.index_cast %add3A_437 : i32 to index
          %get3A_1226 = memref.load %arg0[%get3A_1225] : memref<19xi32, #tpu.memory_space<smem>>
          %ne3A_1227 = arith.cmpi ne, %get3A_1224, %get3A_1226 : i32
          %or3A_1228 = arith.constant false
          %or3A_1229 = arith.ori %or3A_1228, %ne3A_1227 : i1
          %or3A_1230 = arith.constant false
          %or3A_1231 = arith.ori %or3A_1229, %or3A_1230 : i1
          %or3A_1232 = arith.constant false
          %or3A_1233 = arith.ori %or3A_1231, %or3A_1232 : i1
          %or3A_1234 = arith.ori %or3A_1233, %eq3A_415 : i1
          %add3A_1235 = arith.constant 1 : i32
          %add3A_1236 = arith.addi %while3A_405, %add3A_1235 : i32
          %select_n3A_1237 = arith.select %or3A_1234, %add3A_1236, %while3A_405 : i32
          %add3A_1238 = arith.constant 1 : i32
          %add3A_1239 = arith.addi %while3A_408, %add3A_1238 : i32
          %select_n3A_1240 = arith.constant true
          %select_n3A_1241 = arith.select %select_n3A_1240, %add3A_1239, %while3A_408 : i32
          %eq3A_1242 = arith.cmpi eq, %select_n3A_1241, %get3A_0 : i32
          %select_n3A_1243 = arith.constant 0 : i32
          %select_n3A_1244 = arith.select %eq3A_1242, %select_n3A_1243, %select_n3A_1241 : i32
          scf.yield %select_n3A_474, %select_n3A_1147, %while3A_503#2, %select_n3A_1162, %while3A_503#0, %select_n3A_530, %select_n3A_1177, %while3A_559#2, %select_n3A_1192, %while3A_559#0, %select_n3A_586, %select_n3A_1207, %while3A_615#2, %select_n3A_1222, %while3A_615#0, %select_n3A_642, %select_n3A_1237, %select_n3A_995, %select_n3A_1138, %select_n3A_1244 : i32, i32, i32, i32, i32, i32, i32, i32, i32, i32, i32, i32, i32, i32, i32, i32, i32, i32, i32, i32
        }
        %sub3A_306 = arith.constant 1 : i32
        %sub3A_307 = arith.subi %while3A_305#19, %sub3A_306 : i32
        %select_n3A_308 = arith.constant true
        %select_n3A_309 = arith.select %select_n3A_308, %sub3A_307, %while3A_305#19 : i32
        %eq3A_310 = arith.constant -1 : i32
        %eq3A_311 = arith.cmpi eq, %select_n3A_309, %eq3A_310 : i32
        %sub3A_312 = arith.constant 1 : i32
        %sub3A_313 = arith.subi %get3A_0, %sub3A_312 : i32
        %select_n3A_314 = arith.select %eq3A_311, %sub3A_313, %select_n3A_309 : i32
        %sub3A_315 = arith.constant 1 : i32
        %sub3A_316 = arith.subi %mul3A_1, %sub3A_315 : i32
        %mul3A_317 = arith.constant 1 : i32
        %mul3A_318 = arith.muli %mul3A_317, %get3A_0 : i32
        %eq3A_319 = arith.constant 0 : i32
        %eq3A_320 = arith.cmpi eq, %sub3A_316, %eq3A_319 : i32
        %sub3A_321 = arith.constant 1 : i32
        %sub3A_322 = arith.subi %mul3A_318, %sub3A_321 : i32
        %eq3A_323 = arith.cmpi eq, %sub3A_316, %sub3A_322 : i32
        %add3A_324 = arith.constant 0 : i32
        %add3A_325 = arith.addi %select_n3A_314, %add3A_324 : i32
        %sub3A_326 = arith.constant 1 : i32
        %sub3A_327 = arith.subi %select_n3A_314, %sub3A_326 : i32
        %select_n3A_328 = arith.constant true
        %select_n3A_329 = arith.select %select_n3A_328, %sub3A_327, %select_n3A_314 : i32
        %eq3A_330 = arith.constant -1 : i32
        %eq3A_331 = arith.cmpi eq, %select_n3A_329, %eq3A_330 : i32
        %sub3A_332 = arith.constant 1 : i32
        %sub3A_333 = arith.subi %get3A_0, %sub3A_332 : i32
        %select_n3A_334 = arith.select %eq3A_331, %sub3A_333, %select_n3A_329 : i32
        %add3A_335 = arith.constant 0 : i32
        %add3A_336 = arith.addi %select_n3A_334, %add3A_335 : i32
        %add3A_337 = arith.constant 1 : i32
        %add3A_338 = arith.addi %select_n3A_314, %add3A_337 : i32
        %select_n3A_339 = arith.constant true
        %select_n3A_340 = arith.select %select_n3A_339, %add3A_338, %select_n3A_314 : i32
        %eq3A_341 = arith.cmpi eq, %select_n3A_340, %get3A_0 : i32
        %select_n3A_342 = arith.constant 0 : i32
        %select_n3A_343 = arith.select %eq3A_341, %select_n3A_342, %select_n3A_340 : i32
        %add3A_344 = arith.constant 0 : i32
        %add3A_345 = arith.addi %select_n3A_343, %add3A_344 : i32
        %add3A_346 = arith.constant 1 : i32
        %add3A_347 = arith.addi %select_n3A_343, %add3A_346 : i32
        %select_n3A_348 = arith.constant true
        %select_n3A_349 = arith.select %select_n3A_348, %add3A_347, %select_n3A_343 : i32
        %eq3A_350 = arith.cmpi eq, %select_n3A_349, %get3A_0 : i32
        %select_n3A_351 = arith.constant 0 : i32
        %select_n3A_352 = arith.select %eq3A_350, %select_n3A_351, %select_n3A_349 : i32
        %add3A_353 = arith.constant 0 : i32
        %add3A_354 = arith.addi %select_n3A_352, %add3A_353 : i32
        %add3A_355 = arith.constant 1 : i32
        %add3A_356 = arith.addi %select_n3A_352, %add3A_355 : i32
        %select_n3A_357 = arith.constant true
        %select_n3A_358 = arith.select %select_n3A_357, %add3A_356, %select_n3A_352 : i32
        %eq3A_359 = arith.cmpi eq, %select_n3A_358, %get3A_0 : i32
        %select_n3A_360 = arith.constant 0 : i32
        %select_n3A_361 = arith.select %eq3A_359, %select_n3A_360, %select_n3A_358 : i32
        %add3A_362 = arith.constant 0 : i32
        %add3A_363 = arith.addi %select_n3A_361, %add3A_362 : i32
        %convert_element_type3A_364 = arith.extui %eq3A_323 : i1 to i32
        %cond3A_365 = arith.constant 0 : i32
        %cond3A_366 = arith.cmpi ne, %convert_element_type3A_364, %cond3A_365 : i32
        scf.if %cond3A_366 {
        } else {
        }
        %convert_element_type3A_367 = arith.extui %eq3A_323 : i1 to i32
        %cond3A_368 = arith.constant 0 : i32
        %cond3A_369 = arith.cmpi ne, %convert_element_type3A_367, %cond3A_368 : i32
        scf.if %cond3A_369 {
        } else {
        }
        %convert_element_type3A_370 = arith.extui %eq3A_323 : i1 to i32
        %cond3A_371 = arith.constant 0 : i32
        %cond3A_372 = arith.cmpi ne, %convert_element_type3A_370, %cond3A_371 : i32
        scf.if %cond3A_372 {
        } else {
        }
        %convert_element_type3A_373 = arith.extui %eq3A_323 : i1 to i32
        %cond3A_374 = arith.constant 0 : i32
        %cond3A_375 = arith.cmpi ne, %convert_element_type3A_373, %cond3A_374 : i32
        scf.if %cond3A_375 {
        } else {
        }
        %convert_element_type3A_376 = arith.extui %eq3A_323 : i1 to i32
        %cond3A_377 = arith.constant 0 : i32
        %cond3A_378 = arith.cmpi ne, %convert_element_type3A_376, %cond3A_377 : i32
        scf.if %cond3A_378 {
        } else {
        }
        %convert_element_type3A_379 = arith.extui %eq3A_323 : i1 to i32
        %cond3A_380 = arith.constant 0 : i32
        %cond3A_381 = arith.cmpi ne, %convert_element_type3A_379, %cond3A_380 : i32
        scf.if %cond3A_381 {
        } else {
        }
        %convert_element_type3A_382 = arith.extui %eq3A_323 : i1 to i32
        %cond3A_383 = arith.constant 0 : i32
        %cond3A_384 = arith.cmpi ne, %convert_element_type3A_382, %cond3A_383 : i32
        scf.if %cond3A_384 {
        } else {
        }
        %convert_element_type3A_385 = arith.extui %eq3A_323 : i1 to i32
        %cond3A_386 = arith.constant 0 : i32
        %cond3A_387 = arith.cmpi ne, %convert_element_type3A_385, %cond3A_386 : i32
        scf.if %cond3A_387 {
          "tpu.trace_start"() <{level = 10 : i32, message = "ep_finalize"}> : () -> ()
          %rem3A_388 = arith.constant 2 : i32
          %rem3A_389 = arith.remui %while3A_305#18, %rem3A_388 : i32
          %mul3A_390 = arith.constant 128 : i32
          %mul3A_391 = arith.muli %mul3A_390, %add3A_325 : i32
          %dma_wait3A = tpu.memref_slice %run_scoped3A_16[%rem3A_389] : memref<2x!tpu.dma_semaphore, #tpu.memory_space<semaphore_mem>> -> memref<1x!tpu.dma_semaphore, #tpu.memory_space<semaphore_mem>>
          %dma_wait3A_392 = tpu.memref_squeeze %dma_wait3A : memref<1x!tpu.dma_semaphore, #tpu.memory_space<semaphore_mem>> -> memref<!tpu.dma_semaphore, #tpu.memory_space<semaphore_mem>>
          %dma_wait3A_393 = arith.constant 0 : i32
          %dma_wait3A_394 = tpu.memref_slice %arg9[%mul3A_391, %dma_wait3A_393] : memref<2432x1024xf32, #tpu.memory_space<hbm>> -> memref<128x1024xf32, #tpu.memory_space<hbm>>
          %dma_wait3A_395 = arith.constant 0 : i32
          %dma_wait3A_396 = arith.constant 0 : i32
          %dma_wait3A_397 = tpu.memref_slice %run_scoped3A_15[%rem3A_389, %dma_wait3A_395, %dma_wait3A_396] : memref<2x128x1024xf32, #tpu.memory_space<vmem>> -> memref<1x128x1024xf32, #tpu.memory_space<vmem>>
          %dma_wait3A_398 = tpu.memref_squeeze %dma_wait3A_397 : memref<1x128x1024xf32, #tpu.memory_space<vmem>> -> memref<128x1024xf32, #tpu.memory_space<vmem>>
          tpu.wait_dma2 semaphore(%dma_wait3A_392 : memref<!tpu.dma_semaphore, #tpu.memory_space<semaphore_mem>>) src(%dma_wait3A_398 : memref<128x1024xf32, #tpu.memory_space<vmem>>) dst(%dma_wait3A_394 : memref<128x1024xf32, #tpu.memory_space<hbm>>)
          "tpu.trace_stop"() : () -> ()
        } else {
        }
      } else {
      }
      tpu.yield
    }) : () -> ()
    return
  }
}

</mosaic_0001>

<sc_bundles>
// kernel: kernel.6.cloned.1.call-start
scs
__scs_entry_jumppad:
0x0: {  	(pc) =	sbr.rel $0x88, $3  }
0x1: {  	(tag) =	ssettag $0x0;
	lr =	simm.s32 $0x1  }
0x2: {  	[smem:$0x3F98] =	sst lr;
	_ =	strace $0xD0000000  }
0x3: {  	_ = 	snop  }
0x4: {  	_ = 	snop  }
0x5: {  	_ = 	snop  }
0x6: {  	_ = 	snop  }
0x7: {  	_ = 	snop  }
__scs_overlays_trampoline_lowered:
0x8: {  	[smem:$0x3FA7] =	sst s0  }
0x9: {  	[smem:$0x3FA8] =	sst s1  }
0xa: {  	[smem:$0x3FA9] =	sst s2  }
0xb: {  	[smem:$0x3FAA] =	sst s3  }
0xc: {  	[smem:$0x3FAB] =	sst s4  }
0xd: {  	[smem:$0x3FAC] =	sst s5  }
0xe: {  	[smem:$0x3FAD] =	sst s6  }
0xf: {  	[smem:$0x3FAE] =	sst s7  }
0x10: {  	[smem:$0x3FAF] =	sst s8  }
0x11: {  	[smem:$0x3FB0] =	sst s9;
	s0 =	simm.s32 @!p0 $0x0  }
0x12: {  	s1 =	sld [smem:$0x3F96];
	s0 =	simm.s32 @p0 $0x1  }
0x13: {  	[smem:$0x3FB1] =	sst s0;
	s0 =	simm.s32 @!p1 $0x0  }
0x14: {  	s2 =	sld [smem:$0x3F95];
	s0 =	simm.s32 @p1 $0x1  }
0x15: {  	[smem:$0x3FB2] =	sst s0;
	s0 =	simm.s32 @!p2 $0x0  }
0x16: {  	s3 =	sld [smem:$0x3FDB];
	s0 =	simm.s32 @p2 $0x1  }
0x17: {  	s4 =	simm.s32 $0x1BF5;
	[smem:$0x3FB4] =	sst s0  }
0x18: {  	s0 =	sld [smem:$0x3F97];
	_ =	swait.ge [sflag:s4], $0x0  }
0x19: {  	s7 =	sld [smem:$0x3F98]  }
0x1a: {  	s8 =	sadd.s32 $0xFFFFE003, lr  }
0x1b: {  	s9 =	sadd.s32 $0xFFFFFEF7, lr;
	s5 =	simm.s32 $0xFFFFFFFF;
	p2 =	slt.u32 s8, $0xFFFFF086  }
0x1c: {  	p1 =	slt.u32 s9, $0xF7A;
	s5 =	simm.s32 @!p2 $0x0  }
0x1d: {  	s5 =	simm.s32 @p1 $0x1;
	p0 =	seq.s32 s7, s2  }
0x1e: {  	s7 =	smul.u32 @!p0 $0xF7A, s2;
	p2 =	seq.s32 @!p0 s5, $0x0  }
0x1f: {  	s9 =	smul.u32 $0xF7A, s1;
	s8 =	simm.s32 @!p0 $0x1BF5;
	p2 =	por !p2, p0  }
0x20: {  	[sflag:s8] =	ssyncset.s32 @!p0 $0xFFFFF086;
	s6 =	sadd.s32 @!p0 s3, s7;
	s7 =	simm.s32 @!p0 $0x108  }
0x21: {  	s3 =	sadd.s32 s3, s9;
	s6 =	sadd.s32 @!p0 $0x88, s6;
	s7 =	simm.s32 @p2 $0x1082  }
0x22: {  	[simem:s7], [sflag:s8] =	dma.local @!p0 [hbm:s6], $0xF7A  }
0x23: {  	s9 =	sor.u32 $0xD0000000, s2;
	s6 =	simm.s32 $0x108;
	_ =	swait.ge @!p0 [sflag:s8], $0x0  }
0x24: {  	s3 =	sadd.s32 $0x88, s3;
	s6 =	simm.s32 @!p1 $0x1082;
	[sflag:s4] =	ssyncset.s32 $0xFFFFF086  }
0x25: {  	[simem:s6], [sflag:s4] =	dma.local [hbm:s3], $0xF7A  }
0x26: {  	[smem:$0x3F98] =	sst s1;
	(tag) =	ssettag s2;
	_ =	strace s9  }
0x27: {  	s1 =	sld [smem:$0x3FA8]  }
0x28: {  	s2 =	sld [smem:$0x3FA9]  }
0x29: {  	s4 =	sld [smem:$0x3FAB]  }
0x2a: {  	p0 =	seq.s32 s5, $0x0;
	s5 =	sld [smem:$0x3FAC]  }
0x2b: {  	s6 =	sld [smem:$0x3FAD]  }
0x2c: {  	s7 =	sld [smem:$0x3FAE]  }
0x2d: {  	s3 =	simm.s32 $0x108;
	s8 =	sld [smem:$0x3FAF]  }
0x2e: {  	s3 =	simm.s32 @!p0 $0x1082;
	s9 =	sld [smem:$0x3FB0]  }
0x2f: {  	lr =	sadd.s32 s0, s3;
	s0 =	sld [smem:$0x3FA7]  }
0x30: {  	s3 =	sld [smem:$0x3FAA]  }
0x31: {  	[smem:$0x3FB3] =	sst s10  }
0x32: {  	s10 =	sld [smem:$0x3FB1];
	_ =	sdelay $0x3  }
0x33: {  	p0 =	seq.s32 s10, $0x1;
	s10 =	sld [smem:$0x3FB3];
	_ =	sdelay $0x3  }
0x34: {  	[smem:$0x3FB3] =	sst s10  }
0x35: {  	s10 =	sld [smem:$0x3FB2];
	_ =	sdelay $0x3  }
0x36: {  	p1 =	seq.s32 s10, $0x1;
	s10 =	sld [smem:$0x3FB3];
	_ =	sdelay $0x3  }
0x37: {  	[smem:$0x3FB3] =	sst s10  }
0x38: {  	s10 =	sld [smem:$0x3FB4]  }
0x39: {  	_ = 	snop;
	(pc) =	sbr.ind lr, $3  }
0x3a: {  	_ = 	snop  }
0x3b: {  	_ = 	snop  }
0x3c: {  	p2 =	seq.s32 s10, $0x1;
	s10 =	sld [smem:$0x3FB3]  }
0x3d: {  	_ =	shalt  }
0x3e: {  	_ =	shalt  }
0x3f: {  	_ =	shalt  }
0x40: {  	_ =	shalt  }
0x41: {  	_ =	shalt  }
0x42: {  	_ =	shalt  }
0x43: {  	_ =	shalt  }
0x44: {  	_ =	shalt  }
0x45: {  	_ =	shalt  }
0x46: {  	_ =	shalt  }
0x47: {  	_ =	shalt  }
0x48: {  	_ =	shalt  }
0x49: {  	_ =	shalt  }
0x4a: {  	_ =	shalt  }
0x4b: {  	_ =	shalt  }
0x4c: {  	_ =	shalt  }
0x4d: {  	_ =	shalt  }
0x4e: {  	_ =	shalt  }
0x4f: {  	_ =	shalt  }
0x50: {  	_ =	shalt  }
0x51: {  	_ =	shalt  }
0x52: {  	_ =	shalt  }
0x53: {  	_ =	shalt  }
0x54: {  	_ =	shalt  }
0x55: {  	_ =	shalt  }
0x56: {  	_ =	shalt  }
0x57: {  	_ =	shalt  }
0x58: {  	_ =	shalt  }
0x59: {  	_ =	shalt  }
0x5a: {  	_ =	shalt  }
0x5b: {  	_ =	shalt  }
0x5c: {  	_ =	shalt  }
0x5d: {  	_ =	shalt  }
0x5e: {  	_ =	shalt  }
0x5f: {  	_ =	shalt  }
0x60: {  	_ =	shalt  }
0x61: {  	_ =	shalt  }
0x62: {  	_ =	shalt  }
0x63: {  	_ =	shalt  }
0x64: {  	_ =	shalt  }
0x65: {  	_ =	shalt  }
0x66: {  	_ =	shalt  }
0x67: {  	_ =	shalt  }
0x68: {  	_ =	shalt  }
0x69: {  	_ =	shalt  }
0x6a: {  	_ =	shalt  }
0x6b: {  	_ =	shalt  }
0x6c: {  	_ =	shalt  }
0x6d: {  	_ =	shalt  }
0x6e: {  	_ =	shalt  }
0x6f: {  	_ =	shalt  }
0x70: {  	_ =	shalt  }
0x71: {  	_ =	shalt  }
0x72: {  	_ =	shalt  }
0x73: {  	_ =	shalt  }
0x74: {  	_ =	shalt  }
0x75: {  	_ =	shalt  }
0x76: {  	_ =	shalt  }
0x77: {  	_ =	shalt  }
0x78: {  	_ =	shalt  }
0x79: {  	_ =	shalt  }
0x7a: {  	_ =	shalt  }
0x7b: {  	_ =	shalt  }
0x7c: {  	_ =	shalt  }
0x7d: {  	_ =	shalt  }
0x7e: {  	_ =	shalt  }
0x7f: {  	_ =	shalt  }
0x80: {  	_ =	shalt  }
0x81: {  	_ =	shalt  }
0x82: {  	_ =	shalt  }
0x83: {  	_ =	shalt  }
0x84: {  	_ =	shalt  }
0x85: {  	_ =	shalt  }
0x86: {  	_ =	shalt  }
0x87: {  	_ =	shalt  }
.Lfunc_end0:
.L_simem_size_0:
called_computation_lowered:
.L_overlay_start_0:
0x88: {  	s2 =	sld [smem:$0x3FD9]  }
0x89: {  	s3 =	sld [smem:$0x3FFE];
	_ =	sdelay $0x1  }
0x8a: {  	s1 =	srdreg.scid  }
0x8b: {  	s0 =	sand.u32 $0x1, s1  }
0x8c: {  	s17 =	sshll.u32 s0, $0xA;
	s2 =	sadd.s32 s3, s2  }
0x8d: {  	s2 =	sadd.s32 s2, s17  }
0x8e: {  	[smem:$0x3FBF] =	sst s2  }
0x8f: {  	_ = 	snop  }
0x90: {  	s2 =	sld [smem:$0x3FC9];
	(tm) =	ssettm $0x1  }
0x91: {  	s18 =	sld [smem:$0x3FFB];
	_ =	sdelay $0x3  }
0x92: {  	_ =	strace s18  }
0x93: {  	s3 =	sld [smem:$0x3FFC];
	_ =	sdelay $0x3  }
0x94: {  	_ =	strace s3  }
0x95: {  	s3 =	sld [smem:$0x3FFD];
	_ =	sdelay $0x3  }
0x96: {  	_ =	strace s3  }
0x97: {  	_ =	strace $0x8FFFFFFF  }
0x98: {  	s19 =	sld [smem:$0x3FDB];
	_ =	sdelay $0x1  }
0x99: {  	s4 =	simm.s32 $_scs_section_size  }
0x9a: {  	s5 =	simm.s32 $_size__tile_overlayer_lowered;
	s6 =	simm.s32 $_tile_overlayer_lowered  }
0x9b: {  	s22 =	simm.s32 $0x1BFF;
	s21 =	sshll.u32 s6, $0x1;
	s3 =	sadd.s32 s4, s19  }
0x9c: {  	s7 =	simm.s32 $0x0;
	s20 =	sshll.u32 s5, $0x1;
	s5 =	sadd.s32 s21, s3  }
0x9d: {  	[timem:s7], [sflag:s22] =	dma.local [hbm:s5], s20  }
0x9e: {  	_ =	swait.ge [sflag:s22], s20  }
0x9f: {  	s4 =	ssub.s32 $0x0, s20;
	[sflag:s22] =	ssyncset.done $0x0  }
0xa0: {  	[sflag:s22] =	ssyncadd.s32 s4;
	_ =	sdelay $0x1  }
0xa1: {  	s23 =	simm.s32 $0x1B8B  }
0xa2: {  	_ =	swait.ge [sflag:s23], $0x1  }
0xa3: {  	[sflag:s23] =	ssyncset.done $0x0  }
0xa4: {  	s25 =	simm.s32 $0x1B8E;
	s24 =	sld [smem:$0x3FFE];
	[sflag:s23] =	ssyncadd.s32 $0xFFFFFFFF  }
0xa5: {  	s26 =	simm.s32 $execute0_lowered;
	[smem:$0x3FD2] =	sst s25  }
0xa6: {  	s5 =	sshll.u32 s26, $0x1;
	_ =	strace $0x80000046;
	[dreg:$0x1] =	wrdreg $0xFFFFFFFF  }
0xa7: {  	s28 =	simm.s32 $_size_execute0_lowered;
	s3 =	sadd.s32 s3, s5;
	[dreg:$0x0] =	wrdreg $0x0  }
0xa8: {  	s5 =	sshll.u32 s28, $0x1;
	[dreg:$0x2] =	wrdreg s3  }
0xa9: {  	[dreg:$0x3] =	wrdreg s5  }
0xaa: {  	[dreg:$0x4] =	wrdreg $0xC0  }
0xab: {  	_ =	task [dreg:s7], $0x5FFFF  }
0xac: {  	[dreg:$0x1] =	wrdreg $0xFFFFFFFF  }
0xad: {  	[dreg:$0x0] =	wrdreg $0x60  }
0xae: {  	[dreg:$0x2] =	wrdreg s24  }
0xaf: {  	[dreg:$0x3] =	wrdreg s2  }
0xb0: {  	[dreg:$0x4] =	wrdreg $0x9  }
0xb1: {  	_ =	task.clear_ibuf [dreg:s7], $0x5FFFF;
	_ =	strace $0x90000046  }
0xb2: {  	s29 =	simm.s32 $0x9;
	_ =	strace $0x80000048  }
0xb3: {  	_ =	swait.ge [sflag:s29], $0x1  }
0xb4: {  	[sflag:s29] =	ssyncadd.s32 $0xFFFFFFFF  }
0xb5: {  	_ =	strace $0x90000048  }
0xb6: {  	_ =	sfence  }
0xb7: {  	s30 =	sld [smem:$0x0];
	_ =	sdelay $0x2  }
0xb8: {  	s31 =	sshll.u32 s1, $0xD;
	s1 =	sshrl.u32 s1, $0x2  }
0xb9: {  	s3 =	sand.u32 $0x4000, s31;
	s1 =	sadd.s32 s1, s30  }
0xba: {  	s0 =	sor.u32 s3, s0;
	s1 =	sshll.u32 s1, $0x11  }
0xbb: {  	s0 =	sor.u32 s1, s0  }
0xbc: {  	s0 =	sadd.s32 $0x8F2B, s0  }
0xbd: {  	[sflag:s0] =	ssyncadd.remote.s32 $0x1  }
0xbe: {  	_ =	sfence.sel $0xFFFF  }
0xbf: {  	[dreg:$0x0] =	wrdreg $0xFFFFFFFF;
	(pc) =	sbr.abs _section_cstart, $3  }
0xc0: {  	[dreg:$0x1] =	wrdreg $0xFFFFFFFF  }
0xc1: {  	_ =	task.clear_ibuf [dreg:s7], $0x2FFFF;
	_ =	strace $0x9FFFFFFF  }
0xc2: {  	(tm) =	ssettm $0x7FFFFFFF  }
0xc3: {  	_ =	shalt  }
tec
execute0_lowered:
.L_overlay_start_1:
0x0: {  	(tag) =	ssettag $0x1  }
0x1: {  	s13 =	rddreg [dreg:$0x0]  }
0x2: {  	s3 =	rddreg [dreg:$0x1];
	s2 =	srdreg.scid  }
0x3: {  	s0 =	rddreg [dreg:$0x2];
	s1 =	stileid.u32;
	s15 =	sand.u32 $0x1, s2  }
0x4: {  	s2 =	simm.s32 $0x0;
	s4 =	sshll.u32 s1, $0x5;
	s5 =	sshll.u32 s15, $0x4  }
0x5: {  	[smem:$0x7FF] =	sst s2;
	s4 =	sor.u32 s5, s4  }
0x6: {  	_ =	strace $0x80000047;
	s5 =	sshrl.u32 s4, $0x3;
	s4 =	sshll.u32 s4, $0x7  }
0x7: {  	s5 =	sadd.s32 s5, s13;
	s3 =	sadd.s32 s3, s4;
	s4 =	simm.s32 $0x80  }
0x8: {  	[tilespmem:s4], [sflag:$0x2] =	stream.linear.gather [hbm4b:s3+s2], $0x4000, $0x38;
	[tilespmem:$0x4080] =	vst v63  }
0x9: {  	s6 =	simm.s32 $0x3;
	s5 =	sadd.s32 $0xE00, s5  }
0xa: {  	[tilespmem:s2], [sflag:$0x3] =	stream.linear.gather [hbm4b:s5+s2], $0x10, $0x38;
	[tilespmem:$0x4080] =	vst v63  }
0xb: {  	_ =	swait.ge [sflag:s6], $0x10  }
0xc: {  	[sflag:s6] =	ssyncset.done $0x0  }
0xd: {  	s7 =	simm.s32 $0x2;
	[sflag:s6] =	ssyncadd.s32 $0xFFFFFFF0  }
0xe: {  	_ =	swait.ge [sflag:s7], $0x4000  }
0xf: {  	[sflag:s7] =	ssyncset.done $0x0  }
0x10: {  	[sflag:s7] =	ssyncadd.s32 $0xFFFFC000  }
0x11: {  	v0 =	vld [tilespmem:$0x0];
	_ =	sdelay $0x4  }
0x12: {  	v1 =	vshll.u32 v0, $0x3  }
0x13: {  	v2 =	vlaneseq.u32;
	v3 =	vand.u32 $0x7, v0;
	v1 =	vand.u32 $0xFFFFFFC0, v1  }
0x14: {  	v4 =	vshrl.u32 v2, $0x3;
	v0 =	vand.u32 $0x7, v2;
	v3 =	vor.u32 v3, v1  }
0x15: {  	v1 =	vmul.u32 $0x8, v4;
	v63 =	vperm.xlane v3, v0;
	_ =	sdelay $0x1  }
0x16: {  	v4 =	vadd.s32 v1, v63;
	_ =	sdelay $0x3  }
0x17: {  	vm0 =	vmmov $0xffff;
	s8 =	sadd.s32 $0x1000, s13  }
0x18: {  	v2 =	vor.u32 $0x8, v2;
	[hbm4b:s8+s2] =	stream.indirect_vreg.scatter [tilespmem:s4], [sflag:$0x1], $0x80, v4, vm0, $0xb8;
	[tilespmem:$0x4080] =	vst v63  }
0x19: {  	s10 =	simm.s32 $0x880;
	s9 =	sadd.s32 $0x1100, s13;
	v3 =	vperm.xlane v3, v2  }
0x1a: {  	[hbm4b:s9+s2] =	stream.indirect_vreg.scatter [tilespmem:s10], [sflag:$0x1], $0x80, v4, vm0, $0xb8;
	[tilespmem:$0x4080] =	vst v63  }
0x1b: {  	s12 =	simm.s32 $0x1080;
	s11 =	sadd.s32 $0x1200, s13;
	s17 =	ssub.s32 $0x2, s15;
	v3 =	vadd.s32 v1, v3  }
0x1c: {  	[hbm4b:s11+s2] =	stream.indirect_vreg.scatter [tilespmem:s12], [sflag:$0x1], $0x80, v4, vm0, $0xb8;
	[tilespmem:$0x4080] =	vst v63  }
0x1d: {  	s14 =	simm.s32 $0x1880;
	s18 =	sshrl.u32 s17, $0x1;
	s13 =	sadd.s32 $0x1300, s13  }
0x1e: {  	[hbm4b:s13+s2] =	stream.indirect_vreg.scatter [tilespmem:s14], [sflag:$0x1], $0x80, v4, vm0, $0xb8;
	[tilespmem:$0x4080] =	vst v63  }
0x1f: {  	s15 =	simm.s32 $0x2080;
	s18 =	ssub.s32 s17, s18  }
0x20: {  	[hbm4b:s8+s2] =	stream.indirect_vreg.scatter [tilespmem:s15], [sflag:$0x1], $0x80, v3, vm0, $0xb8;
	[tilespmem:$0x4080] =	vst v63  }
0x21: {  	s16 =	simm.s32 $0x2880;
	s20 =	smax.u32 s18, $0x1  }
0x22: {  	[hbm4b:s9+s2] =	stream.indirect_vreg.scatter [tilespmem:s16], [sflag:$0x1], $0x80, v3, vm0, $0xb8;
	[tilespmem:$0x4080] =	vst v63  }
0x23: {  	s17 =	simm.s32 $0x3080;
	p0 =	sne.s32 s20, $0x1  }
0x24: {  	[hbm4b:s11+s2] =	stream.indirect_vreg.scatter [tilespmem:s17], [sflag:$0x1], $0x80, v3, vm0, $0xb8;
	[tilespmem:$0x4080] =	vst v63  }
.Ltmp0:
0x25: {  	_ = 	snop;
	(pc) =	sbr.rel @!p0 .LBB2_2-.Ltmp0, $4  }
0x26: {  	s19 =	simm.s32 $0x3880;
	s18 =	simm.s32 $0x1  }
0x27: {  	[hbm4b:s13+s2] =	stream.indirect_vreg.scatter [tilespmem:s19], [sflag:$0x1], $0x80, v3, vm0, $0xb8;
	[tilespmem:$0x4080] =	vst v63  }
0x28: {  	_ =	swait.ge [sflag:s18], $0x4000  }
0x29: {  	s20 =	sadd.s32 $0xFFFFFFFF, s20;
	[sflag:s18] =	ssyncset.done $0x0  }
.LBB2_1:
0x2a: {  	p0 =	sne.s32 s20, $0x1;
	s20 =	sadd.s32 $0xFFFFFFFF, s20;
	[sflag:s18] =	ssyncadd.s32 $0xFFFFC000  }
0x2b: {  	_ = 	snop  }
0x2c: {  	[tilespmem:s4], [sflag:$0x2] =	stream.linear.gather [hbm4b:s3+s2], $0x4000, $0x38;
	[tilespmem:$0x4080] =	vst v63  }
0x2d: {  	_ = 	snop  }
0x2e: {  	[tilespmem:s2], [sflag:$0x3] =	stream.linear.gather [hbm4b:s5+s2], $0x10, $0x38;
	[tilespmem:$0x4080] =	vst v63  }
0x2f: {  	_ =	swait.ge [sflag:s6], $0x10  }
0x30: {  	[sflag:s6] =	ssyncset.done $0x0  }
0x31: {  	[sflag:s6] =	ssyncadd.s32 $0xFFFFFFF0  }
0x32: {  	_ =	swait.ge [sflag:s7], $0x4000  }
0x33: {  	[sflag:s7] =	ssyncset.done $0x0  }
0x34: {  	[sflag:s7] =	ssyncadd.s32 $0xFFFFC000  }
0x35: {  	v3 =	vld [tilespmem:$0x0];
	_ =	sdelay $0x4  }
0x36: {  	v4 =	vshll.u32 v3, $0x3  }
0x37: {  	v3 =	vand.u32 $0x7, v3;
	v4 =	vand.u32 $0xFFFFFFC0, v4  }
0x38: {  	v3 =	vor.u32 v3, v4  }
0x39: {  	v4 =	vperm.xlane v3, v0;
	v3 =	vperm.xlane v3, v2;
	_ =	sdelay $0x1  }
0x3a: {  	v4 =	vadd.s32 v1, v4;
	_ =	sdelay $0x4  }
0x3b: {  	[hbm4b:s8+s2] =	stream.indirect_vreg.scatter [tilespmem:s4], [sflag:$0x1], $0x80, v4, vm0, $0xb8;
	[tilespmem:$0x4080] =	vst v63  }
0x3c: {  	_ = 	snop  }
0x3d: {  	[hbm4b:s9+s2] =	stream.indirect_vreg.scatter [tilespmem:s10], [sflag:$0x1], $0x80, v4, vm0, $0xb8;
	[tilespmem:$0x4080] =	vst v63  }
0x3e: {  	v3 =	vadd.s32 v1, v3  }
0x3f: {  	[hbm4b:s11+s2] =	stream.indirect_vreg.scatter [tilespmem:s12], [sflag:$0x1], $0x80, v4, vm0, $0xb8;
	[tilespmem:$0x4080] =	vst v63  }
0x40: {  	_ = 	snop  }
0x41: {  	[hbm4b:s13+s2] =	stream.indirect_vreg.scatter [tilespmem:s14], [sflag:$0x1], $0x80, v4, vm0, $0xb8;
	[tilespmem:$0x4080] =	vst v63  }
0x42: {  	_ = 	snop  }
0x43: {  	[hbm4b:s8+s2] =	stream.indirect_vreg.scatter [tilespmem:s15], [sflag:$0x1], $0x80, v3, vm0, $0xb8;
	[tilespmem:$0x4080] =	vst v63  }
0x44: {  	_ = 	snop  }
0x45: {  	[hbm4b:s9+s2] =	stream.indirect_vreg.scatter [tilespmem:s16], [sflag:$0x1], $0x80, v3, vm0, $0xb8;
	[tilespmem:$0x4080] =	vst v63  }
0x46: {  	_ = 	snop  }
0x47: {  	[hbm4b:s11+s2] =	stream.indirect_vreg.scatter [tilespmem:s17], [sflag:$0x1], $0x80, v3, vm0, $0xb8;
	[tilespmem:$0x4080] =	vst v63  }
.Ltmp1:
0x48: {  	_ = 	snop;
	(pc) =	sbr.rel @p0 .LBB2_1-.Ltmp1, $4  }
0x49: {  	_ = 	snop  }
0x4a: {  	[hbm4b:s13+s2] =	stream.indirect_vreg.scatter [tilespmem:s19], [sflag:$0x1], $0x80, v3, vm0, $0xb8;
	[tilespmem:$0x4080] =	vst v63  }
0x4b: {  	_ =	swait.ge [sflag:s18], $0x4000  }
0x4c: {  	[sflag:s18] =	ssyncset.done $0x0  }
.LBB2_2:
0x4d: {  	[sflag:s18] =	ssyncadd.s32 $0xFFFFC000  }
0x4e: {  	_ =	sfence.sel $0x180000  }
0x4f: {  	[bflag:$0x0] =	sbarrier.arrive $0xFFFF  }
0x50: {  	p0 =	sne.s32 s1, $0x0;
	_ =	strace $0x90000047  }
0x51: {  	s0 =	sadd.s32 @!p0 $0x100000, s0;
	[bflag:$0x2] =	sbarrier.arrive $0xFFFF  }
0x52: {  	[sflag:s0] =	ssyncadd.tile.s32 @!p0 $0x1;
	_ =	shalt  }
.Lfunc_end2:
_tile_overlayer_lowered:
.L_overlay_start_2:
0x53: {  	(tag) =	ssettag $0x2  }
0x54: {  	s0 =	rddreg [dreg:$0x0];
	s2 =	stileid.u32  }
0x55: {  	s1 =	rddreg [dreg:$0x1];
	p0 =	sne.s32 s2, $0x0  }
0x56: {  	s3 =	rddreg [dreg:$0x2];
	[bflag:$0x3] =	sbarrier.arrive $0xFFFF;
	s2 =	simm.s32 @!p0 $0x1C03  }
0x57: {  	[timem:s3], [sflag:s2] =	dma.local @!p0 [hbm:s0], s1  }
0x58: {  	s0 =	simm.s32 @!p0 $0x3  }
0x59: {  	_ =	swait.ge @!p0 [sflag:s0], s1  }
0x5a: {  	s1 =	ssub.s32 @!p0 $0x0, s1;
	[sflag:s0] =	ssyncset.done @!p0 $0x0  }
0x5b: {  	[sflag:s0] =	ssyncadd.s32 @!p0 s1  }
0x5c: {  	[bflag:$0x3] =	sbarrier.arrive $0xFFFF  }
0x5d: {  	_ =	shalt  }

// kernel: kernel.9.cloned.1.call-start
scs
__scs_entry_jumppad:
0x0: {  	(pc) =	sbr.rel $0x88, $3  }
0x1: {  	(tag) =	ssettag $0x0;
	lr =	simm.s32 $0x1  }
0x2: {  	[smem:$0x3F98] =	sst lr;
	_ =	strace $0xD0000000  }
0x3: {  	_ = 	snop  }
0x4: {  	_ = 	snop  }
0x5: {  	_ = 	snop  }
0x6: {  	_ = 	snop  }
0x7: {  	_ = 	snop  }
__scs_overlays_trampoline_lowered:
0x8: {  	[smem:$0x3FA7] =	sst s0  }
0x9: {  	[smem:$0x3FA8] =	sst s1  }
0xa: {  	[smem:$0x3FA9] =	sst s2  }
0xb: {  	[smem:$0x3FAA] =	sst s3  }
0xc: {  	[smem:$0x3FAB] =	sst s4  }
0xd: {  	[smem:$0x3FAC] =	sst s5  }
0xe: {  	[smem:$0x3FAD] =	sst s6  }
0xf: {  	[smem:$0x3FAE] =	sst s7  }
0x10: {  	[smem:$0x3FAF] =	sst s8  }
0x11: {  	[smem:$0x3FB0] =	sst s9;
	s0 =	simm.s32 @!p0 $0x0  }
0x12: {  	s1 =	sld [smem:$0x3F96];
	s0 =	simm.s32 @p0 $0x1  }
0x13: {  	[smem:$0x3FB1] =	sst s0;
	s0 =	simm.s32 @!p1 $0x0  }
0x14: {  	s2 =	sld [smem:$0x3F95];
	s0 =	simm.s32 @p1 $0x1  }
0x15: {  	[smem:$0x3FB2] =	sst s0;
	s0 =	simm.s32 @!p2 $0x0  }
0x16: {  	s3 =	sld [smem:$0x3FDB];
	s0 =	simm.s32 @p2 $0x1  }
0x17: {  	s4 =	simm.s32 $0x1BF5;
	[smem:$0x3FB4] =	sst s0  }
0x18: {  	s0 =	sld [smem:$0x3F97];
	_ =	swait.ge [sflag:s4], $0x0  }
0x19: {  	s7 =	sld [smem:$0x3F98]  }
0x1a: {  	s8 =	sadd.s32 $0xFFFFE003, lr  }
0x1b: {  	s9 =	sadd.s32 $0xFFFFFEF7, lr;
	s5 =	simm.s32 $0xFFFFFFFF;
	p2 =	slt.u32 s8, $0xFFFFF086  }
0x1c: {  	p1 =	slt.u32 s9, $0xF7A;
	s5 =	simm.s32 @!p2 $0x0  }
0x1d: {  	s5 =	simm.s32 @p1 $0x1;
	p0 =	seq.s32 s7, s2  }
0x1e: {  	s7 =	smul.u32 @!p0 $0xF7A, s2;
	p2 =	seq.s32 @!p0 s5, $0x0  }
0x1f: {  	s9 =	smul.u32 $0xF7A, s1;
	s8 =	simm.s32 @!p0 $0x1BF5;
	p2 =	por !p2, p0  }
0x20: {  	[sflag:s8] =	ssyncset.s32 @!p0 $0xFFFFF086;
	s6 =	sadd.s32 @!p0 s3, s7;
	s7 =	simm.s32 @!p0 $0x108  }
0x21: {  	s3 =	sadd.s32 s3, s9;
	s6 =	sadd.s32 @!p0 $0x88, s6;
	s7 =	simm.s32 @p2 $0x1082  }
0x22: {  	[simem:s7], [sflag:s8] =	dma.local @!p0 [hbm:s6], $0xF7A  }
0x23: {  	s9 =	sor.u32 $0xD0000000, s2;
	s6 =	simm.s32 $0x108;
	_ =	swait.ge @!p0 [sflag:s8], $0x0  }
0x24: {  	s3 =	sadd.s32 $0x88, s3;
	s6 =	simm.s32 @!p1 $0x1082;
	[sflag:s4] =	ssyncset.s32 $0xFFFFF086  }
0x25: {  	[simem:s6], [sflag:s4] =	dma.local [hbm:s3], $0xF7A  }
0x26: {  	[smem:$0x3F98] =	sst s1;
	(tag) =	ssettag s2;
	_ =	strace s9  }
0x27: {  	s1 =	sld [smem:$0x3FA8]  }
0x28: {  	s2 =	sld [smem:$0x3FA9]  }
0x29: {  	s4 =	sld [smem:$0x3FAB]  }
0x2a: {  	p0 =	seq.s32 s5, $0x0;
	s5 =	sld [smem:$0x3FAC]  }
0x2b: {  	s6 =	sld [smem:$0x3FAD]  }
0x2c: {  	s7 =	sld [smem:$0x3FAE]  }
0x2d: {  	s3 =	simm.s32 $0x108;
	s8 =	sld [smem:$0x3FAF]  }
0x2e: {  	s3 =	simm.s32 @!p0 $0x1082;
	s9 =	sld [smem:$0x3FB0]  }
0x2f: {  	lr =	sadd.s32 s0, s3;
	s0 =	sld [smem:$0x3FA7]  }
0x30: {  	s3 =	sld [smem:$0x3FAA]  }
0x31: {  	[smem:$0x3FB3] =	sst s10  }
0x32: {  	s10 =	sld [smem:$0x3FB1];
	_ =	sdelay $0x3  }
0x33: {  	p0 =	seq.s32 s10, $0x1;
	s10 =	sld [smem:$0x3FB3];
	_ =	sdelay $0x3  }
0x34: {  	[smem:$0x3FB3] =	sst s10  }
0x35: {  	s10 =	sld [smem:$0x3FB2];
	_ =	sdelay $0x3  }
0x36: {  	p1 =	seq.s32 s10, $0x1;
	s10 =	sld [smem:$0x3FB3];
	_ =	sdelay $0x3  }
0x37: {  	[smem:$0x3FB3] =	sst s10  }
0x38: {  	s10 =	sld [smem:$0x3FB4]  }
0x39: {  	_ = 	snop;
	(pc) =	sbr.ind lr, $3  }
0x3a: {  	_ = 	snop  }
0x3b: {  	_ = 	snop  }
0x3c: {  	p2 =	seq.s32 s10, $0x1;
	s10 =	sld [smem:$0x3FB3]  }
0x3d: {  	_ =	shalt  }
0x3e: {  	_ =	shalt  }
0x3f: {  	_ =	shalt  }
0x40: {  	_ =	shalt  }
0x41: {  	_ =	shalt  }
0x42: {  	_ =	shalt  }
0x43: {  	_ =	shalt  }
0x44: {  	_ =	shalt  }
0x45: {  	_ =	shalt  }
0x46: {  	_ =	shalt  }
0x47: {  	_ =	shalt  }
0x48: {  	_ =	shalt  }
0x49: {  	_ =	shalt  }
0x4a: {  	_ =	shalt  }
0x4b: {  	_ =	shalt  }
0x4c: {  	_ =	shalt  }
0x4d: {  	_ =	shalt  }
0x4e: {  	_ =	shalt  }
0x4f: {  	_ =	shalt  }
0x50: {  	_ =	shalt  }
0x51: {  	_ =	shalt  }
0x52: {  	_ =	shalt  }
0x53: {  	_ =	shalt  }
0x54: {  	_ =	shalt  }
0x55: {  	_ =	shalt  }
0x56: {  	_ =	shalt  }
0x57: {  	_ =	shalt  }
0x58: {  	_ =	shalt  }
0x59: {  	_ =	shalt  }
0x5a: {  	_ =	shalt  }
0x5b: {  	_ =	shalt  }
0x5c: {  	_ =	shalt  }
0x5d: {  	_ =	shalt  }
0x5e: {  	_ =	shalt  }
0x5f: {  	_ =	shalt  }
0x60: {  	_ =	shalt  }
0x61: {  	_ =	shalt  }
0x62: {  	_ =	shalt  }
0x63: {  	_ =	shalt  }
0x64: {  	_ =	shalt  }
0x65: {  	_ =	shalt  }
0x66: {  	_ =	shalt  }
0x67: {  	_ =	shalt  }
0x68: {  	_ =	shalt  }
0x69: {  	_ =	shalt  }
0x6a: {  	_ =	shalt  }
0x6b: {  	_ =	shalt  }
0x6c: {  	_ =	shalt  }
0x6d: {  	_ =	shalt  }
0x6e: {  	_ =	shalt  }
0x6f: {  	_ =	shalt  }
0x70: {  	_ =	shalt  }
0x71: {  	_ =	shalt  }
0x72: {  	_ =	shalt  }
0x73: {  	_ =	shalt  }
0x74: {  	_ =	shalt  }
0x75: {  	_ =	shalt  }
0x76: {  	_ =	shalt  }
0x77: {  	_ =	shalt  }
0x78: {  	_ =	shalt  }
0x79: {  	_ =	shalt  }
0x7a: {  	_ =	shalt  }
0x7b: {  	_ =	shalt  }
0x7c: {  	_ =	shalt  }
0x7d: {  	_ =	shalt  }
0x7e: {  	_ =	shalt  }
0x7f: {  	_ =	shalt  }
0x80: {  	_ =	shalt  }
0x81: {  	_ =	shalt  }
0x82: {  	_ =	shalt  }
0x83: {  	_ =	shalt  }
0x84: {  	_ =	shalt  }
0x85: {  	_ =	shalt  }
0x86: {  	_ =	shalt  }
0x87: {  	_ =	shalt  }
.Lfunc_end0:
.L_simem_size_0:
called_computation.1_lowered:
.L_overlay_start_0:
0x88: {  	s2 =	sld [smem:$0x3FD9]  }
0x89: {  	s3 =	sld [smem:$0x3FFE];
	_ =	sdelay $0x1  }
0x8a: {  	s1 =	srdreg.scid  }
0x8b: {  	s0 =	sand.u32 $0x1, s1  }
0x8c: {  	s17 =	sshll.u32 s0, $0xA;
	s2 =	sadd.s32 s3, s2  }
0x8d: {  	s2 =	sadd.s32 s2, s17  }
0x8e: {  	[smem:$0x3FBF] =	sst s2  }
0x8f: {  	_ = 	snop  }
0x90: {  	s2 =	sld [smem:$0x3FD0];
	(tm) =	ssettm $0x1  }
0x91: {  	s18 =	sld [smem:$0x3FFB];
	_ =	sdelay $0x3  }
0x92: {  	_ =	strace s18  }
0x93: {  	s3 =	sld [smem:$0x3FFC];
	_ =	sdelay $0x3  }
0x94: {  	_ =	strace s3  }
0x95: {  	s3 =	sld [smem:$0x3FFD];
	_ =	sdelay $0x3  }
0x96: {  	_ =	strace s3  }
0x97: {  	_ =	strace $0x8FFFFFFF  }
0x98: {  	s19 =	sld [smem:$0x3FDB];
	_ =	sdelay $0x1  }
0x99: {  	s4 =	simm.s32 $_scs_section_size  }
0x9a: {  	s5 =	simm.s32 $_size__tile_overlayer_lowered;
	s6 =	simm.s32 $_tile_overlayer_lowered  }
0x9b: {  	s22 =	simm.s32 $0x1BFF;
	s21 =	sshll.u32 s6, $0x1;
	s3 =	sadd.s32 s4, s19  }
0x9c: {  	s7 =	simm.s32 $0x0;
	s20 =	sshll.u32 s5, $0x1;
	s5 =	sadd.s32 s21, s3  }
0x9d: {  	[timem:s7], [sflag:s22] =	dma.local [hbm:s5], s20  }
0x9e: {  	_ =	swait.ge [sflag:s22], s20  }
0x9f: {  	s4 =	ssub.s32 $0x0, s20;
	[sflag:s22] =	ssyncset.done $0x0  }
0xa0: {  	[sflag:s22] =	ssyncadd.s32 s4;
	_ =	sdelay $0x1  }
0xa1: {  	s23 =	simm.s32 $0x1B8B  }
0xa2: {  	_ =	swait.ge [sflag:s23], $0x1  }
0xa3: {  	[sflag:s23] =	ssyncset.done $0x0  }
0xa4: {  	s25 =	simm.s32 $0x1B8E;
	s24 =	sld [smem:$0x3FFE];
	[sflag:s23] =	ssyncadd.s32 $0xFFFFFFFF  }
0xa5: {  	s26 =	simm.s32 $execute0_lowered;
	[smem:$0x3FD2] =	sst s25  }
0xa6: {  	s5 =	sshll.u32 s26, $0x1;
	_ =	strace $0x80000049;
	[dreg:$0x1] =	wrdreg $0xFFFFFFFF  }
0xa7: {  	s28 =	simm.s32 $_size_execute0_lowered;
	s3 =	sadd.s32 s3, s5;
	[dreg:$0x0] =	wrdreg $0x0  }
0xa8: {  	s5 =	sshll.u32 s28, $0x1;
	[dreg:$0x2] =	wrdreg s3  }
0xa9: {  	[dreg:$0x3] =	wrdreg s5  }
0xaa: {  	[dreg:$0x4] =	wrdreg $0xC0  }
0xab: {  	_ =	task [dreg:s7], $0x5FFFF  }
0xac: {  	[dreg:$0x1] =	wrdreg $0xFFFFFFFF  }
0xad: {  	[dreg:$0x0] =	wrdreg $0x60  }
0xae: {  	[dreg:$0x2] =	wrdreg s24  }
0xaf: {  	[dreg:$0x3] =	wrdreg s2  }
0xb0: {  	[dreg:$0x4] =	wrdreg $0x9  }
0xb1: {  	_ =	task.clear_ibuf [dreg:s7], $0x5FFFF;
	_ =	strace $0x90000049  }
0xb2: {  	s29 =	simm.s32 $0x9;
	_ =	strace $0x8000004B  }
0xb3: {  	_ =	swait.ge [sflag:s29], $0x1  }
0xb4: {  	[sflag:s29] =	ssyncadd.s32 $0xFFFFFFFF  }
0xb5: {  	_ =	strace $0x9000004B  }
0xb6: {  	_ =	sfence  }
0xb7: {  	s30 =	sld [smem:$0x0];
	_ =	sdelay $0x2  }
0xb8: {  	s31 =	sshll.u32 s1, $0xD;
	s1 =	sshrl.u32 s1, $0x2  }
0xb9: {  	s3 =	sand.u32 $0x4000, s31;
	s1 =	sadd.s32 s1, s30  }
0xba: {  	s0 =	sor.u32 s3, s0;
	s1 =	sshll.u32 s1, $0x11  }
0xbb: {  	s0 =	sor.u32 s1, s0  }
0xbc: {  	s0 =	sadd.s32 $0x8F2B, s0  }
0xbd: {  	[sflag:s0] =	ssyncadd.remote.s32 $0x1  }
0xbe: {  	_ =	sfence.sel $0xFFFF  }
0xbf: {  	[dreg:$0x0] =	wrdreg $0xFFFFFFFF;
	(pc) =	sbr.abs _section_cstart, $3  }
0xc0: {  	[dreg:$0x1] =	wrdreg $0xFFFFFFFF  }
0xc1: {  	_ =	task.clear_ibuf [dreg:s7], $0x2FFFF;
	_ =	strace $0x9FFFFFFF  }
0xc2: {  	(tm) =	ssettm $0x7FFFFFFF  }
0xc3: {  	_ =	shalt  }
tec
execute0_lowered:
.L_overlay_start_1:
0x0: {  	(tag) =	ssettag $0x1  }
0x1: {  	s1 =	srdreg.scid  }
0x2: {  	s0 =	stileid.u32;
	s16 =	sand.u32 $0x1, s1  }
0x3: {  	s11 =	rddreg [dreg:$0x0];
	s30 =	sshll.u32 s0, $0x5;
	s2 =	sshll.u32 s16, $0x4  }
0x4: {  	s18 =	rddreg [dreg:$0x1];
	s19 =	sor.u32 s2, s30  }
0x5: {  	s1 =	rddreg [dreg:$0x2];
	s2 =	simm.s32 $0x0;
	s3 =	sshrl.u32 s19, $0x3  }
0x6: {  	[smem:$0x7FF] =	sst s2;
	s3 =	sadd.s32 s3, s11  }
0x7: {  	_ =	strace $0x8000004A;
	s4 =	sadd.s32 $0xE00, s3;
	s3 =	simm.s32 $0x2  }
0x8: {  	[tilespmem:s2], [sflag:$0x2] =	stream.linear.gather [hbm4b:s4+s2], $0x10, $0x38;
	[tilespmem:$0x4080] =	vst v63  }
0x9: {  	_ =	swait.ge [sflag:s3], $0x10  }
0xa: {  	[sflag:s3] =	ssyncset.done $0x0  }
0xb: {  	[sflag:s3] =	ssyncadd.s32 $0xFFFFFFF0  }
0xc: {  	v0 =	vld [tilespmem:$0x0];
	_ =	sdelay $0x4  }
0xd: {  	v1 =	vshll.u32 v0, $0x3  }
0xe: {  	v2 =	vlaneseq.u32;
	v3 =	vand.u32 $0x7, v0;
	v1 =	vand.u32 $0xFFFFFFC0, v1  }
0xf: {  	v4 =	vshrl.u32 v2, $0x3;
	v0 =	vand.u32 $0x7, v2;
	v3 =	vor.u32 v3, v1  }
0x10: {  	v1 =	vmul.u32 $0x8, v4;
	v63 =	vperm.xlane v3, v0;
	_ =	sdelay $0x1  }
0x11: {  	v4 =	vadd.s32 v1, v63;
	_ =	sdelay $0x3  }
0x12: {  	vm0 =	vmmov $0xffff;
	s6 =	simm.s32 $0x80;
	s5 =	sadd.s32 $0x1000, s11  }
0x13: {  	v2 =	vor.u32 $0x8, v2;
	[tilespmem:s6], [sflag:$0x1] =	stream.indirect_vreg.gather [hbm4b:s5+s2], $0x80, v4, vm0, $0xb8;
	[tilespmem:$0x4080] =	vst v63  }
0x14: {  	s8 =	simm.s32 $0x880;
	s7 =	sadd.s32 $0x1100, s11;
	v3 =	vperm.xlane v3, v2  }
0x15: {  	[tilespmem:s8], [sflag:$0x1] =	stream.indirect_vreg.gather [hbm4b:s7+s2], $0x80, v4, vm0, $0xb8;
	[tilespmem:$0x4080] =	vst v63  }
0x16: {  	s10 =	simm.s32 $0x1080;
	s9 =	sadd.s32 $0x1200, s11;
	v3 =	vadd.s32 v1, v3  }
0x17: {  	[tilespmem:s10], [sflag:$0x1] =	stream.indirect_vreg.gather [hbm4b:s9+s2], $0x80, v4, vm0, $0xb8;
	[tilespmem:$0x4080] =	vst v63  }
0x18: {  	s12 =	simm.s32 $0x1880;
	s11 =	sadd.s32 $0x1300, s11  }
0x19: {  	[tilespmem:s12], [sflag:$0x1] =	stream.indirect_vreg.gather [hbm4b:s11+s2], $0x80, v4, vm0, $0xb8;
	[tilespmem:$0x4080] =	vst v63  }
0x1a: {  	s13 =	simm.s32 $0x2080;
	s20 =	ssub.s32 $0x2, s16  }
0x1b: {  	[tilespmem:s13], [sflag:$0x1] =	stream.indirect_vreg.gather [hbm4b:s5+s2], $0x80, v3, vm0, $0xb8;
	[tilespmem:$0x4080] =	vst v63  }
0x1c: {  	s14 =	simm.s32 $0x2880;
	s21 =	sshrl.u32 s20, $0x1  }
0x1d: {  	[tilespmem:s14], [sflag:$0x1] =	stream.indirect_vreg.gather [hbm4b:s7+s2], $0x80, v3, vm0, $0xb8;
	[tilespmem:$0x4080] =	vst v63  }
0x1e: {  	s15 =	simm.s32 $0x3080;
	s20 =	ssub.s32 s20, s21  }
0x1f: {  	[tilespmem:s15], [sflag:$0x1] =	stream.indirect_vreg.gather [hbm4b:s9+s2], $0x80, v3, vm0, $0xb8;
	[tilespmem:$0x4080] =	vst v63  }
0x20: {  	s17 =	simm.s32 $0x1;
	s16 =	simm.s32 $0x3880;
	s31 =	smax.u32 s20, $0x1  }
0x21: {  	[tilespmem:s16], [sflag:$0x1] =	stream.indirect_vreg.gather [hbm4b:s11+s2], $0x80, v3, vm0, $0xb8;
	[tilespmem:$0x4080] =	vst v63  }
0x22: {  	p0 =	sne.s32 s31, $0x1;
	_ =	swait.ge [sflag:s17], $0x4000  }
.Ltmp0:
0x23: {  	s19 =	sshll.u32 s19, $0x7;
	[sflag:s17] =	ssyncset.done $0x0;
	(pc) =	sbr.rel @!p0 .LBB2_2-.Ltmp0, $4  }
0x24: {  	s18 =	sadd.s32 s18, s19;
	[sflag:s17] =	ssyncadd.s32 $0xFFFFC000  }
0x25: {  	[hbm4b:s18+s2] =	stream.linear.scatter [tilespmem:s6], [sflag:$0x2], $0x4000, $0x38;
	[tilespmem:$0x4080] =	vst v63  }
0x26: {  	_ =	swait.ge [sflag:s3], $0x4000  }
0x27: {  	s19 =	sadd.s32 $0xFFFFFFFF, s31;
	[sflag:s3] =	ssyncset.done $0x0  }
.LBB2_1:
0x28: {  	p0 =	sne.s32 s19, $0x1;
	s19 =	sadd.s32 $0xFFFFFFFF, s19;
	[sflag:s3] =	ssyncadd.s32 $0xFFFFC000  }
0x29: {  	[tilespmem:s2], [sflag:$0x2] =	stream.linear.gather [hbm4b:s4+s2], $0x10, $0x38;
	[tilespmem:$0x4080] =	vst v63  }
0x2a: {  	_ =	swait.ge [sflag:s3], $0x10  }
0x2b: {  	[sflag:s3] =	ssyncset.done $0x0  }
0x2c: {  	[sflag:s3] =	ssyncadd.s32 $0xFFFFFFF0  }
0x2d: {  	v3 =	vld [tilespmem:$0x0];
	_ =	sdelay $0x4  }
0x2e: {  	v4 =	vshll.u32 v3, $0x3  }
0x2f: {  	v3 =	vand.u32 $0x7, v3;
	v4 =	vand.u32 $0xFFFFFFC0, v4  }
0x30: {  	v3 =	vor.u32 v3, v4  }
0x31: {  	v4 =	vperm.xlane v3, v0;
	v3 =	vperm.xlane v3, v2;
	_ =	sdelay $0x1  }
0x32: {  	v4 =	vadd.s32 v1, v4;
	_ =	sdelay $0x4  }
0x33: {  	[tilespmem:s6], [sflag:$0x1] =	stream.indirect_vreg.gather [hbm4b:s5+s2], $0x80, v4, vm0, $0xb8;
	[tilespmem:$0x4080] =	vst v63  }
0x34: {  	_ = 	snop  }
0x35: {  	[tilespmem:s8], [sflag:$0x1] =	stream.indirect_vreg.gather [hbm4b:s7+s2], $0x80, v4, vm0, $0xb8;
	[tilespmem:$0x4080] =	vst v63  }
0x36: {  	v3 =	vadd.s32 v1, v3  }
0x37: {  	[tilespmem:s10], [sflag:$0x1] =	stream.indirect_vreg.gather [hbm4b:s9+s2], $0x80, v4, vm0, $0xb8;
	[tilespmem:$0x4080] =	vst v63  }
0x38: {  	_ = 	snop  }
0x39: {  	[tilespmem:s12], [sflag:$0x1] =	stream.indirect_vreg.gather [hbm4b:s11+s2], $0x80, v4, vm0, $0xb8;
	[tilespmem:$0x4080] =	vst v63  }
0x3a: {  	_ = 	snop  }
0x3b: {  	[tilespmem:s13], [sflag:$0x1] =	stream.indirect_vreg.gather [hbm4b:s5+s2], $0x80, v3, vm0, $0xb8;
	[tilespmem:$0x4080] =	vst v63  }
0x3c: {  	_ = 	snop  }
0x3d: {  	[tilespmem:s14], [sflag:$0x1] =	stream.indirect_vreg.gather [hbm4b:s7+s2], $0x80, v3, vm0, $0xb8;
	[tilespmem:$0x4080] =	vst v63  }
0x3e: {  	_ = 	snop  }
0x3f: {  	[tilespmem:s15], [sflag:$0x1] =	stream.indirect_vreg.gather [hbm4b:s9+s2], $0x80, v3, vm0, $0xb8;
	[tilespmem:$0x4080] =	vst v63  }
0x40: {  	_ = 	snop  }
0x41: {  	[tilespmem:s16], [sflag:$0x1] =	stream.indirect_vreg.gather [hbm4b:s11+s2], $0x80, v3, vm0, $0xb8;
	[tilespmem:$0x4080] =	vst v63  }
0x42: {  	_ =	swait.ge [sflag:s17], $0x4000  }
.Ltmp1:
0x43: {  	[sflag:s17] =	ssyncset.done $0x0;
	(pc) =	sbr.rel @p0 .LBB2_1-.Ltmp1, $4  }
0x44: {  	[sflag:s17] =	ssyncadd.s32 $0xFFFFC000  }
0x45: {  	[hbm4b:s18+s2] =	stream.linear.scatter [tilespmem:s6], [sflag:$0x2], $0x4000, $0x38;
	[tilespmem:$0x4080] =	vst v63  }
0x46: {  	_ =	swait.ge [sflag:s3], $0x4000  }
0x47: {  	[sflag:s3] =	ssyncset.done $0x0  }
.LBB2_2:
0x48: {  	[sflag:s3] =	ssyncadd.s32 $0xFFFFC000  }
0x49: {  	_ =	sfence.sel $0x180000  }
0x4a: {  	[bflag:$0x0] =	sbarrier.arrive $0xFFFF  }
0x4b: {  	p0 =	sne.s32 s0, $0x0;
	_ =	strace $0x9000004A  }
0x4c: {  	s0 =	sadd.s32 @!p0 $0x100000, s1;
	[bflag:$0x2] =	sbarrier.arrive $0xFFFF  }
0x4d: {  	[sflag:s0] =	ssyncadd.tile.s32 @!p0 $0x1;
	_ =	shalt  }
.Lfunc_end2:
_tile_overlayer_lowered:
.L_overlay_start_2:
0x4e: {  	(tag) =	ssettag $0x2  }
0x4f: {  	s0 =	rddreg [dreg:$0x0];
	s2 =	stileid.u32  }
0x50: {  	s1 =	rddreg [dreg:$0x1];
	p0 =	sne.s32 s2, $0x0  }
0x51: {  	s3 =	rddreg [dreg:$0x2];
	[bflag:$0x3] =	sbarrier.arrive $0xFFFF;
	s2 =	simm.s32 @!p0 $0x1C02  }
0x52: {  	[timem:s3], [sflag:s2] =	dma.local @!p0 [hbm:s0], s1  }
0x53: {  	s0 =	simm.s32 @!p0 $0x2  }
0x54: {  	_ =	swait.ge @!p0 [sflag:s0], s1  }
0x55: {  	s1 =	ssub.s32 @!p0 $0x0, s1;
	[sflag:s0] =	ssyncset.done @!p0 $0x0  }
0x56: {  	[sflag:s0] =	ssyncadd.s32 @!p0 s1  }
0x57: {  	[bflag:$0x3] =	sbarrier.arrive $0xFFFF  }
0x58: {  	_ =	shalt  }

</sc_bundles>
